<compile_context>
chip_gen: v7x
topology: tpu7x:2x2x1
jax: 0.10.2.dev20260603
libtpu: 0.0.44.dev20260713+nightly
codegen_flags: <defaults>
</compile_context>

<pallas_src>
import functools

import jax
import jax.numpy as jnp
from jax import lax
from jax.experimental import pallas as pl
from jax.experimental.pallas import tpu as pltpu
from jax.experimental.pallas import tpu_sc as plsc

_B, _N, _F = 4, 4096, 125
_S, _NS = 512, 64
_IN_CH = 3 + _F
_R2 = 0.2 ** 2
_NW = 32
_RPW = (_B * _S) // _NW
_GROWS = _RPW * _NS
_CHUNK = 256
_ROWBLK = 1024
_NBLK = (_S * _NS) // _ROWBLK


def _dg(a, b):
    return lax.dot_general(a, b, (((1,), (1,)), ((), ())),
                           preferred_element_type=jnp.float32)


def _fps_body(px_ref, py_ref, pz_ref, sx_ref, sy_ref, sz_ref,
              cx_ref, cy_ref, cz_ref):
    pos = (lax.broadcasted_iota(jnp.int32, (_N // 128, 128), 0) * 128
           + lax.broadcasted_iota(jnp.int32, (_N // 128, 128), 1))
    pos4 = (lax.broadcasted_iota(jnp.int32, (_S // 128, 128), 0) * 128
            + lax.broadcasted_iota(jnp.int32, (_S // 128, 128), 1))
    pxs = [px_ref[b] for b in range(_B)]
    pys = [py_ref[b] for b in range(_B)]
    pzs = [pz_ref[b] for b in range(_B)]

    def body(i, st):
        accs, dists, fars = st
        sel = pos4 == i
        new_accs, new_dists, new_fars = [], [], []
        for b in range(_B):
            xa, ya, za = accs[b]
            f = fars[b]
            cx = sx_ref[b, f]
            cy = sy_ref[b, f]
            cz = sz_ref[b, f]
            xa = jnp.where(sel, cx, xa)
            ya = jnp.where(sel, cy, ya)
            za = jnp.where(sel, cz, za)
            dx = pxs[b] - cx
            dy = pys[b] - cy
            dz = pzs[b] - cz
            d = (dx * dx + dy * dy) + dz * dz
            db = jnp.minimum(dists[b], d)
            cm = jnp.max(db, axis=0, keepdims=True)
            for s in (1, 2, 4, 8, 16, 32, 64):
                cm = jnp.maximum(cm, pltpu.roll(cm, s, axis=1))
            far = jnp.min(jnp.where(db == cm, pos, _N))
            new_accs.append((xa, ya, za))
            new_dists.append(db)
            new_fars.append(far)
        return (tuple(new_accs), tuple(new_dists), tuple(new_fars))

    init_accs = tuple((jnp.zeros((_S // 128, 128), jnp.float32),
                       jnp.zeros((_S // 128, 128), jnp.float32),
                       jnp.zeros((_S // 128, 128), jnp.float32))
                      for _ in range(_B))
    init_dists = tuple(jnp.full((_N // 128, 128), 1e10, jnp.float32)
                       for _ in range(_B))
    init_fars = tuple(jnp.int32(0) for _ in range(_B))
    accs, _, _ = lax.fori_loop(0, _S, body, (init_accs, init_dists, init_fars))
    for b in range(_B):
        xa, ya, za = accs[b]
        cx_ref[b] = xa
        cy_ref[b] = ya
        cz_ref[b] = za


def _run_fps(px, py, pz, sx, sy, sz):
    outs = pl.pallas_call(
        _fps_body,
        in_specs=[
            pl.BlockSpec((_B, _N // 128, 128), lambda: (0, 0, 0)),
            pl.BlockSpec((_B, _N // 128, 128), lambda: (0, 0, 0)),
            pl.BlockSpec((_B, _N // 128, 128), lambda: (0, 0, 0)),
            pl.BlockSpec(memory_space=pltpu.SMEM),
            pl.BlockSpec(memory_space=pltpu.SMEM),
            pl.BlockSpec(memory_space=pltpu.SMEM),
        ],
        out_shape=[jax.ShapeDtypeStruct((_B, _S // 128, 128), jnp.float32),
                   jax.ShapeDtypeStruct((_B, _S // 128, 128), jnp.float32),
                   jax.ShapeDtypeStruct((_B, _S // 128, 128), jnp.float32)],
    )(px, py, pz, sx, sy, sz)
    return [o.reshape(_B, _S) for o in outs]


def _sc_ballgather_body(pts_ref, cent_ref, table_ref, out_ref,
                        pts_v, cent_v, idx_v, rows_v0, rows_v1, sem0, sem1):
    cid = lax.axis_index("c")
    sid = lax.axis_index("s")
    w = sid * 2 + cid
    b = w // (_NW // _B)
    pltpu.sync_copy(pts_ref.at[b], pts_v)
    pltpu.sync_copy(cent_ref.at[pl.ds(w * _RPW, _RPW)], cent_v)
    base_val = b * _N
    r2 = jnp.float32(_R2)
    iota = lax.iota(jnp.int32, 16)

    def row_body(r, carry):
        cv = cent_v[r, pl.ds(0, 16)]
        cenx = cv[0]
        ceny = cv[1]
        cenz = cv[2]

        def wbody(c, off):
            o = c * 16
            xv = pts_v[0, pl.ds(o, 16)]
            yv = pts_v[1, pl.ds(o, 16)]
            zv = pts_v[2, pl.ds(o, 16)]
            dx = xv - cenx
            dy = yv - ceny
            dz = zv - cenz
            dd = (dx * dx + dy * dy) + dz * dz
            mask = dd <= r2
            inc = plsc.cumsum(jnp.where(mask, 1, 0).astype(jnp.int32))
            rank = off + inc - 1
            valid = jnp.logical_and(mask, rank < _NS)
            posv = o + iota + base_val
            plsc.store_scatter(idx_v, [r * _NS + rank], posv, mask=valid)
            cnt = jnp.max(inc)
            return off + cnt

        off_fin = lax.fori_loop(0, _N // 16, wbody, jnp.int32(0))
        count = jnp.minimum(off_fin, _NS)
        first = idx_v[pl.ds(r * _NS, 16)][0]
        for k in range(_NS // 16):
            lpos = k * 16 + iota
            cur = idx_v[pl.ds(r * _NS + k * 16, 16)]
            idx_v[pl.ds(r * _NS + k * 16, 16)] = jnp.where(
                lpos < count, cur, first)
        return carry

    lax.fori_loop(0, _RPW, row_body, jnp.int32(0))

    bufs = (rows_v0, rows_v1)
    sems = (sem0, sem1)
    nch = _GROWS // _CHUNK

    def _issue(c):
        return pltpu.async_copy(
            table_ref.at[idx_v.at[pl.ds(c * _CHUNK, _CHUNK)]],
            bufs[c % 2], sems[c % 2])

    cp = _issue(0)
    for c in range(nch):
        cp.wait()
        if c + 1 < nch:
            cp = _issue(c + 1)
        buf = bufs[c % 2]

        def sgroup(g, carry2, _c=c, _buf=buf):
            sl = _c * (_CHUNK // _NS) + g
            cv = cent_v[sl, pl.ds(0, 16)]
            subv = jnp.where(iota < 3, cv, jnp.float32(0.0))

            def rsub(j, carry3):
                ro = g * _NS + j
                _buf[ro, pl.ds(0, 16)] = _buf[ro, pl.ds(0, 16)] - subv
                return carry3

            return lax.fori_loop(0, _NS, rsub, carry2)

        lax.fori_loop(0, _CHUNK // _NS, sgroup, jnp.int32(0))
        pltpu.sync_copy(buf,
                        out_ref.at[pl.ds(w * _GROWS + c * _CHUNK, _CHUNK)])


def _run_ballgather(pts, cent2, table):
    mesh = plsc.VectorSubcoreMesh(core_axis_name="c", subcore_axis_name="s",
                                  num_cores=2, num_subcores=16)
    fn = pl.kernel(
        _sc_ballgather_body,
        out_type=jax.ShapeDtypeStruct((_B * _S * _NS, _IN_CH), jnp.float32),
        mesh=mesh,
        scratch_types=[
            pltpu.VMEM((3, _N), jnp.float32),
            pltpu.VMEM((_RPW, 16), jnp.float32),
            pltpu.VMEM((_GROWS,), jnp.int32),
            pltpu.VMEM((_CHUNK, _IN_CH), jnp.float32),
            pltpu.VMEM((_CHUNK, _IN_CH), jnp.float32),
            pltpu.SemaphoreType.DMA,
            pltpu.SemaphoreType.DMA,
        ],
        compiler_params=pltpu.CompilerParams(needs_layout_passes=False),
    )
    return fn(pts, cent2, table)


def _tnet1_body(g_ref, w1_ref, b1_ref, w2_ref, b2_ref, out_ref):
    j = pl.program_id(1)
    h = jnp.maximum(_dg(g_ref[...], w1_ref[...]) + b1_ref[...][None, :], 0.0)
    h = jnp.maximum(_dg(h, w2_ref[...]) + b2_ref[...][None, :], 0.0)
    local = jnp.max(h, axis=0, keepdims=True)[None]

    @pl.when(j == 0)
    def _():
        out_ref[...] = local

    @pl.when(j > 0)
    def _():
        out_ref[...] = jnp.maximum(out_ref[...], local)


def _run_tnet1(g, t1w1, t1b1, t1w2, t1b2):
    return pl.pallas_call(
        _tnet1_body,
        grid=(_B, _NBLK),
        in_specs=[
            pl.BlockSpec((_ROWBLK, _IN_CH), lambda b, j: (b * _NBLK + j, 0)),
            pl.BlockSpec((64, _IN_CH), lambda b, j: (0, 0)),
            pl.BlockSpec((64,), lambda b, j: (0,)),
            pl.BlockSpec((128, 64), lambda b, j: (0, 0)),
            pl.BlockSpec((128,), lambda b, j: (0,)),
        ],
        out_specs=pl.BlockSpec((1, 1, 128), lambda b, j: (b, 0, 0)),
        out_shape=jax.ShapeDtypeStruct((_B, 1, 128), jnp.float32),
        compiler_params=pltpu.CompilerParams(
            dimension_semantics=("arbitrary", "arbitrary")),
    )(g, t1w1, t1b1, t1w2, t1b2)


def _tfc_body(k, gmax_ref, wf_ref, bf_ref, out_ref):
    t = lax.dot_general(gmax_ref[...], wf_ref[...],
                        (((1,), (0,)), ((), ())),
                        preferred_element_type=jnp.float32)
    t = t + bf_ref[...][None, :]
    col = lax.broadcasted_iota(jnp.int32, (_B, k * k), 1)
    eye = (col // k) == (col % k)
    out_ref[...] = t + jnp.where(eye, 1.0, 0.0)


def _run_tfc(gmax, wf, bf, k):
    return pl.pallas_call(
        functools.partial(_tfc_body, k),
        out_shape=jax.ShapeDtypeStruct((_B, k * k), jnp.float32),
    )(gmax, wf, bf)


def _mid_body(g_ref, t_ref, c1w_ref, c1b_ref, w1_ref, b1_ref, w2_ref, b2_ref,
              h1_ref, out_ref):
    j = pl.program_id(1)
    ht = _dg(g_ref[...], t_ref[0])
    h1 = jnp.maximum(_dg(ht, c1w_ref[...]) + c1b_ref[...][None, :], 0.0)
    h1_ref[...] = h1
    u = jnp.maximum(_dg(h1, w1_ref[...]) + b1_ref[...][None, :], 0.0)
    v = jnp.maximum(_dg(u, w2_ref[...]) + b2_ref[...][None, :], 0.0)
    local = jnp.max(v, axis=0, keepdims=True)[None]

    @pl.when(j == 0)
    def _():
        out_ref[...] = local

    @pl.when(j > 0)
    def _():
        out_ref[...] = jnp.maximum(out_ref[...], local)


def _run_mid(g, inT, c1w, c1b, t2w1, t2b1, t2w2, t2b2):
    return pl.pallas_call(
        _mid_body,
        grid=(_B, _NBLK),
        in_specs=[
            pl.BlockSpec((_ROWBLK, _IN_CH), lambda b, j: (b * _NBLK + j, 0)),
            pl.BlockSpec((1, _IN_CH, _IN_CH), lambda b, j: (b, 0, 0)),
            pl.BlockSpec((64, _IN_CH), lambda b, j: (0, 0)),
            pl.BlockSpec((64,), lambda b, j: (0,)),
            pl.BlockSpec((64, 64), lambda b, j: (0, 0)),
            pl.BlockSpec((64,), lambda b, j: (0,)),
            pl.BlockSpec((128, 64), lambda b, j: (0, 0)),
            pl.BlockSpec((128,), lambda b, j: (0,)),
        ],
        out_specs=[
            pl.BlockSpec((_ROWBLK, 64), lambda b, j: (b * _NBLK + j, 0)),
            pl.BlockSpec((1, 1, 128), lambda b, j: (b, 0, 0)),
        ],
        out_shape=[
            jax.ShapeDtypeStruct((_B * _S * _NS, 64), jnp.float32),
            jax.ShapeDtypeStruct((_B, 1, 128), jnp.float32),
        ],
        compiler_params=pltpu.CompilerParams(
            dimension_semantics=("arbitrary", "arbitrary")),
    )(g, inT, c1w, c1b, t2w1, t2b1, t2w2, t2b2)


def _tail_body(h1_ref, t_ref, c2w_ref, c2b_ref, c3w_ref, c3b_ref, out_ref):
    h2 = _dg(h1_ref[...], t_ref[0])
    h3 = jnp.maximum(_dg(h2, c2w_ref[...]) + c2b_ref[...][None, :], 0.0)
    out_ref[...] = jnp.maximum(_dg(h3, c3w_ref[...]) + c3b_ref[...][None, :],
                               0.0)


def _run_tail(h1, feT, c2w, c2b, c3w, c3b):
    return pl.pallas_call(
        _tail_body,
        grid=(_B, _NBLK),
        in_specs=[
            pl.BlockSpec((_ROWBLK, 64), lambda b, j: (b * _NBLK + j, 0)),
            pl.BlockSpec((1, 64, 64), lambda b, j: (b, 0, 0)),
            pl.BlockSpec((128, 64), lambda b, j: (0, 0)),
            pl.BlockSpec((128,), lambda b, j: (0,)),
            pl.BlockSpec((256, 128), lambda b, j: (0, 0)),
            pl.BlockSpec((256,), lambda b, j: (0,)),
        ],
        out_specs=pl.BlockSpec((_ROWBLK, 256), lambda b, j: (b * _NBLK + j, 0)),
        out_shape=jax.ShapeDtypeStruct((_B * _S * _NS, 256), jnp.float32),
        compiler_params=pltpu.CompilerParams(
            dimension_semantics=("arbitrary", "arbitrary")),
    )(h1, feT, c2w, c2b, c3w, c3b)


def kernel(x, points, t1w1, t1b1, t1w2, t1b2, t1wf, t1bf, c1w, c1b,
           t2w1, t2b1, t2w2, t2b2, t2wf, t2bf, c2w, c2b, c3w, c3b):
    px = points[:, :, 0].reshape(_B, _N // 128, 128)
    py = points[:, :, 1].reshape(_B, _N // 128, 128)
    pz = points[:, :, 2].reshape(_B, _N // 128, 128)
    cx, cy, cz = _run_fps(px, py, pz,
                          points[:, :, 0], points[:, :, 1], points[:, :, 2])
    cent = jnp.stack([cx, cy, cz], axis=-1)

    pts = jnp.transpose(points, (0, 2, 1))
    cent2 = jnp.pad(cent.reshape(_B * _S, 3), ((0, 0), (0, 13)))
    table = jnp.concatenate([points, x], axis=-1).reshape(_B * _N, _IN_CH)
    g = _run_ballgather(pts, cent2, table)

    g_xyz_t = jnp.transpose(
        g[:, :3].reshape(_B, _S, _NS, 3), (0, 3, 1, 2))

    g1 = _run_tnet1(g, t1w1, t1b1, t1w2, t1b2).reshape(_B, 128)
    inT_flat = _run_tfc(g1, t1wf, t1bf, _IN_CH)
    inT = inT_flat.reshape(_B, _IN_CH, _IN_CH)
    h1, g2 = _run_mid(g, inT, c1w, c1b, t2w1, t2b1, t2w2, t2b2)
    g2 = g2.reshape(_B, 128)
    feT_flat = _run_tfc(g2, t2wf, t2bf, 64)
    feT = feT_flat.reshape(_B, 64, 64)
    feat_rows = _run_tail(h1, feT, c2w, c2b, c3w, c3b)
    feat = jnp.transpose(
        feat_rows.reshape(_B, _S * _NS, 256), (0, 2, 1)).reshape(
        _B, 256, _S, _NS)
    return (cent, g_xyz_t, feat, inT, feT)

# --- scband reference (transcript-rebuilt; emitter-appended) ---
"""Pipeline reference for scband-set-apstraction-layer-84808424227388 (READ-ONLY COPY).

The authoritative reference and input builder live on the scoring server;
editing this copy changes nothing except your own understanding.
"""

import jax, jax.numpy as jnp
import numpy as np

B, N, F = 4, 4096, 125
S, NS = 512, 64
RADIUS = 0.2
IN_CH = 3 + F

def _conv(x, w, b):
    return jnp.einsum('oc,bcsn->bosn', w, x) + b[None, :, None, None]

def _fps(xyz, n_c):
    b, n, _ = xyz.shape
    def body(i, state):
        idxs, dists, far = state
        idxs = idxs.at[:, i].set(far)
        cen = jnp.take_along_axis(xyz, jnp.broadcast_to(far[:, None, None], (b, 1, 3)), axis=1)
        d = jnp.sum((xyz - cen) ** 2, axis=-1)
        dists = jnp.minimum(dists, d)
        far = jnp.argmax(dists, axis=-1).astype(jnp.int32)
        return (idxs, dists, far)
    init = (jnp.zeros((b, n_c), jnp.int32), jnp.full((b, n), 1e10, jnp.float32), jnp.zeros((b,), jnp.int32))
    idxs, _, _ = jax.lax.fori_loop(0, n_c, body, init)
    return idxs

def _ball_query(xyz, cent):
    n = xyz.shape[1]
    d2 = jnp.sum((cent[:, :, None, :] - xyz[:, None, :, :]) ** 2, axis=-1)
    within = d2 <= RADIUS ** 2
    cand = jnp.where(within, jnp.arange(n)[None, None, :], n)
    srt = jnp.sort(cand, axis=-1)[:, :, :NS]
    first = srt[:, :, :1]
    return jnp.where(srt == n, first, srt).astype(jnp.int32)

def _index_points(pts, idx):
    b, s, k = idx.shape
    c = pts.shape[-1]
    flat = idx.reshape(b, s * k)
    out = jnp.take_along_axis(pts, jnp.broadcast_to(flat[:, :, None], (b, s * k, c)), axis=1)
    return out.reshape(b, s, k, c)

def _tnet(x, w1, b1, w2, b2, wf, bf, k):
    h = jax.nn.relu(_conv(x, w1, b1))
    h = jax.nn.relu(_conv(h, w2, b2))
    g = jnp.max(h, axis=(2, 3))
    t = g @ wf + bf
    return t.reshape(-1, k, k) + jnp.eye(k, dtype=x.dtype)[None]

def setup_inputs(seed: int = 0):
    key = jax.random.key(seed)
    ks = jax.random.split(key, 16)
    def w(k, shape, fan_in, scale=1.0):
        return jax.random.normal(k, shape, dtype=jnp.float32) * (scale / np.sqrt(fan_in))
    inp = {}
    inp['x'] = jax.random.normal(ks[0], (B, N, F), dtype=jnp.float32)
    inp['points'] = jax.random.uniform(ks[1], (B, N, 3), dtype=jnp.float32)
    inp['t1w1'] = w(ks[2], (64, IN_CH), IN_CH); inp['t1b1'] = jnp.zeros((64,), jnp.float32)
    inp['t1w2'] = w(ks[3], (128, 64), 64); inp['t1b2'] = jnp.zeros((128,), jnp.float32)
    inp['t1wf'] = w(ks[4], (128, IN_CH * IN_CH), 128, 0.01); inp['t1bf'] = jnp.zeros((IN_CH * IN_CH,), jnp.float32)
    inp['c1w'] = w(ks[5], (64, IN_CH), IN_CH); inp['c1b'] = jnp.zeros((64,), jnp.float32)
    inp['t2w1'] = w(ks[6], (64, 64), 64); inp['t2b1'] = jnp.zeros((64,), jnp.float32)
    inp['t2w2'] = w(ks[7], (128, 64), 64); inp['t2b2'] = jnp.zeros((128,), jnp.float32)
    inp['t2wf'] = w(ks[8], (128, 64 * 64), 128, 0.01); inp['t2bf'] = jnp.zeros((64 * 64,), jnp.float32)
    inp['c2w'] = w(ks[9], (128, 64), 64); inp['c2b'] = jnp.zeros((128,), jnp.float32)
    inp['c3w'] = w(ks[10], (256, 128), 128); inp['c3b'] = jnp.zeros((256,), jnp.float32)
    return inp

def reference(x, points, t1w1, t1b1, t1w2, t1b2, t1wf, t1bf, c1w, c1b, t2w1, t2b1, t2w2, t2b2, t2wf, t2bf, c2w, c2b, c3w, c3b):
    b = points.shape[0]
    fps_idx = _fps(points, S)
    cent = jnp.take_along_axis(points, jnp.broadcast_to(fps_idx[:, :, None], (b, S, 3)), axis=1)
    idx = _ball_query(points, cent)
    g_xyz = _index_points(points, idx) - cent[:, :, None, :]
    g_feat = _index_points(x, idx)
    g_points = jnp.concatenate([g_xyz, g_feat], axis=-1)
    pin = jnp.transpose(g_points, (0, 3, 1, 2))
    inT = _tnet(pin, t1w1, t1b1, t1w2, t1b2, t1wf, t1bf, IN_CH)
    h = jnp.einsum('bij,bjsn->bisn', inT, pin)
    h = jax.nn.relu(_conv(h, c1w, c1b))
    feT = _tnet(h, t2w1, t2b1, t2w2, t2b2, t2wf, t2bf, 64)
    h = jnp.einsum('bij,bjsn->bisn', feT, h)
    h = jax.nn.relu(_conv(h, c2w, c2b))
    feat = jax.nn.relu(_conv(h, c3w, c3b))
    return (cent, jnp.transpose(g_xyz, (0, 3, 1, 2)), feat, inT, feT)

if __name__ == "__main__":
    import jax
    _d = setup_inputs()
    print(jax.jit(kernel)(*tuple(_d.values())))

</pallas_src>

<mosaic_0001>
#map = affine_map<(d0, d1) -> (0, 0, 0)>
#map1 = affine_map<(d0, d1) -> (0, 0)>
module attributes {stable_mosaic.version = 14 : i64} {
  func.func @_sc_ballgather_body(%arg0: i32, %arg1: i32, %arg2: memref<4x3x4096xf32, #tpu.memory_space<hbm>>, %arg3: memref<2048x16xf32, #tpu.memory_space<hbm>>, %arg4: memref<16384x128xf32, #tpu.memory_space<hbm>>, %arg5: memref<131072x128xf32, #tpu.memory_space<hbm>>, %arg6: memref<3x4096xf32, #tpu.memory_space<vmem>>, %arg7: memref<64x16xf32, #tpu.memory_space<vmem>>, %arg8: memref<4096xi32, #tpu.memory_space<vmem>>, %arg9: memref<256x128xf32, #tpu.memory_space<vmem>>, %arg10: memref<256x128xf32, #tpu.memory_space<vmem>>, %arg11: memref<!tpu.dma_semaphore, #tpu.memory_space<semaphore_mem>>, %arg12: memref<!tpu.dma_semaphore, #tpu.memory_space<semaphore_mem>>) attributes {dimension_semantics = [#tpu.dimension_semantics<core_parallel>, #tpu.dimension_semantics<subcore_parallel>], iteration_bounds = array<i64: 2, 16>, scalar_prefetch = 0 : i64, scratch_operands = 7 : i64, tpu.core_type = #tpu.core_type<sc_vector_subcore>, window_params = [{transform_indices = #map}, {transform_indices = #map1}, {transform_indices = #map1}, {transform_indices = #map1}]} {
    %mul3A = arith.constant 2 : i32
    %mul3A_0 = arith.muli %arg1, %mul3A : i32
    %add3A = arith.addi %mul3A_0, %arg0 : i32
    %jit3A = arith.constant 8 : i32
    %div3A = arith.divsi %add3A, %jit3A : i32
    %sign3A = arith.constant 0 : i32
    %sign3A_1 = arith.cmpi sgt, %add3A, %sign3A : i32
    %sign3A_2 = arith.extui %sign3A_1 : i1 to i32
    %sign3A_3 = arith.constant 0 : i32
    %sign3A_4 = arith.cmpi slt, %add3A, %sign3A_3 : i32
    %sign3A_5 = arith.extui %sign3A_4 : i1 to i32
    %sign3A_6 = arith.subi %sign3A_2, %sign3A_5 : i32
    %sign3A_7 = arith.constant 0 : i32
    %sign3A_8 = arith.cmpi sgt, %jit3A, %sign3A_7 : i32
    %sign3A_9 = arith.extui %sign3A_8 : i1 to i32
    %sign3A_10 = arith.constant 0 : i32
    %sign3A_11 = arith.cmpi slt, %jit3A, %sign3A_10 : i32
    %sign3A_12 = arith.extui %sign3A_11 : i1 to i32
    %sign3A_13 = arith.subi %sign3A_9, %sign3A_12 : i32
    %ne3A = arith.cmpi ne, %sign3A_6, %sign3A_13 : i32
    %rem3A = arith.remsi %add3A, %jit3A : i32
    %ne3A_14 = arith.constant 0 : i32
    %ne3A_15 = arith.cmpi ne, %rem3A, %ne3A_14 : i32
    %and3A = arith.andi %ne3A, %ne3A_15 : i1
    %sub3A = arith.constant 1 : i32
    %sub3A_16 = arith.subi %div3A, %sub3A : i32
    %select_n3A = arith.select %and3A, %sub3A_16, %div3A : i32
    "tpu.region"() ({
      %run_scoped3A = tpu.sem_alloc : memref<!tpu.dma_semaphore, #tpu.memory_space<semaphore_mem>>
      %dma_start3A_345 = arith.constant 0 : i32
      %dma_start3A_346 = arith.constant 0 : i32
      %dma_start3A_347 = tpu.memref_slice %arg2[%select_n3A, %dma_start3A_345, %dma_start3A_346] : memref<4x3x4096xf32, #tpu.memory_space<hbm>> -> memref<1x3x4096xf32, #tpu.memory_space<hbm>>
      %dma_start3A_348 = tpu.memref_squeeze %dma_start3A_347 : memref<1x3x4096xf32, #tpu.memory_space<hbm>> -> memref<3x4096xf32, #tpu.memory_space<hbm>>
      %dma_start3A_349 = arith.constant 0 : i32
      %dma_start3A_350 = arith.constant 0 : i32
      %dma_start3A_351 = tpu.memref_slice %arg2[%select_n3A, %dma_start3A_349, %dma_start3A_350] : memref<4x3x4096xf32, #tpu.memory_space<hbm>> -> memref<1x3x4096xf32, #tpu.memory_space<hbm>>
      %dma_start3A_352 = tpu.memref_squeeze %dma_start3A_351 : memref<1x3x4096xf32, #tpu.memory_space<hbm>> -> memref<3x4096xf32, #tpu.memory_space<hbm>>
      tpu.enqueue_dma source(%dma_start3A_352 : memref<3x4096xf32, #tpu.memory_space<hbm>>) target(%arg6 : memref<3x4096xf32, #tpu.memory_space<vmem>>) target_semaphore(%run_scoped3A : memref<!tpu.dma_semaphore, #tpu.memory_space<semaphore_mem>>)
      %dma_wait3A_353 = arith.constant 0 : i32
      %dma_wait3A_354 = arith.constant 0 : i32
      %dma_wait3A_355 = tpu.memref_slice %arg2[%select_n3A, %dma_wait3A_353, %dma_wait3A_354] : memref<4x3x4096xf32, #tpu.memory_space<hbm>> -> memref<1x3x4096xf32, #tpu.memory_space<hbm>>
      %dma_wait3A_356 = tpu.memref_squeeze %dma_wait3A_355 : memref<1x3x4096xf32, #tpu.memory_space<hbm>> -> memref<3x4096xf32, #tpu.memory_space<hbm>>
      %dma_wait3A_357 = arith.constant 0 : i32
      %dma_wait3A_358 = arith.constant 0 : i32
      %dma_wait3A_359 = tpu.memref_slice %arg2[%select_n3A, %dma_wait3A_357, %dma_wait3A_358] : memref<4x3x4096xf32, #tpu.memory_space<hbm>> -> memref<1x3x4096xf32, #tpu.memory_space<hbm>>
      %dma_wait3A_360 = tpu.memref_squeeze %dma_wait3A_359 : memref<1x3x4096xf32, #tpu.memory_space<hbm>> -> memref<3x4096xf32, #tpu.memory_space<hbm>>
      tpu.wait_dma2 semaphore(%run_scoped3A : memref<!tpu.dma_semaphore, #tpu.memory_space<semaphore_mem>>) src(%dma_wait3A_360 : memref<3x4096xf32, #tpu.memory_space<hbm>>) dst(%arg6 : memref<3x4096xf32, #tpu.memory_space<vmem>>)
      tpu.yield
    }) : () -> ()
    %mul3A_17 = arith.constant 64 : i32
    %mul3A_18 = arith.muli %add3A, %mul3A_17 : i32
    "tpu.region"() ({
      %run_scoped3A = tpu.sem_alloc : memref<!tpu.dma_semaphore, #tpu.memory_space<semaphore_mem>>
      %dma_start3A_345 = arith.constant 0 : i32
      %dma_start3A_346 = tpu.memref_slice %arg3[%mul3A_18, %dma_start3A_345] : memref<2048x16xf32, #tpu.memory_space<hbm>> -> memref<64x16xf32, #tpu.memory_space<hbm>>
      %dma_start3A_347 = arith.constant 0 : i32
      %dma_start3A_348 = tpu.memref_slice %arg3[%mul3A_18, %dma_start3A_347] : memref<2048x16xf32, #tpu.memory_space<hbm>> -> memref<64x16xf32, #tpu.memory_space<hbm>>
      tpu.enqueue_dma source(%dma_start3A_348 : memref<64x16xf32, #tpu.memory_space<hbm>>) target(%arg7 : memref<64x16xf32, #tpu.memory_space<vmem>>) target_semaphore(%run_scoped3A : memref<!tpu.dma_semaphore, #tpu.memory_space<semaphore_mem>>)
      %dma_wait3A_349 = arith.constant 0 : i32
      %dma_wait3A_350 = tpu.memref_slice %arg3[%mul3A_18, %dma_wait3A_349] : memref<2048x16xf32, #tpu.memory_space<hbm>> -> memref<64x16xf32, #tpu.memory_space<hbm>>
      %dma_wait3A_351 = arith.constant 0 : i32
      %dma_wait3A_352 = tpu.memref_slice %arg3[%mul3A_18, %dma_wait3A_351] : memref<2048x16xf32, #tpu.memory_space<hbm>> -> memref<64x16xf32, #tpu.memory_space<hbm>>
      tpu.wait_dma2 semaphore(%run_scoped3A : memref<!tpu.dma_semaphore, #tpu.memory_space<semaphore_mem>>) src(%dma_wait3A_352 : memref<64x16xf32, #tpu.memory_space<hbm>>) dst(%arg7 : memref<64x16xf32, #tpu.memory_space<vmem>>)
      tpu.yield
    }) : () -> ()
    %mul3A_19 = arith.constant 4096 : i32
    %mul3A_20 = arith.muli %select_n3A, %mul3A_19 : i32
    %iota3A = tpu.iota {dimensions = array<i32: 0>} : vector<16xi32>
    %scan3A = arith.constant 0 : i32
    %scan3A_21 = arith.constant 4.000000e-02 : f32
    %scan3A_22 = arith.constant 0 : i32
    %scan3A_23 = arith.constant 64 : i32
    %scan3A_24 = arith.addi %scan3A_22, %scan3A_23 : i32
    %scan3A_25 = arith.constant 1 : i32
    scf.for %scan3A_345 = %scan3A_22 to %scan3A_24 step %scan3A_25  : i32 {
      %get3A = arith.index_cast %scan3A_345 : i32 to index
      %get3A_346 = arith.constant 0 : index
      %get3A_347 = tpu.vector_load %arg7[%get3A, %get3A_346] {strides = array<i32>} : memref<64x16xf32, #tpu.memory_space<vmem>>, vector<16xf32>,
      %slice3A = vector.extract_strided_slice %get3A_347 {offsets = [0], sizes = [1], strides = [1]} : vector<16xf32> to vector<1xf32>
      %squeeze3A = vector.extract %slice3A[0] : f32 from vector<1xf32>
      %slice3A_348 = vector.extract_strided_slice %get3A_347 {offsets = [1], sizes = [1], strides = [1]} : vector<16xf32> to vector<1xf32>
      %squeeze3A_349 = vector.extract %slice3A_348[0] : f32 from vector<1xf32>
      %slice3A_350 = vector.extract_strided_slice %get3A_347 {offsets = [2], sizes = [1], strides = [1]} : vector<16xf32> to vector<1xf32>
      %squeeze3A_351 = vector.extract %slice3A_350[0] : f32 from vector<1xf32>
      %scan3A_352 = arith.constant 0 : i32
      %scan3A_353 = arith.constant 0 : i32
      %scan3A_354 = arith.constant 256 : i32
      %scan3A_355 = arith.addi %scan3A_353, %scan3A_354 : i32
      %scan3A_356 = arith.constant 1 : i32
      %scan3A_357 = scf.for %scan3A_439 = %scan3A_353 to %scan3A_355 step %scan3A_356 iter_args(%scan3A_440 = %scan3A_352) -> (i32)  : i32 {
        %mul3A_441 = arith.constant 16 : i32
        %mul3A_442 = arith.muli %scan3A_439, %mul3A_441 : i32
        %get3A_443 = arith.constant 0 : i32
        %get3A_444 = arith.index_cast %get3A_443 : i32 to index
        %get3A_445 = arith.index_cast %mul3A_442 : i32 to index
        %get3A_446 = tpu.vector_load %arg6[%get3A_444, %get3A_445] {strides = array<i32>} : memref<3x4096xf32, #tpu.memory_space<vmem>>, vector<16xf32>,
        %get3A_447 = arith.constant 1 : i32
        %get3A_448 = arith.index_cast %get3A_447 : i32 to index
        %get3A_449 = arith.index_cast %mul3A_442 : i32 to index
        %get3A_450 = tpu.vector_load %arg6[%get3A_448, %get3A_449] {strides = array<i32>} : memref<3x4096xf32, #tpu.memory_space<vmem>>, vector<16xf32>,
        %get3A_451 = arith.constant 2 : i32
        %get3A_452 = arith.index_cast %get3A_451 : i32 to index
        %get3A_453 = arith.index_cast %mul3A_442 : i32 to index
        %get3A_454 = tpu.vector_load %arg6[%get3A_452, %get3A_453] {strides = array<i32>} : memref<3x4096xf32, #tpu.memory_space<vmem>>, vector<16xf32>,
        %sub3A_455 = vector.broadcast %squeeze3A : f32 to vector<16xf32>
        %sub3A_456 = arith.subf %get3A_446, %sub3A_455 : vector<16xf32>
        %sub3A_457 = vector.broadcast %squeeze3A_349 : f32 to vector<16xf32>
        %sub3A_458 = arith.subf %get3A_450, %sub3A_457 : vector<16xf32>
        %sub3A_459 = vector.broadcast %squeeze3A_351 : f32 to vector<16xf32>
        %sub3A_460 = arith.subf %get3A_454, %sub3A_459 : vector<16xf32>
        %mul3A_461 = arith.mulf %sub3A_456, %sub3A_456 : vector<16xf32>
        %mul3A_462 = arith.mulf %sub3A_458, %sub3A_458 : vector<16xf32>
        %add3A_463 = arith.addf %mul3A_461, %mul3A_462 : vector<16xf32>
        %mul3A_464 = arith.mulf %sub3A_460, %sub3A_460 : vector<16xf32>
        %add3A_465 = arith.addf %add3A_463, %mul3A_464 : vector<16xf32>
        %le3A = vector.broadcast %scan3A_21 : f32 to vector<16xf32>
        %le3A_466 = arith.cmpf ole, %add3A_465, %le3A : vector<16xf32>
        %jit3A_467 = arith.constant 1 : i32
        %jit3A_468 = arith.constant 0 : i32
        %broadcast_in_dim3A_469 = vector.broadcast %jit3A_467 : i32 to vector<16xi32>
        %broadcast_in_dim3A_470 = vector.broadcast %jit3A_468 : i32 to vector<16xi32>
        %select_n3A_471 = arith.select %le3A_466, %broadcast_in_dim3A_469, %broadcast_in_dim3A_470 : vector<16xi1>, vector<16xi32>
        %broadcast_in_dim3A_472 = arith.constant true
        %broadcast_in_dim3A_473 = vector.broadcast %broadcast_in_dim3A_472 : i1 to vector<16xi1>
        %masked_cumsum3A = tpu.scan <sum>, %select_n3A_471 masked %broadcast_in_dim3A_473 : vector<16xi32>, vector<16xi1> -> vector<16xi32>
        %add3A_474 = vector.broadcast %scan3A_440 : i32 to vector<16xi32>
        %add3A_475 = arith.addi %add3A_474, %masked_cumsum3A : vector<16xi32>
        %sub3A_476 = arith.constant 1 : i32
        %sub3A_477 = vector.broadcast %sub3A_476 : i32 to vector<16xi32>
        %sub3A_478 = arith.subi %add3A_475, %sub3A_477 : vector<16xi32>
        %lt3A_479 = arith.constant 64 : i32
        %lt3A_480 = vector.broadcast %lt3A_479 : i32 to vector<16xi32>
        %lt3A_481 = arith.cmpi slt, %sub3A_478, %lt3A_480 : vector<16xi32>
        %and3A_482 = arith.andi %le3A_466, %lt3A_481 : vector<16xi1>
        %add3A_483 = vector.broadcast %mul3A_442 : i32 to vector<16xi32>
        %add3A_484 = arith.addi %add3A_483, %iota3A : vector<16xi32>
        %add3A_485 = vector.broadcast %mul3A_20 : i32 to vector<16xi32>
        %add3A_486 = arith.addi %add3A_484, %add3A_485 : vector<16xi32>
        %mul3A_487 = arith.constant 64 : i32
        %mul3A_488 = arith.muli %scan3A_345, %mul3A_487 : i32
        %add3A_489 = vector.broadcast %mul3A_488 : i32 to vector<16xi32>
        %add3A_490 = arith.addi %add3A_489, %sub3A_478 : vector<16xi32>
        tpu.vector_store_idx %arg8[%add3A_490], %add3A_486 masked %and3A_482 : memref<4096xi32, #tpu.memory_space<vmem>>[vector<16xi32>], vector<16xi32>, vector<16xi1>
        %reduce_max3A = arith.constant true
        %reduce_max3A_491 = vector.broadcast %reduce_max3A : i1 to vector<16xi1>
        %reduce_max3A_492 = arith.constant -2147483648 : i32
        %reduce_max3A_493 = vector.broadcast %reduce_max3A_492 : i32 to vector<16xi32>
        %reduce_max3A_494 = arith.xori %masked_cumsum3A, %reduce_max3A_493 : vector<16xi32>
        %reduce_max3A_495 = tpu.scan <max>, %reduce_max3A_494 masked %reduce_max3A_491 : vector<16xi32>, vector<16xi1> -> vector<16xi32>
        %reduce_max3A_496 = arith.xori %reduce_max3A_495, %reduce_max3A_493 : vector<16xi32>
        %reduce_max3A_497 = vector.extract %reduce_max3A_496[15] : i32 from vector<16xi32>
        %add3A_498 = arith.addi %scan3A_440, %reduce_max3A_497 : i32
        scf.yield %add3A_498 : i32
      }
      %scan3A_358 = arith.constant 256 : i32
      %min3A = arith.constant 64 : i32
      %min3A_359 = arith.minsi %scan3A_357, %min3A : i32
      %mul3A_360 = arith.constant 64 : i32
      %mul3A_361 = arith.muli %scan3A_345, %mul3A_360 : i32
      %get3A_362 = arith.index_cast %mul3A_361 : i32 to index
      %get3A_363 = tpu.vector_load %arg8[%get3A_362] {strides = array<i32>} : memref<4096xi32, #tpu.memory_space<vmem>>, vector<16xi32>,
      %slice3A_364 = vector.extract_strided_slice %get3A_363 {offsets = [0], sizes = [1], strides = [1]} : vector<16xi32> to vector<1xi32>
      %squeeze3A_365 = vector.extract %slice3A_364[0] : i32 from vector<1xi32>
      %add3A_366 = arith.constant 0 : i32
      %add3A_367 = vector.broadcast %add3A_366 : i32 to vector<16xi32>
      %add3A_368 = arith.addi %add3A_367, %iota3A : vector<16xi32>
      %mul3A_369 = arith.constant 64 : i32
      %mul3A_370 = arith.muli %scan3A_345, %mul3A_369 : i32
      %add3A_371 = arith.constant 0 : i32
      %add3A_372 = arith.addi %mul3A_370, %add3A_371 : i32
      %get3A_373 = arith.index_cast %add3A_372 : i32 to index
      %get3A_374 = tpu.vector_load %arg8[%get3A_373] {strides = array<i32>} : memref<4096xi32, #tpu.memory_space<vmem>>, vector<16xi32>,
      %lt3A = vector.broadcast %min3A_359 : i32 to vector<16xi32>
      %lt3A_375 = arith.cmpi slt, %add3A_368, %lt3A : vector<16xi32>
      %broadcast_in_dim3A = vector.broadcast %squeeze3A_365 : i32 to vector<16xi32>
      %select_n3A_376 = arith.select %lt3A_375, %get3A_374, %broadcast_in_dim3A : vector<16xi1>, vector<16xi32>
      %mul3A_377 = arith.constant 64 : i32
      %mul3A_378 = arith.muli %scan3A_345, %mul3A_377 : i32
      %add3A_379 = arith.constant 0 : i32
      %add3A_380 = arith.addi %mul3A_378, %add3A_379 : i32
      %swap3A = arith.index_cast %add3A_380 : i32 to index
      %swap3A_381 = tpu.vector_load %arg8[%swap3A] {strides = array<i32>} : memref<4096xi32, #tpu.memory_space<vmem>>, vector<16xi32>,
      tpu.vector_store %arg8[%swap3A], %select_n3A_376 {strides = array<i32>} : memref<4096xi32, #tpu.memory_space<vmem>>, vector<16xi32>,
      %add3A_382 = arith.constant 16 : i32
      %add3A_383 = vector.broadcast %add3A_382 : i32 to vector<16xi32>
      %add3A_384 = arith.addi %add3A_383, %iota3A : vector<16xi32>
      %mul3A_385 = arith.constant 64 : i32
      %mul3A_386 = arith.muli %scan3A_345, %mul3A_385 : i32
      %add3A_387 = arith.constant 16 : i32
      %add3A_388 = arith.addi %mul3A_386, %add3A_387 : i32
      %get3A_389 = arith.index_cast %add3A_388 : i32 to index
      %get3A_390 = tpu.vector_load %arg8[%get3A_389] {strides = array<i32>} : memref<4096xi32, #tpu.memory_space<vmem>>, vector<16xi32>,
      %lt3A_391 = vector.broadcast %min3A_359 : i32 to vector<16xi32>
      %lt3A_392 = arith.cmpi slt, %add3A_384, %lt3A_391 : vector<16xi32>
      %broadcast_in_dim3A_393 = vector.broadcast %squeeze3A_365 : i32 to vector<16xi32>
      %select_n3A_394 = arith.select %lt3A_392, %get3A_390, %broadcast_in_dim3A_393 : vector<16xi1>, vector<16xi32>
      %mul3A_395 = arith.constant 64 : i32
      %mul3A_396 = arith.muli %scan3A_345, %mul3A_395 : i32
      %add3A_397 = arith.constant 16 : i32
      %add3A_398 = arith.addi %mul3A_396, %add3A_397 : i32
      %swap3A_399 = arith.index_cast %add3A_398 : i32 to index
      %swap3A_400 = tpu.vector_load %arg8[%swap3A_399] {strides = array<i32>} : memref<4096xi32, #tpu.memory_space<vmem>>, vector<16xi32>,
      tpu.vector_store %arg8[%swap3A_399], %select_n3A_394 {strides = array<i32>} : memref<4096xi32, #tpu.memory_space<vmem>>, vector<16xi32>,
      %add3A_401 = arith.constant 32 : i32
      %add3A_402 = vector.broadcast %add3A_401 : i32 to vector<16xi32>
      %add3A_403 = arith.addi %add3A_402, %iota3A : vector<16xi32>
      %mul3A_404 = arith.constant 64 : i32
      %mul3A_405 = arith.muli %scan3A_345, %mul3A_404 : i32
      %add3A_406 = arith.constant 32 : i32
      %add3A_407 = arith.addi %mul3A_405, %add3A_406 : i32
      %get3A_408 = arith.index_cast %add3A_407 : i32 to index
      %get3A_409 = tpu.vector_load %arg8[%get3A_408] {strides = array<i32>} : memref<4096xi32, #tpu.memory_space<vmem>>, vector<16xi32>,
      %lt3A_410 = vector.broadcast %min3A_359 : i32 to vector<16xi32>
      %lt3A_411 = arith.cmpi slt, %add3A_403, %lt3A_410 : vector<16xi32>
      %broadcast_in_dim3A_412 = vector.broadcast %squeeze3A_365 : i32 to vector<16xi32>
      %select_n3A_413 = arith.select %lt3A_411, %get3A_409, %broadcast_in_dim3A_412 : vector<16xi1>, vector<16xi32>
      %mul3A_414 = arith.constant 64 : i32
      %mul3A_415 = arith.muli %scan3A_345, %mul3A_414 : i32
      %add3A_416 = arith.constant 32 : i32
      %add3A_417 = arith.addi %mul3A_415, %add3A_416 : i32
      %swap3A_418 = arith.index_cast %add3A_417 : i32 to index
      %swap3A_419 = tpu.vector_load %arg8[%swap3A_418] {strides = array<i32>} : memref<4096xi32, #tpu.memory_space<vmem>>, vector<16xi32>,
      tpu.vector_store %arg8[%swap3A_418], %select_n3A_413 {strides = array<i32>} : memref<4096xi32, #tpu.memory_space<vmem>>, vector<16xi32>,
      %add3A_420 = arith.constant 48 : i32
      %add3A_421 = vector.broadcast %add3A_420 : i32 to vector<16xi32>
      %add3A_422 = arith.addi %add3A_421, %iota3A : vector<16xi32>
      %mul3A_423 = arith.constant 64 : i32
      %mul3A_424 = arith.muli %scan3A_345, %mul3A_423 : i32
      %add3A_425 = arith.constant 48 : i32
      %add3A_426 = arith.addi %mul3A_424, %add3A_425 : i32
      %get3A_427 = arith.index_cast %add3A_426 : i32 to index
      %get3A_428 = tpu.vector_load %arg8[%get3A_427] {strides = array<i32>} : memref<4096xi32, #tpu.memory_space<vmem>>, vector<16xi32>,
      %lt3A_429 = vector.broadcast %min3A_359 : i32 to vector<16xi32>
      %lt3A_430 = arith.cmpi slt, %add3A_422, %lt3A_429 : vector<16xi32>
      %broadcast_in_dim3A_431 = vector.broadcast %squeeze3A_365 : i32 to vector<16xi32>
      %select_n3A_432 = arith.select %lt3A_430, %get3A_428, %broadcast_in_dim3A_431 : vector<16xi1>, vector<16xi32>
      %mul3A_433 = arith.constant 64 : i32
      %mul3A_434 = arith.muli %scan3A_345, %mul3A_433 : i32
      %add3A_435 = arith.constant 48 : i32
      %add3A_436 = arith.addi %mul3A_434, %add3A_435 : i32
      %swap3A_437 = arith.index_cast %add3A_436 : i32 to index
      %swap3A_438 = tpu.vector_load %arg8[%swap3A_437] {strides = array<i32>} : memref<4096xi32, #tpu.memory_space<vmem>>, vector<16xi32>,
      tpu.vector_store %arg8[%swap3A_437], %select_n3A_432 {strides = array<i32>} : memref<4096xi32, #tpu.memory_space<vmem>>, vector<16xi32>,
    }
    %scan3A_26 = arith.constant 64 : i32
    %dma_start3A = arith.constant 0 : i32
    %dma_start3A_27 = tpu.memref_slice %arg8[%dma_start3A] : memref<4096xi32, #tpu.memory_space<vmem>> -> memref<256xi32, #tpu.memory_space<vmem>>
    %dma_start3A_28 = arith.constant 0 : i32
    %dma_start3A_29 = arith.constant 0 : i32
    %dma_start3A_30 = tpu.memref_slice %arg4[%dma_start3A_28, %dma_start3A_29] : memref<16384x128xf32, #tpu.memory_space<hbm>> -> memref<16384x128xf32, #tpu.memory_space<hbm>>
    tpu.enqueue_indirect_dma source(%dma_start3A_30 : memref<16384x128xf32, #tpu.memory_space<hbm>>) target(%arg9 : memref<256x128xf32, #tpu.memory_space<vmem>>) offsets(%dma_start3A_27 : memref<256xi32, #tpu.memory_space<vmem>>) semaphore(%arg11 : memref<!tpu.dma_semaphore, #tpu.memory_space<semaphore_mem>>)
    %dma_wait3A = arith.constant 0 : i32
    %dma_wait3A_31 = tpu.memref_slice %arg8[%dma_wait3A] : memref<4096xi32, #tpu.memory_space<vmem>> -> memref<256xi32, #tpu.memory_space<vmem>>
    %dma_wait3A_32 = arith.constant 0 : i32
    %dma_wait3A_33 = arith.constant 0 : i32
    %dma_wait3A_34 = tpu.memref_slice %arg4[%dma_wait3A_32, %dma_wait3A_33] : memref<16384x128xf32, #tpu.memory_space<hbm>> -> memref<16384x128xf32, #tpu.memory_space<hbm>>
    tpu.wait_indirect_dma semaphore(%arg11 : memref<!tpu.dma_semaphore, #tpu.memory_space<semaphore_mem>>) src(%dma_wait3A_34 : memref<16384x128xf32, #tpu.memory_space<hbm>>) dst(%arg9 : memref<256x128xf32, #tpu.memory_space<vmem>>)
    %dma_start3A_35 = arith.constant 256 : i32
    %dma_start3A_36 = tpu.memref_slice %arg8[%dma_start3A_35] : memref<4096xi32, #tpu.memory_space<vmem>> -> memref<256xi32, #tpu.memory_space<vmem>>
    %dma_start3A_37 = arith.constant 0 : i32
    %dma_start3A_38 = arith.constant 0 : i32
    %dma_start3A_39 = tpu.memref_slice %arg4[%dma_start3A_37, %dma_start3A_38] : memref<16384x128xf32, #tpu.memory_space<hbm>> -> memref<16384x128xf32, #tpu.memory_space<hbm>>
    tpu.enqueue_indirect_dma source(%dma_start3A_39 : memref<16384x128xf32, #tpu.memory_space<hbm>>) target(%arg10 : memref<256x128xf32, #tpu.memory_space<vmem>>) offsets(%dma_start3A_36 : memref<256xi32, #tpu.memory_space<vmem>>) semaphore(%arg12 : memref<!tpu.dma_semaphore, #tpu.memory_space<semaphore_mem>>)
    %scan3A_40 = arith.constant 0 : i32
    %scan3A_41 = arith.constant 0 : i32
    %scan3A_42 = arith.constant 4 : i32
    %scan3A_43 = arith.addi %scan3A_41, %scan3A_42 : i32
    %scan3A_44 = arith.constant 1 : i32
    scf.for %scan3A_345 = %scan3A_41 to %scan3A_43 step %scan3A_44  : i32 {
      %add3A_346 = arith.constant 0 : i32
      %add3A_347 = arith.addi %add3A_346, %scan3A_345 : i32
      %get3A = arith.index_cast %add3A_347 : i32 to index
      %get3A_348 = arith.constant 0 : index
      %get3A_349 = tpu.vector_load %arg7[%get3A, %get3A_348] {strides = array<i32>} : memref<64x16xf32, #tpu.memory_space<vmem>>, vector<16xf32>,
      %lt3A = arith.constant 3 : i32
      %lt3A_350 = vector.broadcast %lt3A : i32 to vector<16xi32>
      %lt3A_351 = arith.cmpi slt, %iota3A, %lt3A_350 : vector<16xi32>
      %jit3A_352 = arith.constant 0.000000e+00 : f32
      %broadcast_in_dim3A = vector.broadcast %jit3A_352 : f32 to vector<16xf32>
      %select_n3A_353 = arith.select %lt3A_351, %get3A_349, %broadcast_in_dim3A : vector<16xi1>, vector<16xf32>
      %scan3A_354 = arith.constant 0 : i32
      %scan3A_355 = arith.constant 64 : i32
      %scan3A_356 = arith.addi %scan3A_354, %scan3A_355 : i32
      %scan3A_357 = arith.constant 1 : i32
      scf.for %scan3A_359 = %scan3A_354 to %scan3A_356 step %scan3A_357  : i32 {
        %mul3A_360 = arith.constant 64 : i32
        %mul3A_361 = arith.muli %scan3A_345, %mul3A_360 : i32
        %add3A_362 = arith.addi %mul3A_361, %scan3A_359 : i32
        %get3A_363 = arith.index_cast %add3A_362 : i32 to index
        %get3A_364 = arith.constant 0 : index
        %get3A_365 = tpu.vector_load %arg9[%get3A_363, %get3A_364] {strides = array<i32>} : memref<256x128xf32, #tpu.memory_space<vmem>>, vector<16xf32>,
        %sub3A_366 = arith.subf %get3A_365, %select_n3A_353 : vector<16xf32>
        %swap3A = arith.index_cast %add3A_362 : i32 to index
        %swap3A_367 = arith.constant 0 : index
        %swap3A_368 = tpu.vector_load %arg9[%swap3A, %swap3A_367] {strides = array<i32>} : memref<256x128xf32, #tpu.memory_space<vmem>>, vector<16xf32>,
        tpu.vector_store %arg9[%swap3A, %swap3A_367], %sub3A_366 {strides = array<i32>} : memref<256x128xf32, #tpu.memory_space<vmem>>, vector<16xf32>,
      }
      %scan3A_358 = arith.constant 64 : i32
    }
    %scan3A_45 = arith.constant 4 : i32
    %mul3A_46 = arith.constant 4096 : i32
    %mul3A_47 = arith.muli %add3A, %mul3A_46 : i32
    %add3A_48 = arith.constant 0 : i32
    %add3A_49 = arith.addi %mul3A_47, %add3A_48 : i32
    "tpu.region"() ({
      %run_scoped3A = tpu.sem_alloc : memref<!tpu.dma_semaphore, #tpu.memory_space<semaphore_mem>>
      %dma_start3A_345 = arith.constant 0 : i32
      %dma_start3A_346 = tpu.memref_slice %arg5[%add3A_49, %dma_start3A_345] : memref<131072x128xf32, #tpu.memory_space<hbm>> -> memref<256x128xf32, #tpu.memory_space<hbm>>
      %dma_start3A_347 = arith.constant 0 : i32
      %dma_start3A_348 = tpu.memref_slice %arg5[%add3A_49, %dma_start3A_347] : memref<131072x128xf32, #tpu.memory_space<hbm>> -> memref<256x128xf32, #tpu.memory_space<hbm>>
      tpu.enqueue_dma source(%arg9 : memref<256x128xf32, #tpu.memory_space<vmem>>) target(%dma_start3A_348 : memref<256x128xf32, #tpu.memory_space<hbm>>) target_semaphore(%run_scoped3A : memref<!tpu.dma_semaphore, #tpu.memory_space<semaphore_mem>>)
      %dma_wait3A_349 = arith.constant 0 : i32
      %dma_wait3A_350 = tpu.memref_slice %arg5[%add3A_49, %dma_wait3A_349] : memref<131072x128xf32, #tpu.memory_space<hbm>> -> memref<256x128xf32, #tpu.memory_space<hbm>>
      %dma_wait3A_351 = arith.constant 0 : i32
      %dma_wait3A_352 = tpu.memref_slice %arg5[%add3A_49, %dma_wait3A_351] : memref<131072x128xf32, #tpu.memory_space<hbm>> -> memref<256x128xf32, #tpu.memory_space<hbm>>
      tpu.wait_dma2 semaphore(%run_scoped3A : memref<!tpu.dma_semaphore, #tpu.memory_space<semaphore_mem>>) src(%arg9 : memref<256x128xf32, #tpu.memory_space<vmem>>) dst(%dma_wait3A_352 : memref<256x128xf32, #tpu.memory_space<hbm>>)
      tpu.yield
    }) : () -> ()
    %dma_wait3A_50 = arith.constant 256 : i32
    %dma_wait3A_51 = tpu.memref_slice %arg8[%dma_wait3A_50] : memref<4096xi32, #tpu.memory_space<vmem>> -> memref<256xi32, #tpu.memory_space<vmem>>
    %dma_wait3A_52 = arith.constant 0 : i32
    %dma_wait3A_53 = arith.constant 0 : i32
    %dma_wait3A_54 = tpu.memref_slice %arg4[%dma_wait3A_52, %dma_wait3A_53] : memref<16384x128xf32, #tpu.memory_space<hbm>> -> memref<16384x128xf32, #tpu.memory_space<hbm>>
    tpu.wait_indirect_dma semaphore(%arg12 : memref<!tpu.dma_semaphore, #tpu.memory_space<semaphore_mem>>) src(%dma_wait3A_54 : memref<16384x128xf32, #tpu.memory_space<hbm>>) dst(%arg10 : memref<256x128xf32, #tpu.memory_space<vmem>>)
    %dma_start3A_55 = arith.constant 512 : i32
    %dma_start3A_56 = tpu.memref_slice %arg8[%dma_start3A_55] : memref<4096xi32, #tpu.memory_space<vmem>> -> memref<256xi32, #tpu.memory_space<vmem>>
    %dma_start3A_57 = arith.constant 0 : i32
    %dma_start3A_58 = arith.constant 0 : i32
    %dma_start3A_59 = tpu.memref_slice %arg4[%dma_start3A_57, %dma_start3A_58] : memref<16384x128xf32, #tpu.memory_space<hbm>> -> memref<16384x128xf32, #tpu.memory_space<hbm>>
    tpu.enqueue_indirect_dma source(%dma_start3A_59 : memref<16384x128xf32, #tpu.memory_space<hbm>>) target(%arg9 : memref<256x128xf32, #tpu.memory_space<vmem>>) offsets(%dma_start3A_56 : memref<256xi32, #tpu.memory_space<vmem>>) semaphore(%arg11 : memref<!tpu.dma_semaphore, #tpu.memory_space<semaphore_mem>>)
    %scan3A_60 = arith.constant 0 : i32
    %scan3A_61 = arith.constant 0 : i32
    %scan3A_62 = arith.constant 4 : i32
    %scan3A_63 = arith.addi %scan3A_61, %scan3A_62 : i32
    %scan3A_64 = arith.constant 1 : i32
    scf.for %scan3A_345 = %scan3A_61 to %scan3A_63 step %scan3A_64  : i32 {
      %add3A_346 = arith.constant 4 : i32
      %add3A_347 = arith.addi %add3A_346, %scan3A_345 : i32
      %get3A = arith.index_cast %add3A_347 : i32 to index
      %get3A_348 = arith.constant 0 : index
      %get3A_349 = tpu.vector_load %arg7[%get3A, %get3A_348] {strides = array<i32>} : memref<64x16xf32, #tpu.memory_space<vmem>>, vector<16xf32>,
      %lt3A = arith.constant 3 : i32
      %lt3A_350 = vector.broadcast %lt3A : i32 to vector<16xi32>
      %lt3A_351 = arith.cmpi slt, %iota3A, %lt3A_350 : vector<16xi32>
      %jit3A_352 = arith.constant 0.000000e+00 : f32
      %broadcast_in_dim3A = vector.broadcast %jit3A_352 : f32 to vector<16xf32>
      %select_n3A_353 = arith.select %lt3A_351, %get3A_349, %broadcast_in_dim3A : vector<16xi1>, vector<16xf32>
      %scan3A_354 = arith.constant 0 : i32
      %scan3A_355 = arith.constant 64 : i32
      %scan3A_356 = arith.addi %scan3A_354, %scan3A_355 : i32
      %scan3A_357 = arith.constant 1 : i32
      scf.for %scan3A_359 = %scan3A_354 to %scan3A_356 step %scan3A_357  : i32 {
        %mul3A_360 = arith.constant 64 : i32
        %mul3A_361 = arith.muli %scan3A_345, %mul3A_360 : i32
        %add3A_362 = arith.addi %mul3A_361, %scan3A_359 : i32
        %get3A_363 = arith.index_cast %add3A_362 : i32 to index
        %get3A_364 = arith.constant 0 : index
        %get3A_365 = tpu.vector_load %arg10[%get3A_363, %get3A_364] {strides = array<i32>} : memref<256x128xf32, #tpu.memory_space<vmem>>, vector<16xf32>,
        %sub3A_366 = arith.subf %get3A_365, %select_n3A_353 : vector<16xf32>
        %swap3A = arith.index_cast %add3A_362 : i32 to index
        %swap3A_367 = arith.constant 0 : index
        %swap3A_368 = tpu.vector_load %arg10[%swap3A, %swap3A_367] {strides = array<i32>} : memref<256x128xf32, #tpu.memory_space<vmem>>, vector<16xf32>,
        tpu.vector_store %arg10[%swap3A, %swap3A_367], %sub3A_366 {strides = array<i32>} : memref<256x128xf32, #tpu.memory_space<vmem>>, vector<16xf32>,
      }
      %scan3A_358 = arith.constant 64 : i32
    }
    %scan3A_65 = arith.constant 4 : i32
    %mul3A_66 = arith.constant 4096 : i32
    %mul3A_67 = arith.muli %add3A, %mul3A_66 : i32
    %add3A_68 = arith.constant 256 : i32
    %add3A_69 = arith.addi %mul3A_67, %add3A_68 : i32
    "tpu.region"() ({
      %run_scoped3A = tpu.sem_alloc : memref<!tpu.dma_semaphore, #tpu.memory_space<semaphore_mem>>
      %dma_start3A_345 = arith.constant 0 : i32
      %dma_start3A_346 = tpu.memref_slice %arg5[%add3A_69, %dma_start3A_345] : memref<131072x128xf32, #tpu.memory_space<hbm>> -> memref<256x128xf32, #tpu.memory_space<hbm>>
      %dma_start3A_347 = arith.constant 0 : i32
      %dma_start3A_348 = tpu.memref_slice %arg5[%add3A_69, %dma_start3A_347] : memref<131072x128xf32, #tpu.memory_space<hbm>> -> memref<256x128xf32, #tpu.memory_space<hbm>>
      tpu.enqueue_dma source(%arg10 : memref<256x128xf32, #tpu.memory_space<vmem>>) target(%dma_start3A_348 : memref<256x128xf32, #tpu.memory_space<hbm>>) target_semaphore(%run_scoped3A : memref<!tpu.dma_semaphore, #tpu.memory_space<semaphore_mem>>)
      %dma_wait3A_349 = arith.constant 0 : i32
      %dma_wait3A_350 = tpu.memref_slice %arg5[%add3A_69, %dma_wait3A_349] : memref<131072x128xf32, #tpu.memory_space<hbm>> -> memref<256x128xf32, #tpu.memory_space<hbm>>
      %dma_wait3A_351 = arith.constant 0 : i32
      %dma_wait3A_352 = tpu.memref_slice %arg5[%add3A_69, %dma_wait3A_351] : memref<131072x128xf32, #tpu.memory_space<hbm>> -> memref<256x128xf32, #tpu.memory_space<hbm>>
      tpu.wait_dma2 semaphore(%run_scoped3A : memref<!tpu.dma_semaphore, #tpu.memory_space<semaphore_mem>>) src(%arg10 : memref<256x128xf32, #tpu.memory_space<vmem>>) dst(%dma_wait3A_352 : memref<256x128xf32, #tpu.memory_space<hbm>>)
      tpu.yield
    }) : () -> ()
    %dma_wait3A_70 = arith.constant 512 : i32
    %dma_wait3A_71 = tpu.memref_slice %arg8[%dma_wait3A_70] : memref<4096xi32, #tpu.memory_space<vmem>> -> memref<256xi32, #tpu.memory_space<vmem>>
    %dma_wait3A_72 = arith.constant 0 : i32
    %dma_wait3A_73 = arith.constant 0 : i32
    %dma_wait3A_74 = tpu.memref_slice %arg4[%dma_wait3A_72, %dma_wait3A_73] : memref<16384x128xf32, #tpu.memory_space<hbm>> -> memref<16384x128xf32, #tpu.memory_space<hbm>>
    tpu.wait_indirect_dma semaphore(%arg11 : memref<!tpu.dma_semaphore, #tpu.memory_space<semaphore_mem>>) src(%dma_wait3A_74 : memref<16384x128xf32, #tpu.memory_space<hbm>>) dst(%arg9 : memref<256x128xf32, #tpu.memory_space<vmem>>)
    %dma_start3A_75 = arith.constant 768 : i32
    %dma_start3A_76 = tpu.memref_slice %arg8[%dma_start3A_75] : memref<4096xi32, #tpu.memory_space<vmem>> -> memref<256xi32, #tpu.memory_space<vmem>>
    %dma_start3A_77 = arith.constant 0 : i32
    %dma_start3A_78 = arith.constant 0 : i32
    %dma_start3A_79 = tpu.memref_slice %arg4[%dma_start3A_77, %dma_start3A_78] : memref<16384x128xf32, #tpu.memory_space<hbm>> -> memref<16384x128xf32, #tpu.memory_space<hbm>>
    tpu.enqueue_indirect_dma source(%dma_start3A_79 : memref<16384x128xf32, #tpu.memory_space<hbm>>) target(%arg10 : memref<256x128xf32, #tpu.memory_space<vmem>>) offsets(%dma_start3A_76 : memref<256xi32, #tpu.memory_space<vmem>>) semaphore(%arg12 : memref<!tpu.dma_semaphore, #tpu.memory_space<semaphore_mem>>)
    %scan3A_80 = arith.constant 0 : i32
    %scan3A_81 = arith.constant 0 : i32
    %scan3A_82 = arith.constant 4 : i32
    %scan3A_83 = arith.addi %scan3A_81, %scan3A_82 : i32
    %scan3A_84 = arith.constant 1 : i32
    scf.for %scan3A_345 = %scan3A_81 to %scan3A_83 step %scan3A_84  : i32 {
      %add3A_346 = arith.constant 8 : i32
      %add3A_347 = arith.addi %add3A_346, %scan3A_345 : i32
      %get3A = arith.index_cast %add3A_347 : i32 to index
      %get3A_348 = arith.constant 0 : index
      %get3A_349 = tpu.vector_load %arg7[%get3A, %get3A_348] {strides = array<i32>} : memref<64x16xf32, #tpu.memory_space<vmem>>, vector<16xf32>,
      %lt3A = arith.constant 3 : i32
      %lt3A_350 = vector.broadcast %lt3A : i32 to vector<16xi32>
      %lt3A_351 = arith.cmpi slt, %iota3A, %lt3A_350 : vector<16xi32>
      %jit3A_352 = arith.constant 0.000000e+00 : f32
      %broadcast_in_dim3A = vector.broadcast %jit3A_352 : f32 to vector<16xf32>
      %select_n3A_353 = arith.select %lt3A_351, %get3A_349, %broadcast_in_dim3A : vector<16xi1>, vector<16xf32>
      %scan3A_354 = arith.constant 0 : i32
      %scan3A_355 = arith.constant 64 : i32
      %scan3A_356 = arith.addi %scan3A_354, %scan3A_355 : i32
      %scan3A_357 = arith.constant 1 : i32
      scf.for %scan3A_359 = %scan3A_354 to %scan3A_356 step %scan3A_357  : i32 {
        %mul3A_360 = arith.constant 64 : i32
        %mul3A_361 = arith.muli %scan3A_345, %mul3A_360 : i32
        %add3A_362 = arith.addi %mul3A_361, %scan3A_359 : i32
        %get3A_363 = arith.index_cast %add3A_362 : i32 to index
        %get3A_364 = arith.constant 0 : index
        %get3A_365 = tpu.vector_load %arg9[%get3A_363, %get3A_364] {strides = array<i32>} : memref<256x128xf32, #tpu.memory_space<vmem>>, vector<16xf32>,
        %sub3A_366 = arith.subf %get3A_365, %select_n3A_353 : vector<16xf32>
        %swap3A = arith.index_cast %add3A_362 : i32 to index
        %swap3A_367 = arith.constant 0 : index
        %swap3A_368 = tpu.vector_load %arg9[%swap3A, %swap3A_367] {strides = array<i32>} : memref<256x128xf32, #tpu.memory_space<vmem>>, vector<16xf32>,
        tpu.vector_store %arg9[%swap3A, %swap3A_367], %sub3A_366 {strides = array<i32>} : memref<256x128xf32, #tpu.memory_space<vmem>>, vector<16xf32>,
      }
      %scan3A_358 = arith.constant 64 : i32
    }
    %scan3A_85 = arith.constant 4 : i32
    %mul3A_86 = arith.constant 4096 : i32
    %mul3A_87 = arith.muli %add3A, %mul3A_86 : i32
    %add3A_88 = arith.constant 512 : i32
    %add3A_89 = arith.addi %mul3A_87, %add3A_88 : i32
    "tpu.region"() ({
      %run_scoped3A = tpu.sem_alloc : memref<!tpu.dma_semaphore, #tpu.memory_space<semaphore_mem>>
      %dma_start3A_345 = arith.constant 0 : i32
      %dma_start3A_346 = tpu.memref_slice %arg5[%add3A_89, %dma_start3A_345] : memref<131072x128xf32, #tpu.memory_space<hbm>> -> memref<256x128xf32, #tpu.memory_space<hbm>>
      %dma_start3A_347 = arith.constant 0 : i32
      %dma_start3A_348 = tpu.memref_slice %arg5[%add3A_89, %dma_start3A_347] : memref<131072x128xf32, #tpu.memory_space<hbm>> -> memref<256x128xf32, #tpu.memory_space<hbm>>
      tpu.enqueue_dma source(%arg9 : memref<256x128xf32, #tpu.memory_space<vmem>>) target(%dma_start3A_348 : memref<256x128xf32, #tpu.memory_space<hbm>>) target_semaphore(%run_scoped3A : memref<!tpu.dma_semaphore, #tpu.memory_space<semaphore_mem>>)
      %dma_wait3A_349 = arith.constant 0 : i32
      %dma_wait3A_350 = tpu.memref_slice %arg5[%add3A_89, %dma_wait3A_349] : memref<131072x128xf32, #tpu.memory_space<hbm>> -> memref<256x128xf32, #tpu.memory_space<hbm>>
      %dma_wait3A_351 = arith.constant 0 : i32
      %dma_wait3A_352 = tpu.memref_slice %arg5[%add3A_89, %dma_wait3A_351] : memref<131072x128xf32, #tpu.memory_space<hbm>> -> memref<256x128xf32, #tpu.memory_space<hbm>>
      tpu.wait_dma2 semaphore(%run_scoped3A : memref<!tpu.dma_semaphore, #tpu.memory_space<semaphore_mem>>) src(%arg9 : memref<256x128xf32, #tpu.memory_space<vmem>>) dst(%dma_wait3A_352 : memref<256x128xf32, #tpu.memory_space<hbm>>)
      tpu.yield
    }) : () -> ()
    %dma_wait3A_90 = arith.constant 768 : i32
    %dma_wait3A_91 = tpu.memref_slice %arg8[%dma_wait3A_90] : memref<4096xi32, #tpu.memory_space<vmem>> -> memref<256xi32, #tpu.memory_space<vmem>>
    %dma_wait3A_92 = arith.constant 0 : i32
    %dma_wait3A_93 = arith.constant 0 : i32
    %dma_wait3A_94 = tpu.memref_slice %arg4[%dma_wait3A_92, %dma_wait3A_93] : memref<16384x128xf32, #tpu.memory_space<hbm>> -> memref<16384x128xf32, #tpu.memory_space<hbm>>
    tpu.wait_indirect_dma semaphore(%arg12 : memref<!tpu.dma_semaphore, #tpu.memory_space<semaphore_mem>>) src(%dma_wait3A_94 : memref<16384x128xf32, #tpu.memory_space<hbm>>) dst(%arg10 : memref<256x128xf32, #tpu.memory_space<vmem>>)
    %dma_start3A_95 = arith.constant 1024 : i32
    %dma_start3A_96 = tpu.memref_slice %arg8[%dma_start3A_95] : memref<4096xi32, #tpu.memory_space<vmem>> -> memref<256xi32, #tpu.memory_space<vmem>>
    %dma_start3A_97 = arith.constant 0 : i32
    %dma_start3A_98 = arith.constant 0 : i32
    %dma_start3A_99 = tpu.memref_slice %arg4[%dma_start3A_97, %dma_start3A_98] : memref<16384x128xf32, #tpu.memory_space<hbm>> -> memref<16384x128xf32, #tpu.memory_space<hbm>>
    tpu.enqueue_indirect_dma source(%dma_start3A_99 : memref<16384x128xf32, #tpu.memory_space<hbm>>) target(%arg9 : memref<256x128xf32, #tpu.memory_space<vmem>>) offsets(%dma_start3A_96 : memref<256xi32, #tpu.memory_space<vmem>>) semaphore(%arg11 : memref<!tpu.dma_semaphore, #tpu.memory_space<semaphore_mem>>)
    %scan3A_100 = arith.constant 0 : i32
    %scan3A_101 = arith.constant 0 : i32
    %scan3A_102 = arith.constant 4 : i32
    %scan3A_103 = arith.addi %scan3A_101, %scan3A_102 : i32
    %scan3A_104 = arith.constant 1 : i32
    scf.for %scan3A_345 = %scan3A_101 to %scan3A_103 step %scan3A_104  : i32 {
      %add3A_346 = arith.constant 12 : i32
      %add3A_347 = arith.addi %add3A_346, %scan3A_345 : i32
      %get3A = arith.index_cast %add3A_347 : i32 to index
      %get3A_348 = arith.constant 0 : index
      %get3A_349 = tpu.vector_load %arg7[%get3A, %get3A_348] {strides = array<i32>} : memref<64x16xf32, #tpu.memory_space<vmem>>, vector<16xf32>,
      %lt3A = arith.constant 3 : i32
      %lt3A_350 = vector.broadcast %lt3A : i32 to vector<16xi32>
      %lt3A_351 = arith.cmpi slt, %iota3A, %lt3A_350 : vector<16xi32>
      %jit3A_352 = arith.constant 0.000000e+00 : f32
      %broadcast_in_dim3A = vector.broadcast %jit3A_352 : f32 to vector<16xf32>
      %select_n3A_353 = arith.select %lt3A_351, %get3A_349, %broadcast_in_dim3A : vector<16xi1>, vector<16xf32>
      %scan3A_354 = arith.constant 0 : i32
      %scan3A_355 = arith.constant 64 : i32
      %scan3A_356 = arith.addi %scan3A_354, %scan3A_355 : i32
      %scan3A_357 = arith.constant 1 : i32
      scf.for %scan3A_359 = %scan3A_354 to %scan3A_356 step %scan3A_357  : i32 {
        %mul3A_360 = arith.constant 64 : i32
        %mul3A_361 = arith.muli %scan3A_345, %mul3A_360 : i32
        %add3A_362 = arith.addi %mul3A_361, %scan3A_359 : i32
        %get3A_363 = arith.index_cast %add3A_362 : i32 to index
        %get3A_364 = arith.constant 0 : index
        %get3A_365 = tpu.vector_load %arg10[%get3A_363, %get3A_364] {strides = array<i32>} : memref<256x128xf32, #tpu.memory_space<vmem>>, vector<16xf32>,
        %sub3A_366 = arith.subf %get3A_365, %select_n3A_353 : vector<16xf32>
        %swap3A = arith.index_cast %add3A_362 : i32 to index
        %swap3A_367 = arith.constant 0 : index
        %swap3A_368 = tpu.vector_load %arg10[%swap3A, %swap3A_367] {strides = array<i32>} : memref<256x128xf32, #tpu.memory_space<vmem>>, vector<16xf32>,
        tpu.vector_store %arg10[%swap3A, %swap3A_367], %sub3A_366 {strides = array<i32>} : memref<256x128xf32, #tpu.memory_space<vmem>>, vector<16xf32>,
      }
      %scan3A_358 = arith.constant 64 : i32
    }
    %scan3A_105 = arith.constant 4 : i32
    %mul3A_106 = arith.constant 4096 : i32
    %mul3A_107 = arith.muli %add3A, %mul3A_106 : i32
    %add3A_108 = arith.constant 768 : i32
    %add3A_109 = arith.addi %mul3A_107, %add3A_108 : i32
    "tpu.region"() ({
      %run_scoped3A = tpu.sem_alloc : memref<!tpu.dma_semaphore, #tpu.memory_space<semaphore_mem>>
      %dma_start3A_345 = arith.constant 0 : i32
      %dma_start3A_346 = tpu.memref_slice %arg5[%add3A_109, %dma_start3A_345] : memref<131072x128xf32, #tpu.memory_space<hbm>> -> memref<256x128xf32, #tpu.memory_space<hbm>>
      %dma_start3A_347 = arith.constant 0 : i32
      %dma_start3A_348 = tpu.memref_slice %arg5[%add3A_109, %dma_start3A_347] : memref<131072x128xf32, #tpu.memory_space<hbm>> -> memref<256x128xf32, #tpu.memory_space<hbm>>
      tpu.enqueue_dma source(%arg10 : memref<256x128xf32, #tpu.memory_space<vmem>>) target(%dma_start3A_348 : memref<256x128xf32, #tpu.memory_space<hbm>>) target_semaphore(%run_scoped3A : memref<!tpu.dma_semaphore, #tpu.memory_space<semaphore_mem>>)
      %dma_wait3A_349 = arith.constant 0 : i32
      %dma_wait3A_350 = tpu.memref_slice %arg5[%add3A_109, %dma_wait3A_349] : memref<131072x128xf32, #tpu.memory_space<hbm>> -> memref<256x128xf32, #tpu.memory_space<hbm>>
      %dma_wait3A_351 = arith.constant 0 : i32
      %dma_wait3A_352 = tpu.memref_slice %arg5[%add3A_109, %dma_wait3A_351] : memref<131072x128xf32, #tpu.memory_space<hbm>> -> memref<256x128xf32, #tpu.memory_space<hbm>>
      tpu.wait_dma2 semaphore(%run_scoped3A : memref<!tpu.dma_semaphore, #tpu.memory_space<semaphore_mem>>) src(%arg10 : memref<256x128xf32, #tpu.memory_space<vmem>>) dst(%dma_wait3A_352 : memref<256x128xf32, #tpu.memory_space<hbm>>)
      tpu.yield
    }) : () -> ()
    %dma_wait3A_110 = arith.constant 1024 : i32
    %dma_wait3A_111 = tpu.memref_slice %arg8[%dma_wait3A_110] : memref<4096xi32, #tpu.memory_space<vmem>> -> memref<256xi32, #tpu.memory_space<vmem>>
    %dma_wait3A_112 = arith.constant 0 : i32
    %dma_wait3A_113 = arith.constant 0 : i32
    %dma_wait3A_114 = tpu.memref_slice %arg4[%dma_wait3A_112, %dma_wait3A_113] : memref<16384x128xf32, #tpu.memory_space<hbm>> -> memref<16384x128xf32, #tpu.memory_space<hbm>>
    tpu.wait_indirect_dma semaphore(%arg11 : memref<!tpu.dma_semaphore, #tpu.memory_space<semaphore_mem>>) src(%dma_wait3A_114 : memref<16384x128xf32, #tpu.memory_space<hbm>>) dst(%arg9 : memref<256x128xf32, #tpu.memory_space<vmem>>)
    %dma_start3A_115 = arith.constant 1280 : i32
    %dma_start3A_116 = tpu.memref_slice %arg8[%dma_start3A_115] : memref<4096xi32, #tpu.memory_space<vmem>> -> memref<256xi32, #tpu.memory_space<vmem>>
    %dma_start3A_117 = arith.constant 0 : i32
    %dma_start3A_118 = arith.constant 0 : i32
    %dma_start3A_119 = tpu.memref_slice %arg4[%dma_start3A_117, %dma_start3A_118] : memref<16384x128xf32, #tpu.memory_space<hbm>> -> memref<16384x128xf32, #tpu.memory_space<hbm>>
    tpu.enqueue_indirect_dma source(%dma_start3A_119 : memref<16384x128xf32, #tpu.memory_space<hbm>>) target(%arg10 : memref<256x128xf32, #tpu.memory_space<vmem>>) offsets(%dma_start3A_116 : memref<256xi32, #tpu.memory_space<vmem>>) semaphore(%arg12 : memref<!tpu.dma_semaphore, #tpu.memory_space<semaphore_mem>>)
    %scan3A_120 = arith.constant 0 : i32
    %scan3A_121 = arith.constant 0 : i32
    %scan3A_122 = arith.constant 4 : i32
    %scan3A_123 = arith.addi %scan3A_121, %scan3A_122 : i32
    %scan3A_124 = arith.constant 1 : i32
    scf.for %scan3A_345 = %scan3A_121 to %scan3A_123 step %scan3A_124  : i32 {
      %add3A_346 = arith.constant 16 : i32
      %add3A_347 = arith.addi %add3A_346, %scan3A_345 : i32
      %get3A = arith.index_cast %add3A_347 : i32 to index
      %get3A_348 = arith.constant 0 : index
      %get3A_349 = tpu.vector_load %arg7[%get3A, %get3A_348] {strides = array<i32>} : memref<64x16xf32, #tpu.memory_space<vmem>>, vector<16xf32>,
      %lt3A = arith.constant 3 : i32
      %lt3A_350 = vector.broadcast %lt3A : i32 to vector<16xi32>
      %lt3A_351 = arith.cmpi slt, %iota3A, %lt3A_350 : vector<16xi32>
      %jit3A_352 = arith.constant 0.000000e+00 : f32
      %broadcast_in_dim3A = vector.broadcast %jit3A_352 : f32 to vector<16xf32>
      %select_n3A_353 = arith.select %lt3A_351, %get3A_349, %broadcast_in_dim3A : vector<16xi1>, vector<16xf32>
      %scan3A_354 = arith.constant 0 : i32
      %scan3A_355 = arith.constant 64 : i32
      %scan3A_356 = arith.addi %scan3A_354, %scan3A_355 : i32
      %scan3A_357 = arith.constant 1 : i32
      scf.for %scan3A_359 = %scan3A_354 to %scan3A_356 step %scan3A_357  : i32 {
        %mul3A_360 = arith.constant 64 : i32
        %mul3A_361 = arith.muli %scan3A_345, %mul3A_360 : i32
        %add3A_362 = arith.addi %mul3A_361, %scan3A_359 : i32
        %get3A_363 = arith.index_cast %add3A_362 : i32 to index
        %get3A_364 = arith.constant 0 : index
        %get3A_365 = tpu.vector_load %arg9[%get3A_363, %get3A_364] {strides = array<i32>} : memref<256x128xf32, #tpu.memory_space<vmem>>, vector<16xf32>,
        %sub3A_366 = arith.subf %get3A_365, %select_n3A_353 : vector<16xf32>
        %swap3A = arith.index_cast %add3A_362 : i32 to index
        %swap3A_367 = arith.constant 0 : index
        %swap3A_368 = tpu.vector_load %arg9[%swap3A, %swap3A_367] {strides = array<i32>} : memref<256x128xf32, #tpu.memory_space<vmem>>, vector<16xf32>,
        tpu.vector_store %arg9[%swap3A, %swap3A_367], %sub3A_366 {strides = array<i32>} : memref<256x128xf32, #tpu.memory_space<vmem>>, vector<16xf32>,
      }
      %scan3A_358 = arith.constant 64 : i32
    }
    %scan3A_125 = arith.constant 4 : i32
    %mul3A_126 = arith.constant 4096 : i32
    %mul3A_127 = arith.muli %add3A, %mul3A_126 : i32
    %add3A_128 = arith.constant 1024 : i32
    %add3A_129 = arith.addi %mul3A_127, %add3A_128 : i32
    "tpu.region"() ({
      %run_scoped3A = tpu.sem_alloc : memref<!tpu.dma_semaphore, #tpu.memory_space<semaphore_mem>>
      %dma_start3A_345 = arith.constant 0 : i32
      %dma_start3A_346 = tpu.memref_slice %arg5[%add3A_129, %dma_start3A_345] : memref<131072x128xf32, #tpu.memory_space<hbm>> -> memref<256x128xf32, #tpu.memory_space<hbm>>
      %dma_start3A_347 = arith.constant 0 : i32
      %dma_start3A_348 = tpu.memref_slice %arg5[%add3A_129, %dma_start3A_347] : memref<131072x128xf32, #tpu.memory_space<hbm>> -> memref<256x128xf32, #tpu.memory_space<hbm>>
      tpu.enqueue_dma source(%arg9 : memref<256x128xf32, #tpu.memory_space<vmem>>) target(%dma_start3A_348 : memref<256x128xf32, #tpu.memory_space<hbm>>) target_semaphore(%run_scoped3A : memref<!tpu.dma_semaphore, #tpu.memory_space<semaphore_mem>>)
      %dma_wait3A_349 = arith.constant 0 : i32
      %dma_wait3A_350 = tpu.memref_slice %arg5[%add3A_129, %dma_wait3A_349] : memref<131072x128xf32, #tpu.memory_space<hbm>> -> memref<256x128xf32, #tpu.memory_space<hbm>>
      %dma_wait3A_351 = arith.constant 0 : i32
      %dma_wait3A_352 = tpu.memref_slice %arg5[%add3A_129, %dma_wait3A_351] : memref<131072x128xf32, #tpu.memory_space<hbm>> -> memref<256x128xf32, #tpu.memory_space<hbm>>
      tpu.wait_dma2 semaphore(%run_scoped3A : memref<!tpu.dma_semaphore, #tpu.memory_space<semaphore_mem>>) src(%arg9 : memref<256x128xf32, #tpu.memory_space<vmem>>) dst(%dma_wait3A_352 : memref<256x128xf32, #tpu.memory_space<hbm>>)
      tpu.yield
    }) : () -> ()
    %dma_wait3A_130 = arith.constant 1280 : i32
    %dma_wait3A_131 = tpu.memref_slice %arg8[%dma_wait3A_130] : memref<4096xi32, #tpu.memory_space<vmem>> -> memref<256xi32, #tpu.memory_space<vmem>>
    %dma_wait3A_132 = arith.constant 0 : i32
    %dma_wait3A_133 = arith.constant 0 : i32
    %dma_wait3A_134 = tpu.memref_slice %arg4[%dma_wait3A_132, %dma_wait3A_133] : memref<16384x128xf32, #tpu.memory_space<hbm>> -> memref<16384x128xf32, #tpu.memory_space<hbm>>
    tpu.wait_indirect_dma semaphore(%arg12 : memref<!tpu.dma_semaphore, #tpu.memory_space<semaphore_mem>>) src(%dma_wait3A_134 : memref<16384x128xf32, #tpu.memory_space<hbm>>) dst(%arg10 : memref<256x128xf32, #tpu.memory_space<vmem>>)
    %dma_start3A_135 = arith.constant 1536 : i32
    %dma_start3A_136 = tpu.memref_slice %arg8[%dma_start3A_135] : memref<4096xi32, #tpu.memory_space<vmem>> -> memref<256xi32, #tpu.memory_space<vmem>>
    %dma_start3A_137 = arith.constant 0 : i32
    %dma_start3A_138 = arith.constant 0 : i32
    %dma_start3A_139 = tpu.memref_slice %arg4[%dma_start3A_137, %dma_start3A_138] : memref<16384x128xf32, #tpu.memory_space<hbm>> -> memref<16384x128xf32, #tpu.memory_space<hbm>>
    tpu.enqueue_indirect_dma source(%dma_start3A_139 : memref<16384x128xf32, #tpu.memory_space<hbm>>) target(%arg9 : memref<256x128xf32, #tpu.memory_space<vmem>>) offsets(%dma_start3A_136 : memref<256xi32, #tpu.memory_space<vmem>>) semaphore(%arg11 : memref<!tpu.dma_semaphore, #tpu.memory_space<semaphore_mem>>)
    %scan3A_140 = arith.constant 0 : i32
    %scan3A_141 = arith.constant 0 : i32
    %scan3A_142 = arith.constant 4 : i32
    %scan3A_143 = arith.addi %scan3A_141, %scan3A_142 : i32
    %scan3A_144 = arith.constant 1 : i32
    scf.for %scan3A_345 = %scan3A_141 to %scan3A_143 step %scan3A_144  : i32 {
      %add3A_346 = arith.constant 20 : i32
      %add3A_347 = arith.addi %add3A_346, %scan3A_345 : i32
      %get3A = arith.index_cast %add3A_347 : i32 to index
      %get3A_348 = arith.constant 0 : index
      %get3A_349 = tpu.vector_load %arg7[%get3A, %get3A_348] {strides = array<i32>} : memref<64x16xf32, #tpu.memory_space<vmem>>, vector<16xf32>,
      %lt3A = arith.constant 3 : i32
      %lt3A_350 = vector.broadcast %lt3A : i32 to vector<16xi32>
      %lt3A_351 = arith.cmpi slt, %iota3A, %lt3A_350 : vector<16xi32>
      %jit3A_352 = arith.constant 0.000000e+00 : f32
      %broadcast_in_dim3A = vector.broadcast %jit3A_352 : f32 to vector<16xf32>
      %select_n3A_353 = arith.select %lt3A_351, %get3A_349, %broadcast_in_dim3A : vector<16xi1>, vector<16xf32>
      %scan3A_354 = arith.constant 0 : i32
      %scan3A_355 = arith.constant 64 : i32
      %scan3A_356 = arith.addi %scan3A_354, %scan3A_355 : i32
      %scan3A_357 = arith.constant 1 : i32
      scf.for %scan3A_359 = %scan3A_354 to %scan3A_356 step %scan3A_357  : i32 {
        %mul3A_360 = arith.constant 64 : i32
        %mul3A_361 = arith.muli %scan3A_345, %mul3A_360 : i32
        %add3A_362 = arith.addi %mul3A_361, %scan3A_359 : i32
        %get3A_363 = arith.index_cast %add3A_362 : i32 to index
        %get3A_364 = arith.constant 0 : index
        %get3A_365 = tpu.vector_load %arg10[%get3A_363, %get3A_364] {strides = array<i32>} : memref<256x128xf32, #tpu.memory_space<vmem>>, vector<16xf32>,
        %sub3A_366 = arith.subf %get3A_365, %select_n3A_353 : vector<16xf32>
        %swap3A = arith.index_cast %add3A_362 : i32 to index
        %swap3A_367 = arith.constant 0 : index
        %swap3A_368 = tpu.vector_load %arg10[%swap3A, %swap3A_367] {strides = array<i32>} : memref<256x128xf32, #tpu.memory_space<vmem>>, vector<16xf32>,
        tpu.vector_store %arg10[%swap3A, %swap3A_367], %sub3A_366 {strides = array<i32>} : memref<256x128xf32, #tpu.memory_space<vmem>>, vector<16xf32>,
      }
      %scan3A_358 = arith.constant 64 : i32
    }
    %scan3A_145 = arith.constant 4 : i32
    %mul3A_146 = arith.constant 4096 : i32
    %mul3A_147 = arith.muli %add3A, %mul3A_146 : i32
    %add3A_148 = arith.constant 1280 : i32
    %add3A_149 = arith.addi %mul3A_147, %add3A_148 : i32
    "tpu.region"() ({
      %run_scoped3A = tpu.sem_alloc : memref<!tpu.dma_semaphore, #tpu.memory_space<semaphore_mem>>
      %dma_start3A_345 = arith.constant 0 : i32
      %dma_start3A_346 = tpu.memref_slice %arg5[%add3A_149, %dma_start3A_345] : memref<131072x128xf32, #tpu.memory_space<hbm>> -> memref<256x128xf32, #tpu.memory_space<hbm>>
      %dma_start3A_347 = arith.constant 0 : i32
      %dma_start3A_348 = tpu.memref_slice %arg5[%add3A_149, %dma_start3A_347] : memref<131072x128xf32, #tpu.memory_space<hbm>> -> memref<256x128xf32, #tpu.memory_space<hbm>>
      tpu.enqueue_dma source(%arg10 : memref<256x128xf32, #tpu.memory_space<vmem>>) target(%dma_start3A_348 : memref<256x128xf32, #tpu.memory_space<hbm>>) target_semaphore(%run_scoped3A : memref<!tpu.dma_semaphore, #tpu.memory_space<semaphore_mem>>)
      %dma_wait3A_349 = arith.constant 0 : i32
      %dma_wait3A_350 = tpu.memref_slice %arg5[%add3A_149, %dma_wait3A_349] : memref<131072x128xf32, #tpu.memory_space<hbm>> -> memref<256x128xf32, #tpu.memory_space<hbm>>
      %dma_wait3A_351 = arith.constant 0 : i32
      %dma_wait3A_352 = tpu.memref_slice %arg5[%add3A_149, %dma_wait3A_351] : memref<131072x128xf32, #tpu.memory_space<hbm>> -> memref<256x128xf32, #tpu.memory_space<hbm>>
      tpu.wait_dma2 semaphore(%run_scoped3A : memref<!tpu.dma_semaphore, #tpu.memory_space<semaphore_mem>>) src(%arg10 : memref<256x128xf32, #tpu.memory_space<vmem>>) dst(%dma_wait3A_352 : memref<256x128xf32, #tpu.memory_space<hbm>>)
      tpu.yield
    }) : () -> ()
    %dma_wait3A_150 = arith.constant 1536 : i32
    %dma_wait3A_151 = tpu.memref_slice %arg8[%dma_wait3A_150] : memref<4096xi32, #tpu.memory_space<vmem>> -> memref<256xi32, #tpu.memory_space<vmem>>
    %dma_wait3A_152 = arith.constant 0 : i32
    %dma_wait3A_153 = arith.constant 0 : i32
    %dma_wait3A_154 = tpu.memref_slice %arg4[%dma_wait3A_152, %dma_wait3A_153] : memref<16384x128xf32, #tpu.memory_space<hbm>> -> memref<16384x128xf32, #tpu.memory_space<hbm>>
    tpu.wait_indirect_dma semaphore(%arg11 : memref<!tpu.dma_semaphore, #tpu.memory_space<semaphore_mem>>) src(%dma_wait3A_154 : memref<16384x128xf32, #tpu.memory_space<hbm>>) dst(%arg9 : memref<256x128xf32, #tpu.memory_space<vmem>>)
    %dma_start3A_155 = arith.constant 1792 : i32
    %dma_start3A_156 = tpu.memref_slice %arg8[%dma_start3A_155] : memref<4096xi32, #tpu.memory_space<vmem>> -> memref<256xi32, #tpu.memory_space<vmem>>
    %dma_start3A_157 = arith.constant 0 : i32
    %dma_start3A_158 = arith.constant 0 : i32
    %dma_start3A_159 = tpu.memref_slice %arg4[%dma_start3A_157, %dma_start3A_158] : memref<16384x128xf32, #tpu.memory_space<hbm>> -> memref<16384x128xf32, #tpu.memory_space<hbm>>
    tpu.enqueue_indirect_dma source(%dma_start3A_159 : memref<16384x128xf32, #tpu.memory_space<hbm>>) target(%arg10 : memref<256x128xf32, #tpu.memory_space<vmem>>) offsets(%dma_start3A_156 : memref<256xi32, #tpu.memory_space<vmem>>) semaphore(%arg12 : memref<!tpu.dma_semaphore, #tpu.memory_space<semaphore_mem>>)
    %scan3A_160 = arith.constant 0 : i32
    %scan3A_161 = arith.constant 0 : i32
    %scan3A_162 = arith.constant 4 : i32
    %scan3A_163 = arith.addi %scan3A_161, %scan3A_162 : i32
    %scan3A_164 = arith.constant 1 : i32
    scf.for %scan3A_345 = %scan3A_161 to %scan3A_163 step %scan3A_164  : i32 {
      %add3A_346 = arith.constant 24 : i32
      %add3A_347 = arith.addi %add3A_346, %scan3A_345 : i32
      %get3A = arith.index_cast %add3A_347 : i32 to index
      %get3A_348 = arith.constant 0 : index
      %get3A_349 = tpu.vector_load %arg7[%get3A, %get3A_348] {strides = array<i32>} : memref<64x16xf32, #tpu.memory_space<vmem>>, vector<16xf32>,
      %lt3A = arith.constant 3 : i32
      %lt3A_350 = vector.broadcast %lt3A : i32 to vector<16xi32>
      %lt3A_351 = arith.cmpi slt, %iota3A, %lt3A_350 : vector<16xi32>
      %jit3A_352 = arith.constant 0.000000e+00 : f32
      %broadcast_in_dim3A = vector.broadcast %jit3A_352 : f32 to vector<16xf32>
      %select_n3A_353 = arith.select %lt3A_351, %get3A_349, %broadcast_in_dim3A : vector<16xi1>, vector<16xf32>
      %scan3A_354 = arith.constant 0 : i32
      %scan3A_355 = arith.constant 64 : i32
      %scan3A_356 = arith.addi %scan3A_354, %scan3A_355 : i32
      %scan3A_357 = arith.constant 1 : i32
      scf.for %scan3A_359 = %scan3A_354 to %scan3A_356 step %scan3A_357  : i32 {
        %mul3A_360 = arith.constant 64 : i32
        %mul3A_361 = arith.muli %scan3A_345, %mul3A_360 : i32
        %add3A_362 = arith.addi %mul3A_361, %scan3A_359 : i32
        %get3A_363 = arith.index_cast %add3A_362 : i32 to index
        %get3A_364 = arith.constant 0 : index
        %get3A_365 = tpu.vector_load %arg9[%get3A_363, %get3A_364] {strides = array<i32>} : memref<256x128xf32, #tpu.memory_space<vmem>>, vector<16xf32>,
        %sub3A_366 = arith.subf %get3A_365, %select_n3A_353 : vector<16xf32>
        %swap3A = arith.index_cast %add3A_362 : i32 to index
        %swap3A_367 = arith.constant 0 : index
        %swap3A_368 = tpu.vector_load %arg9[%swap3A, %swap3A_367] {strides = array<i32>} : memref<256x128xf32, #tpu.memory_space<vmem>>, vector<16xf32>,
        tpu.vector_store %arg9[%swap3A, %swap3A_367], %sub3A_366 {strides = array<i32>} : memref<256x128xf32, #tpu.memory_space<vmem>>, vector<16xf32>,
      }
      %scan3A_358 = arith.constant 64 : i32
    }
    %scan3A_165 = arith.constant 4 : i32
    %mul3A_166 = arith.constant 4096 : i32
    %mul3A_167 = arith.muli %add3A, %mul3A_166 : i32
    %add3A_168 = arith.constant 1536 : i32
    %add3A_169 = arith.addi %mul3A_167, %add3A_168 : i32
    "tpu.region"() ({
      %run_scoped3A = tpu.sem_alloc : memref<!tpu.dma_semaphore, #tpu.memory_space<semaphore_mem>>
      %dma_start3A_345 = arith.constant 0 : i32
      %dma_start3A_346 = tpu.memref_slice %arg5[%add3A_169, %dma_start3A_345] : memref<131072x128xf32, #tpu.memory_space<hbm>> -> memref<256x128xf32, #tpu.memory_space<hbm>>
      %dma_start3A_347 = arith.constant 0 : i32
      %dma_start3A_348 = tpu.memref_slice %arg5[%add3A_169, %dma_start3A_347] : memref<131072x128xf32, #tpu.memory_space<hbm>> -> memref<256x128xf32, #tpu.memory_space<hbm>>
      tpu.enqueue_dma source(%arg9 : memref<256x128xf32, #tpu.memory_space<vmem>>) target(%dma_start3A_348 : memref<256x128xf32, #tpu.memory_space<hbm>>) target_semaphore(%run_scoped3A : memref<!tpu.dma_semaphore, #tpu.memory_space<semaphore_mem>>)
      %dma_wait3A_349 = arith.constant 0 : i32
      %dma_wait3A_350 = tpu.memref_slice %arg5[%add3A_169, %dma_wait3A_349] : memref<131072x128xf32, #tpu.memory_space<hbm>> -> memref<256x128xf32, #tpu.memory_space<hbm>>
      %dma_wait3A_351 = arith.constant 0 : i32
      %dma_wait3A_352 = tpu.memref_slice %arg5[%add3A_169, %dma_wait3A_351] : memref<131072x128xf32, #tpu.memory_space<hbm>> -> memref<256x128xf32, #tpu.memory_space<hbm>>
      tpu.wait_dma2 semaphore(%run_scoped3A : memref<!tpu.dma_semaphore, #tpu.memory_space<semaphore_mem>>) src(%arg9 : memref<256x128xf32, #tpu.memory_space<vmem>>) dst(%dma_wait3A_352 : memref<256x128xf32, #tpu.memory_space<hbm>>)
      tpu.yield
    }) : () -> ()
    %dma_wait3A_170 = arith.constant 1792 : i32
    %dma_wait3A_171 = tpu.memref_slice %arg8[%dma_wait3A_170] : memref<4096xi32, #tpu.memory_space<vmem>> -> memref<256xi32, #tpu.memory_space<vmem>>
    %dma_wait3A_172 = arith.constant 0 : i32
    %dma_wait3A_173 = arith.constant 0 : i32
    %dma_wait3A_174 = tpu.memref_slice %arg4[%dma_wait3A_172, %dma_wait3A_173] : memref<16384x128xf32, #tpu.memory_space<hbm>> -> memref<16384x128xf32, #tpu.memory_space<hbm>>
    tpu.wait_indirect_dma semaphore(%arg12 : memref<!tpu.dma_semaphore, #tpu.memory_space<semaphore_mem>>) src(%dma_wait3A_174 : memref<16384x128xf32, #tpu.memory_space<hbm>>) dst(%arg10 : memref<256x128xf32, #tpu.memory_space<vmem>>)
    %dma_start3A_175 = arith.constant 2048 : i32
    %dma_start3A_176 = tpu.memref_slice %arg8[%dma_start3A_175] : memref<4096xi32, #tpu.memory_space<vmem>> -> memref<256xi32, #tpu.memory_space<vmem>>
    %dma_start3A_177 = arith.constant 0 : i32
    %dma_start3A_178 = arith.constant 0 : i32
    %dma_start3A_179 = tpu.memref_slice %arg4[%dma_start3A_177, %dma_start3A_178] : memref<16384x128xf32, #tpu.memory_space<hbm>> -> memref<16384x128xf32, #tpu.memory_space<hbm>>
    tpu.enqueue_indirect_dma source(%dma_start3A_179 : memref<16384x128xf32, #tpu.memory_space<hbm>>) target(%arg9 : memref<256x128xf32, #tpu.memory_space<vmem>>) offsets(%dma_start3A_176 : memref<256xi32, #tpu.memory_space<vmem>>) semaphore(%arg11 : memref<!tpu.dma_semaphore, #tpu.memory_space<semaphore_mem>>)
    %scan3A_180 = arith.constant 0 : i32
    %scan3A_181 = arith.constant 0 : i32
    %scan3A_182 = arith.constant 4 : i32
    %scan3A_183 = arith.addi %scan3A_181, %scan3A_182 : i32
    %scan3A_184 = arith.constant 1 : i32
    scf.for %scan3A_345 = %scan3A_181 to %scan3A_183 step %scan3A_184  : i32 {
      %add3A_346 = arith.constant 28 : i32
      %add3A_347 = arith.addi %add3A_346, %scan3A_345 : i32
      %get3A = arith.index_cast %add3A_347 : i32 to index
      %get3A_348 = arith.constant 0 : index
      %get3A_349 = tpu.vector_load %arg7[%get3A, %get3A_348] {strides = array<i32>} : memref<64x16xf32, #tpu.memory_space<vmem>>, vector<16xf32>,
      %lt3A = arith.constant 3 : i32
      %lt3A_350 = vector.broadcast %lt3A : i32 to vector<16xi32>
      %lt3A_351 = arith.cmpi slt, %iota3A, %lt3A_350 : vector<16xi32>
      %jit3A_352 = arith.constant 0.000000e+00 : f32
      %broadcast_in_dim3A = vector.broadcast %jit3A_352 : f32 to vector<16xf32>
      %select_n3A_353 = arith.select %lt3A_351, %get3A_349, %broadcast_in_dim3A : vector<16xi1>, vector<16xf32>
      %scan3A_354 = arith.constant 0 : i32
      %scan3A_355 = arith.constant 64 : i32
      %scan3A_356 = arith.addi %scan3A_354, %scan3A_355 : i32
      %scan3A_357 = arith.constant 1 : i32
      scf.for %scan3A_359 = %scan3A_354 to %scan3A_356 step %scan3A_357  : i32 {
        %mul3A_360 = arith.constant 64 : i32
        %mul3A_361 = arith.muli %scan3A_345, %mul3A_360 : i32
        %add3A_362 = arith.addi %mul3A_361, %scan3A_359 : i32
        %get3A_363 = arith.index_cast %add3A_362 : i32 to index
        %get3A_364 = arith.constant 0 : index
        %get3A_365 = tpu.vector_load %arg10[%get3A_363, %get3A_364] {strides = array<i32>} : memref<256x128xf32, #tpu.memory_space<vmem>>, vector<16xf32>,
        %sub3A_366 = arith.subf %get3A_365, %select_n3A_353 : vector<16xf32>
        %swap3A = arith.index_cast %add3A_362 : i32 to index
        %swap3A_367 = arith.constant 0 : index
        %swap3A_368 = tpu.vector_load %arg10[%swap3A, %swap3A_367] {strides = array<i32>} : memref<256x128xf32, #tpu.memory_space<vmem>>, vector<16xf32>,
        tpu.vector_store %arg10[%swap3A, %swap3A_367], %sub3A_366 {strides = array<i32>} : memref<256x128xf32, #tpu.memory_space<vmem>>, vector<16xf32>,
      }
      %scan3A_358 = arith.constant 64 : i32
    }
    %scan3A_185 = arith.constant 4 : i32
    %mul3A_186 = arith.constant 4096 : i32
    %mul3A_187 = arith.muli %add3A, %mul3A_186 : i32
    %add3A_188 = arith.constant 1792 : i32
    %add3A_189 = arith.addi %mul3A_187, %add3A_188 : i32
    "tpu.region"() ({
      %run_scoped3A = tpu.sem_alloc : memref<!tpu.dma_semaphore, #tpu.memory_space<semaphore_mem>>
      %dma_start3A_345 = arith.constant 0 : i32
      %dma_start3A_346 = tpu.memref_slice %arg5[%add3A_189, %dma_start3A_345] : memref<131072x128xf32, #tpu.memory_space<hbm>> -> memref<256x128xf32, #tpu.memory_space<hbm>>
      %dma_start3A_347 = arith.constant 0 : i32
      %dma_start3A_348 = tpu.memref_slice %arg5[%add3A_189, %dma_start3A_347] : memref<131072x128xf32, #tpu.memory_space<hbm>> -> memref<256x128xf32, #tpu.memory_space<hbm>>
      tpu.enqueue_dma source(%arg10 : memref<256x128xf32, #tpu.memory_space<vmem>>) target(%dma_start3A_348 : memref<256x128xf32, #tpu.memory_space<hbm>>) target_semaphore(%run_scoped3A : memref<!tpu.dma_semaphore, #tpu.memory_space<semaphore_mem>>)
      %dma_wait3A_349 = arith.constant 0 : i32
      %dma_wait3A_350 = tpu.memref_slice %arg5[%add3A_189, %dma_wait3A_349] : memref<131072x128xf32, #tpu.memory_space<hbm>> -> memref<256x128xf32, #tpu.memory_space<hbm>>
      %dma_wait3A_351 = arith.constant 0 : i32
      %dma_wait3A_352 = tpu.memref_slice %arg5[%add3A_189, %dma_wait3A_351] : memref<131072x128xf32, #tpu.memory_space<hbm>> -> memref<256x128xf32, #tpu.memory_space<hbm>>
      tpu.wait_dma2 semaphore(%run_scoped3A : memref<!tpu.dma_semaphore, #tpu.memory_space<semaphore_mem>>) src(%arg10 : memref<256x128xf32, #tpu.memory_space<vmem>>) dst(%dma_wait3A_352 : memref<256x128xf32, #tpu.memory_space<hbm>>)
      tpu.yield
    }) : () -> ()
    %dma_wait3A_190 = arith.constant 2048 : i32
    %dma_wait3A_191 = tpu.memref_slice %arg8[%dma_wait3A_190] : memref<4096xi32, #tpu.memory_space<vmem>> -> memref<256xi32, #tpu.memory_space<vmem>>
    %dma_wait3A_192 = arith.constant 0 : i32
    %dma_wait3A_193 = arith.constant 0 : i32
    %dma_wait3A_194 = tpu.memref_slice %arg4[%dma_wait3A_192, %dma_wait3A_193] : memref<16384x128xf32, #tpu.memory_space<hbm>> -> memref<16384x128xf32, #tpu.memory_space<hbm>>
    tpu.wait_indirect_dma semaphore(%arg11 : memref<!tpu.dma_semaphore, #tpu.memory_space<semaphore_mem>>) src(%dma_wait3A_194 : memref<16384x128xf32, #tpu.memory_space<hbm>>) dst(%arg9 : memref<256x128xf32, #tpu.memory_space<vmem>>)
    %dma_start3A_195 = arith.constant 2304 : i32
    %dma_start3A_196 = tpu.memref_slice %arg8[%dma_start3A_195] : memref<4096xi32, #tpu.memory_space<vmem>> -> memref<256xi32, #tpu.memory_space<vmem>>
    %dma_start3A_197 = arith.constant 0 : i32
    %dma_start3A_198 = arith.constant 0 : i32
    %dma_start3A_199 = tpu.memref_slice %arg4[%dma_start3A_197, %dma_start3A_198] : memref<16384x128xf32, #tpu.memory_space<hbm>> -> memref<16384x128xf32, #tpu.memory_space<hbm>>
    tpu.enqueue_indirect_dma source(%dma_start3A_199 : memref<16384x128xf32, #tpu.memory_space<hbm>>) target(%arg10 : memref<256x128xf32, #tpu.memory_space<vmem>>) offsets(%dma_start3A_196 : memref<256xi32, #tpu.memory_space<vmem>>) semaphore(%arg12 : memref<!tpu.dma_semaphore, #tpu.memory_space<semaphore_mem>>)
    %scan3A_200 = arith.constant 0 : i32
    %scan3A_201 = arith.constant 0 : i32
    %scan3A_202 = arith.constant 4 : i32
    %scan3A_203 = arith.addi %scan3A_201, %scan3A_202 : i32
    %scan3A_204 = arith.constant 1 : i32
    scf.for %scan3A_345 = %scan3A_201 to %scan3A_203 step %scan3A_204  : i32 {
      %add3A_346 = arith.constant 32 : i32
      %add3A_347 = arith.addi %add3A_346, %scan3A_345 : i32
      %get3A = arith.index_cast %add3A_347 : i32 to index
      %get3A_348 = arith.constant 0 : index
      %get3A_349 = tpu.vector_load %arg7[%get3A, %get3A_348] {strides = array<i32>} : memref<64x16xf32, #tpu.memory_space<vmem>>, vector<16xf32>,
      %lt3A = arith.constant 3 : i32
      %lt3A_350 = vector.broadcast %lt3A : i32 to vector<16xi32>
      %lt3A_351 = arith.cmpi slt, %iota3A, %lt3A_350 : vector<16xi32>
      %jit3A_352 = arith.constant 0.000000e+00 : f32
      %broadcast_in_dim3A = vector.broadcast %jit3A_352 : f32 to vector<16xf32>
      %select_n3A_353 = arith.select %lt3A_351, %get3A_349, %broadcast_in_dim3A : vector<16xi1>, vector<16xf32>
      %scan3A_354 = arith.constant 0 : i32
      %scan3A_355 = arith.constant 64 : i32
      %scan3A_356 = arith.addi %scan3A_354, %scan3A_355 : i32
      %scan3A_357 = arith.constant 1 : i32
      scf.for %scan3A_359 = %scan3A_354 to %scan3A_356 step %scan3A_357  : i32 {
        %mul3A_360 = arith.constant 64 : i32
        %mul3A_361 = arith.muli %scan3A_345, %mul3A_360 : i32
        %add3A_362 = arith.addi %mul3A_361, %scan3A_359 : i32
        %get3A_363 = arith.index_cast %add3A_362 : i32 to index
        %get3A_364 = arith.constant 0 : index
        %get3A_365 = tpu.vector_load %arg9[%get3A_363, %get3A_364] {strides = array<i32>} : memref<256x128xf32, #tpu.memory_space<vmem>>, vector<16xf32>,
        %sub3A_366 = arith.subf %get3A_365, %select_n3A_353 : vector<16xf32>
        %swap3A = arith.index_cast %add3A_362 : i32 to index
        %swap3A_367 = arith.constant 0 : index
        %swap3A_368 = tpu.vector_load %arg9[%swap3A, %swap3A_367] {strides = array<i32>} : memref<256x128xf32, #tpu.memory_space<vmem>>, vector<16xf32>,
        tpu.vector_store %arg9[%swap3A, %swap3A_367], %sub3A_366 {strides = array<i32>} : memref<256x128xf32, #tpu.memory_space<vmem>>, vector<16xf32>,
      }
      %scan3A_358 = arith.constant 64 : i32
    }
    %scan3A_205 = arith.constant 4 : i32
    %mul3A_206 = arith.constant 4096 : i32
    %mul3A_207 = arith.muli %add3A, %mul3A_206 : i32
    %add3A_208 = arith.constant 2048 : i32
    %add3A_209 = arith.addi %mul3A_207, %add3A_208 : i32
    "tpu.region"() ({
      %run_scoped3A = tpu.sem_alloc : memref<!tpu.dma_semaphore, #tpu.memory_space<semaphore_mem>>
      %dma_start3A_345 = arith.constant 0 : i32
      %dma_start3A_346 = tpu.memref_slice %arg5[%add3A_209, %dma_start3A_345] : memref<131072x128xf32, #tpu.memory_space<hbm>> -> memref<256x128xf32, #tpu.memory_space<hbm>>
      %dma_start3A_347 = arith.constant 0 : i32
      %dma_start3A_348 = tpu.memref_slice %arg5[%add3A_209, %dma_start3A_347] : memref<131072x128xf32, #tpu.memory_space<hbm>> -> memref<256x128xf32, #tpu.memory_space<hbm>>
      tpu.enqueue_dma source(%arg9 : memref<256x128xf32, #tpu.memory_space<vmem>>) target(%dma_start3A_348 : memref<256x128xf32, #tpu.memory_space<hbm>>) target_semaphore(%run_scoped3A : memref<!tpu.dma_semaphore, #tpu.memory_space<semaphore_mem>>)
      %dma_wait3A_349 = arith.constant 0 : i32
      %dma_wait3A_350 = tpu.memref_slice %arg5[%add3A_209, %dma_wait3A_349] : memref<131072x128xf32, #tpu.memory_space<hbm>> -> memref<256x128xf32, #tpu.memory_space<hbm>>
      %dma_wait3A_351 = arith.constant 0 : i32
      %dma_wait3A_352 = tpu.memref_slice %arg5[%add3A_209, %dma_wait3A_351] : memref<131072x128xf32, #tpu.memory_space<hbm>> -> memref<256x128xf32, #tpu.memory_space<hbm>>
      tpu.wait_dma2 semaphore(%run_scoped3A : memref<!tpu.dma_semaphore, #tpu.memory_space<semaphore_mem>>) src(%arg9 : memref<256x128xf32, #tpu.memory_space<vmem>>) dst(%dma_wait3A_352 : memref<256x128xf32, #tpu.memory_space<hbm>>)
      tpu.yield
    }) : () -> ()
    %dma_wait3A_210 = arith.constant 2304 : i32
    %dma_wait3A_211 = tpu.memref_slice %arg8[%dma_wait3A_210] : memref<4096xi32, #tpu.memory_space<vmem>> -> memref<256xi32, #tpu.memory_space<vmem>>
    %dma_wait3A_212 = arith.constant 0 : i32
    %dma_wait3A_213 = arith.constant 0 : i32
    %dma_wait3A_214 = tpu.memref_slice %arg4[%dma_wait3A_212, %dma_wait3A_213] : memref<16384x128xf32, #tpu.memory_space<hbm>> -> memref<16384x128xf32, #tpu.memory_space<hbm>>
    tpu.wait_indirect_dma semaphore(%arg12 : memref<!tpu.dma_semaphore, #tpu.memory_space<semaphore_mem>>) src(%dma_wait3A_214 : memref<16384x128xf32, #tpu.memory_space<hbm>>) dst(%arg10 : memref<256x128xf32, #tpu.memory_space<vmem>>)
    %dma_start3A_215 = arith.constant 2560 : i32
    %dma_start3A_216 = tpu.memref_slice %arg8[%dma_start3A_215] : memref<4096xi32, #tpu.memory_space<vmem>> -> memref<256xi32, #tpu.memory_space<vmem>>
    %dma_start3A_217 = arith.constant 0 : i32
    %dma_start3A_218 = arith.constant 0 : i32
    %dma_start3A_219 = tpu.memref_slice %arg4[%dma_start3A_217, %dma_start3A_218] : memref<16384x128xf32, #tpu.memory_space<hbm>> -> memref<16384x128xf32, #tpu.memory_space<hbm>>
    tpu.enqueue_indirect_dma source(%dma_start3A_219 : memref<16384x128xf32, #tpu.memory_space<hbm>>) target(%arg9 : memref<256x128xf32, #tpu.memory_space<vmem>>) offsets(%dma_start3A_216 : memref<256xi32, #tpu.memory_space<vmem>>) semaphore(%arg11 : memref<!tpu.dma_semaphore, #tpu.memory_space<semaphore_mem>>)
    %scan3A_220 = arith.constant 0 : i32
    %scan3A_221 = arith.constant 0 : i32
    %scan3A_222 = arith.constant 4 : i32
    %scan3A_223 = arith.addi %scan3A_221, %scan3A_222 : i32
    %scan3A_224 = arith.constant 1 : i32
    scf.for %scan3A_345 = %scan3A_221 to %scan3A_223 step %scan3A_224  : i32 {
      %add3A_346 = arith.constant 36 : i32
      %add3A_347 = arith.addi %add3A_346, %scan3A_345 : i32
      %get3A = arith.index_cast %add3A_347 : i32 to index
      %get3A_348 = arith.constant 0 : index
      %get3A_349 = tpu.vector_load %arg7[%get3A, %get3A_348] {strides = array<i32>} : memref<64x16xf32, #tpu.memory_space<vmem>>, vector<16xf32>,
      %lt3A = arith.constant 3 : i32
      %lt3A_350 = vector.broadcast %lt3A : i32 to vector<16xi32>
      %lt3A_351 = arith.cmpi slt, %iota3A, %lt3A_350 : vector<16xi32>
      %jit3A_352 = arith.constant 0.000000e+00 : f32
      %broadcast_in_dim3A = vector.broadcast %jit3A_352 : f32 to vector<16xf32>
      %select_n3A_353 = arith.select %lt3A_351, %get3A_349, %broadcast_in_dim3A : vector<16xi1>, vector<16xf32>
      %scan3A_354 = arith.constant 0 : i32
      %scan3A_355 = arith.constant 64 : i32
      %scan3A_356 = arith.addi %scan3A_354, %scan3A_355 : i32
      %scan3A_357 = arith.constant 1 : i32
      scf.for %scan3A_359 = %scan3A_354 to %scan3A_356 step %scan3A_357  : i32 {
        %mul3A_360 = arith.constant 64 : i32
        %mul3A_361 = arith.muli %scan3A_345, %mul3A_360 : i32
        %add3A_362 = arith.addi %mul3A_361, %scan3A_359 : i32
        %get3A_363 = arith.index_cast %add3A_362 : i32 to index
        %get3A_364 = arith.constant 0 : index
        %get3A_365 = tpu.vector_load %arg10[%get3A_363, %get3A_364] {strides = array<i32>} : memref<256x128xf32, #tpu.memory_space<vmem>>, vector<16xf32>,
        %sub3A_366 = arith.subf %get3A_365, %select_n3A_353 : vector<16xf32>
        %swap3A = arith.index_cast %add3A_362 : i32 to index
        %swap3A_367 = arith.constant 0 : index
        %swap3A_368 = tpu.vector_load %arg10[%swap3A, %swap3A_367] {strides = array<i32>} : memref<256x128xf32, #tpu.memory_space<vmem>>, vector<16xf32>,
        tpu.vector_store %arg10[%swap3A, %swap3A_367], %sub3A_366 {strides = array<i32>} : memref<256x128xf32, #tpu.memory_space<vmem>>, vector<16xf32>,
      }
      %scan3A_358 = arith.constant 64 : i32
    }
    %scan3A_225 = arith.constant 4 : i32
    %mul3A_226 = arith.constant 4096 : i32
    %mul3A_227 = arith.muli %add3A, %mul3A_226 : i32
    %add3A_228 = arith.constant 2304 : i32
    %add3A_229 = arith.addi %mul3A_227, %add3A_228 : i32
    "tpu.region"() ({
      %run_scoped3A = tpu.sem_alloc : memref<!tpu.dma_semaphore, #tpu.memory_space<semaphore_mem>>
      %dma_start3A_345 = arith.constant 0 : i32
      %dma_start3A_346 = tpu.memref_slice %arg5[%add3A_229, %dma_start3A_345] : memref<131072x128xf32, #tpu.memory_space<hbm>> -> memref<256x128xf32, #tpu.memory_space<hbm>>
      %dma_start3A_347 = arith.constant 0 : i32
      %dma_start3A_348 = tpu.memref_slice %arg5[%add3A_229, %dma_start3A_347] : memref<131072x128xf32, #tpu.memory_space<hbm>> -> memref<256x128xf32, #tpu.memory_space<hbm>>
      tpu.enqueue_dma source(%arg10 : memref<256x128xf32, #tpu.memory_space<vmem>>) target(%dma_start3A_348 : memref<256x128xf32, #tpu.memory_space<hbm>>) target_semaphore(%run_scoped3A : memref<!tpu.dma_semaphore, #tpu.memory_space<semaphore_mem>>)
      %dma_wait3A_349 = arith.constant 0 : i32
      %dma_wait3A_350 = tpu.memref_slice %arg5[%add3A_229, %dma_wait3A_349] : memref<131072x128xf32, #tpu.memory_space<hbm>> -> memref<256x128xf32, #tpu.memory_space<hbm>>
      %dma_wait3A_351 = arith.constant 0 : i32
      %dma_wait3A_352 = tpu.memref_slice %arg5[%add3A_229, %dma_wait3A_351] : memref<131072x128xf32, #tpu.memory_space<hbm>> -> memref<256x128xf32, #tpu.memory_space<hbm>>
      tpu.wait_dma2 semaphore(%run_scoped3A : memref<!tpu.dma_semaphore, #tpu.memory_space<semaphore_mem>>) src(%arg10 : memref<256x128xf32, #tpu.memory_space<vmem>>) dst(%dma_wait3A_352 : memref<256x128xf32, #tpu.memory_space<hbm>>)
      tpu.yield
    }) : () -> ()
    %dma_wait3A_230 = arith.constant 2560 : i32
    %dma_wait3A_231 = tpu.memref_slice %arg8[%dma_wait3A_230] : memref<4096xi32, #tpu.memory_space<vmem>> -> memref<256xi32, #tpu.memory_space<vmem>>
    %dma_wait3A_232 = arith.constant 0 : i32
    %dma_wait3A_233 = arith.constant 0 : i32
    %dma_wait3A_234 = tpu.memref_slice %arg4[%dma_wait3A_232, %dma_wait3A_233] : memref<16384x128xf32, #tpu.memory_space<hbm>> -> memref<16384x128xf32, #tpu.memory_space<hbm>>
    tpu.wait_indirect_dma semaphore(%arg11 : memref<!tpu.dma_semaphore, #tpu.memory_space<semaphore_mem>>) src(%dma_wait3A_234 : memref<16384x128xf32, #tpu.memory_space<hbm>>) dst(%arg9 : memref<256x128xf32, #tpu.memory_space<vmem>>)
    %dma_start3A_235 = arith.constant 2816 : i32
    %dma_start3A_236 = tpu.memref_slice %arg8[%dma_start3A_235] : memref<4096xi32, #tpu.memory_space<vmem>> -> memref<256xi32, #tpu.memory_space<vmem>>
    %dma_start3A_237 = arith.constant 0 : i32
    %dma_start3A_238 = arith.constant 0 : i32
    %dma_start3A_239 = tpu.memref_slice %arg4[%dma_start3A_237, %dma_start3A_238] : memref<16384x128xf32, #tpu.memory_space<hbm>> -> memref<16384x128xf32, #tpu.memory_space<hbm>>
    tpu.enqueue_indirect_dma source(%dma_start3A_239 : memref<16384x128xf32, #tpu.memory_space<hbm>>) target(%arg10 : memref<256x128xf32, #tpu.memory_space<vmem>>) offsets(%dma_start3A_236 : memref<256xi32, #tpu.memory_space<vmem>>) semaphore(%arg12 : memref<!tpu.dma_semaphore, #tpu.memory_space<semaphore_mem>>)
    %scan3A_240 = arith.constant 0 : i32
    %scan3A_241 = arith.constant 0 : i32
    %scan3A_242 = arith.constant 4 : i32
    %scan3A_243 = arith.addi %scan3A_241, %scan3A_242 : i32
    %scan3A_244 = arith.constant 1 : i32
    scf.for %scan3A_345 = %scan3A_241 to %scan3A_243 step %scan3A_244  : i32 {
      %add3A_346 = arith.constant 40 : i32
      %add3A_347 = arith.addi %add3A_346, %scan3A_345 : i32
      %get3A = arith.index_cast %add3A_347 : i32 to index
      %get3A_348 = arith.constant 0 : index
      %get3A_349 = tpu.vector_load %arg7[%get3A, %get3A_348] {strides = array<i32>} : memref<64x16xf32, #tpu.memory_space<vmem>>, vector<16xf32>,
      %lt3A = arith.constant 3 : i32
      %lt3A_350 = vector.broadcast %lt3A : i32 to vector<16xi32>
      %lt3A_351 = arith.cmpi slt, %iota3A, %lt3A_350 : vector<16xi32>
      %jit3A_352 = arith.constant 0.000000e+00 : f32
      %broadcast_in_dim3A = vector.broadcast %jit3A_352 : f32 to vector<16xf32>
      %select_n3A_353 = arith.select %lt3A_351, %get3A_349, %broadcast_in_dim3A : vector<16xi1>, vector<16xf32>
      %scan3A_354 = arith.constant 0 : i32
      %scan3A_355 = arith.constant 64 : i32
      %scan3A_356 = arith.addi %scan3A_354, %scan3A_355 : i32
      %scan3A_357 = arith.constant 1 : i32
      scf.for %scan3A_359 = %scan3A_354 to %scan3A_356 step %scan3A_357  : i32 {
        %mul3A_360 = arith.constant 64 : i32
        %mul3A_361 = arith.muli %scan3A_345, %mul3A_360 : i32
        %add3A_362 = arith.addi %mul3A_361, %scan3A_359 : i32
        %get3A_363 = arith.index_cast %add3A_362 : i32 to index
        %get3A_364 = arith.constant 0 : index
        %get3A_365 = tpu.vector_load %arg9[%get3A_363, %get3A_364] {strides = array<i32>} : memref<256x128xf32, #tpu.memory_space<vmem>>, vector<16xf32>,
        %sub3A_366 = arith.subf %get3A_365, %select_n3A_353 : vector<16xf32>
        %swap3A = arith.index_cast %add3A_362 : i32 to index
        %swap3A_367 = arith.constant 0 : index
        %swap3A_368 = tpu.vector_load %arg9[%swap3A, %swap3A_367] {strides = array<i32>} : memref<256x128xf32, #tpu.memory_space<vmem>>, vector<16xf32>,
        tpu.vector_store %arg9[%swap3A, %swap3A_367], %sub3A_366 {strides = array<i32>} : memref<256x128xf32, #tpu.memory_space<vmem>>, vector<16xf32>,
      }
      %scan3A_358 = arith.constant 64 : i32
    }
    %scan3A_245 = arith.constant 4 : i32
    %mul3A_246 = arith.constant 4096 : i32
    %mul3A_247 = arith.muli %add3A, %mul3A_246 : i32
    %add3A_248 = arith.constant 2560 : i32
    %add3A_249 = arith.addi %mul3A_247, %add3A_248 : i32
    "tpu.region"() ({
      %run_scoped3A = tpu.sem_alloc : memref<!tpu.dma_semaphore, #tpu.memory_space<semaphore_mem>>
      %dma_start3A_345 = arith.constant 0 : i32
      %dma_start3A_346 = tpu.memref_slice %arg5[%add3A_249, %dma_start3A_345] : memref<131072x128xf32, #tpu.memory_space<hbm>> -> memref<256x128xf32, #tpu.memory_space<hbm>>
      %dma_start3A_347 = arith.constant 0 : i32
      %dma_start3A_348 = tpu.memref_slice %arg5[%add3A_249, %dma_start3A_347] : memref<131072x128xf32, #tpu.memory_space<hbm>> -> memref<256x128xf32, #tpu.memory_space<hbm>>
      tpu.enqueue_dma source(%arg9 : memref<256x128xf32, #tpu.memory_space<vmem>>) target(%dma_start3A_348 : memref<256x128xf32, #tpu.memory_space<hbm>>) target_semaphore(%run_scoped3A : memref<!tpu.dma_semaphore, #tpu.memory_space<semaphore_mem>>)
      %dma_wait3A_349 = arith.constant 0 : i32
      %dma_wait3A_350 = tpu.memref_slice %arg5[%add3A_249, %dma_wait3A_349] : memref<131072x128xf32, #tpu.memory_space<hbm>> -> memref<256x128xf32, #tpu.memory_space<hbm>>
      %dma_wait3A_351 = arith.constant 0 : i32
      %dma_wait3A_352 = tpu.memref_slice %arg5[%add3A_249, %dma_wait3A_351] : memref<131072x128xf32, #tpu.memory_space<hbm>> -> memref<256x128xf32, #tpu.memory_space<hbm>>
      tpu.wait_dma2 semaphore(%run_scoped3A : memref<!tpu.dma_semaphore, #tpu.memory_space<semaphore_mem>>) src(%arg9 : memref<256x128xf32, #tpu.memory_space<vmem>>) dst(%dma_wait3A_352 : memref<256x128xf32, #tpu.memory_space<hbm>>)
      tpu.yield
    }) : () -> ()
    %dma_wait3A_250 = arith.constant 2816 : i32
    %dma_wait3A_251 = tpu.memref_slice %arg8[%dma_wait3A_250] : memref<4096xi32, #tpu.memory_space<vmem>> -> memref<256xi32, #tpu.memory_space<vmem>>
    %dma_wait3A_252 = arith.constant 0 : i32
    %dma_wait3A_253 = arith.constant 0 : i32
    %dma_wait3A_254 = tpu.memref_slice %arg4[%dma_wait3A_252, %dma_wait3A_253] : memref<16384x128xf32, #tpu.memory_space<hbm>> -> memref<16384x128xf32, #tpu.memory_space<hbm>>
    tpu.wait_indirect_dma semaphore(%arg12 : memref<!tpu.dma_semaphore, #tpu.memory_space<semaphore_mem>>) src(%dma_wait3A_254 : memref<16384x128xf32, #tpu.memory_space<hbm>>) dst(%arg10 : memref<256x128xf32, #tpu.memory_space<vmem>>)
    %dma_start3A_255 = arith.constant 3072 : i32
    %dma_start3A_256 = tpu.memref_slice %arg8[%dma_start3A_255] : memref<4096xi32, #tpu.memory_space<vmem>> -> memref<256xi32, #tpu.memory_space<vmem>>
    %dma_start3A_257 = arith.constant 0 : i32
    %dma_start3A_258 = arith.constant 0 : i32
    %dma_start3A_259 = tpu.memref_slice %arg4[%dma_start3A_257, %dma_start3A_258] : memref<16384x128xf32, #tpu.memory_space<hbm>> -> memref<16384x128xf32, #tpu.memory_space<hbm>>
    tpu.enqueue_indirect_dma source(%dma_start3A_259 : memref<16384x128xf32, #tpu.memory_space<hbm>>) target(%arg9 : memref<256x128xf32, #tpu.memory_space<vmem>>) offsets(%dma_start3A_256 : memref<256xi32, #tpu.memory_space<vmem>>) semaphore(%arg11 : memref<!tpu.dma_semaphore, #tpu.memory_space<semaphore_mem>>)
    %scan3A_260 = arith.constant 0 : i32
    %scan3A_261 = arith.constant 0 : i32
    %scan3A_262 = arith.constant 4 : i32
    %scan3A_263 = arith.addi %scan3A_261, %scan3A_262 : i32
    %scan3A_264 = arith.constant 1 : i32
    scf.for %scan3A_345 = %scan3A_261 to %scan3A_263 step %scan3A_264  : i32 {
      %add3A_346 = arith.constant 44 : i32
      %add3A_347 = arith.addi %add3A_346, %scan3A_345 : i32
      %get3A = arith.index_cast %add3A_347 : i32 to index
      %get3A_348 = arith.constant 0 : index
      %get3A_349 = tpu.vector_load %arg7[%get3A, %get3A_348] {strides = array<i32>} : memref<64x16xf32, #tpu.memory_space<vmem>>, vector<16xf32>,
      %lt3A = arith.constant 3 : i32
      %lt3A_350 = vector.broadcast %lt3A : i32 to vector<16xi32>
      %lt3A_351 = arith.cmpi slt, %iota3A, %lt3A_350 : vector<16xi32>
      %jit3A_352 = arith.constant 0.000000e+00 : f32
      %broadcast_in_dim3A = vector.broadcast %jit3A_352 : f32 to vector<16xf32>
      %select_n3A_353 = arith.select %lt3A_351, %get3A_349, %broadcast_in_dim3A : vector<16xi1>, vector<16xf32>
      %scan3A_354 = arith.constant 0 : i32
      %scan3A_355 = arith.constant 64 : i32
      %scan3A_356 = arith.addi %scan3A_354, %scan3A_355 : i32
      %scan3A_357 = arith.constant 1 : i32
      scf.for %scan3A_359 = %scan3A_354 to %scan3A_356 step %scan3A_357  : i32 {
        %mul3A_360 = arith.constant 64 : i32
        %mul3A_361 = arith.muli %scan3A_345, %mul3A_360 : i32
        %add3A_362 = arith.addi %mul3A_361, %scan3A_359 : i32
        %get3A_363 = arith.index_cast %add3A_362 : i32 to index
        %get3A_364 = arith.constant 0 : index
        %get3A_365 = tpu.vector_load %arg10[%get3A_363, %get3A_364] {strides = array<i32>} : memref<256x128xf32, #tpu.memory_space<vmem>>, vector<16xf32>,
        %sub3A_366 = arith.subf %get3A_365, %select_n3A_353 : vector<16xf32>
        %swap3A = arith.index_cast %add3A_362 : i32 to index
        %swap3A_367 = arith.constant 0 : index
        %swap3A_368 = tpu.vector_load %arg10[%swap3A, %swap3A_367] {strides = array<i32>} : memref<256x128xf32, #tpu.memory_space<vmem>>, vector<16xf32>,
        tpu.vector_store %arg10[%swap3A, %swap3A_367], %sub3A_366 {strides = array<i32>} : memref<256x128xf32, #tpu.memory_space<vmem>>, vector<16xf32>,
      }
      %scan3A_358 = arith.constant 64 : i32
    }
    %scan3A_265 = arith.constant 4 : i32
    %mul3A_266 = arith.constant 4096 : i32
    %mul3A_267 = arith.muli %add3A, %mul3A_266 : i32
    %add3A_268 = arith.constant 2816 : i32
    %add3A_269 = arith.addi %mul3A_267, %add3A_268 : i32
    "tpu.region"() ({
      %run_scoped3A = tpu.sem_alloc : memref<!tpu.dma_semaphore, #tpu.memory_space<semaphore_mem>>
      %dma_start3A_345 = arith.constant 0 : i32
      %dma_start3A_346 = tpu.memref_slice %arg5[%add3A_269, %dma_start3A_345] : memref<131072x128xf32, #tpu.memory_space<hbm>> -> memref<256x128xf32, #tpu.memory_space<hbm>>
      %dma_start3A_347 = arith.constant 0 : i32
      %dma_start3A_348 = tpu.memref_slice %arg5[%add3A_269, %dma_start3A_347] : memref<131072x128xf32, #tpu.memory_space<hbm>> -> memref<256x128xf32, #tpu.memory_space<hbm>>
      tpu.enqueue_dma source(%arg10 : memref<256x128xf32, #tpu.memory_space<vmem>>) target(%dma_start3A_348 : memref<256x128xf32, #tpu.memory_space<hbm>>) target_semaphore(%run_scoped3A : memref<!tpu.dma_semaphore, #tpu.memory_space<semaphore_mem>>)
      %dma_wait3A_349 = arith.constant 0 : i32
      %dma_wait3A_350 = tpu.memref_slice %arg5[%add3A_269, %dma_wait3A_349] : memref<131072x128xf32, #tpu.memory_space<hbm>> -> memref<256x128xf32, #tpu.memory_space<hbm>>
      %dma_wait3A_351 = arith.constant 0 : i32
      %dma_wait3A_352 = tpu.memref_slice %arg5[%add3A_269, %dma_wait3A_351] : memref<131072x128xf32, #tpu.memory_space<hbm>> -> memref<256x128xf32, #tpu.memory_space<hbm>>
      tpu.wait_dma2 semaphore(%run_scoped3A : memref<!tpu.dma_semaphore, #tpu.memory_space<semaphore_mem>>) src(%arg10 : memref<256x128xf32, #tpu.memory_space<vmem>>) dst(%dma_wait3A_352 : memref<256x128xf32, #tpu.memory_space<hbm>>)
      tpu.yield
    }) : () -> ()
    %dma_wait3A_270 = arith.constant 3072 : i32
    %dma_wait3A_271 = tpu.memref_slice %arg8[%dma_wait3A_270] : memref<4096xi32, #tpu.memory_space<vmem>> -> memref<256xi32, #tpu.memory_space<vmem>>
    %dma_wait3A_272 = arith.constant 0 : i32
    %dma_wait3A_273 = arith.constant 0 : i32
    %dma_wait3A_274 = tpu.memref_slice %arg4[%dma_wait3A_272, %dma_wait3A_273] : memref<16384x128xf32, #tpu.memory_space<hbm>> -> memref<16384x128xf32, #tpu.memory_space<hbm>>
    tpu.wait_indirect_dma semaphore(%arg11 : memref<!tpu.dma_semaphore, #tpu.memory_space<semaphore_mem>>) src(%dma_wait3A_274 : memref<16384x128xf32, #tpu.memory_space<hbm>>) dst(%arg9 : memref<256x128xf32, #tpu.memory_space<vmem>>)
    %dma_start3A_275 = arith.constant 3328 : i32
    %dma_start3A_276 = tpu.memref_slice %arg8[%dma_start3A_275] : memref<4096xi32, #tpu.memory_space<vmem>> -> memref<256xi32, #tpu.memory_space<vmem>>
    %dma_start3A_277 = arith.constant 0 : i32
    %dma_start3A_278 = arith.constant 0 : i32
    %dma_start3A_279 = tpu.memref_slice %arg4[%dma_start3A_277, %dma_start3A_278] : memref<16384x128xf32, #tpu.memory_space<hbm>> -> memref<16384x128xf32, #tpu.memory_space<hbm>>
    tpu.enqueue_indirect_dma source(%dma_start3A_279 : memref<16384x128xf32, #tpu.memory_space<hbm>>) target(%arg10 : memref<256x128xf32, #tpu.memory_space<vmem>>) offsets(%dma_start3A_276 : memref<256xi32, #tpu.memory_space<vmem>>) semaphore(%arg12 : memref<!tpu.dma_semaphore, #tpu.memory_space<semaphore_mem>>)
    %scan3A_280 = arith.constant 0 : i32
    %scan3A_281 = arith.constant 0 : i32
    %scan3A_282 = arith.constant 4 : i32
    %scan3A_283 = arith.addi %scan3A_281, %scan3A_282 : i32
    %scan3A_284 = arith.constant 1 : i32
    scf.for %scan3A_345 = %scan3A_281 to %scan3A_283 step %scan3A_284  : i32 {
      %add3A_346 = arith.constant 48 : i32
      %add3A_347 = arith.addi %add3A_346, %scan3A_345 : i32
      %get3A = arith.index_cast %add3A_347 : i32 to index
      %get3A_348 = arith.constant 0 : index
      %get3A_349 = tpu.vector_load %arg7[%get3A, %get3A_348] {strides = array<i32>} : memref<64x16xf32, #tpu.memory_space<vmem>>, vector<16xf32>,
      %lt3A = arith.constant 3 : i32
      %lt3A_350 = vector.broadcast %lt3A : i32 to vector<16xi32>
      %lt3A_351 = arith.cmpi slt, %iota3A, %lt3A_350 : vector<16xi32>
      %jit3A_352 = arith.constant 0.000000e+00 : f32
      %broadcast_in_dim3A = vector.broadcast %jit3A_352 : f32 to vector<16xf32>
      %select_n3A_353 = arith.select %lt3A_351, %get3A_349, %broadcast_in_dim3A : vector<16xi1>, vector<16xf32>
      %scan3A_354 = arith.constant 0 : i32
      %scan3A_355 = arith.constant 64 : i32
      %scan3A_356 = arith.addi %scan3A_354, %scan3A_355 : i32
      %scan3A_357 = arith.constant 1 : i32
      scf.for %scan3A_359 = %scan3A_354 to %scan3A_356 step %scan3A_357  : i32 {
        %mul3A_360 = arith.constant 64 : i32
        %mul3A_361 = arith.muli %scan3A_345, %mul3A_360 : i32
        %add3A_362 = arith.addi %mul3A_361, %scan3A_359 : i32
        %get3A_363 = arith.index_cast %add3A_362 : i32 to index
        %get3A_364 = arith.constant 0 : index
        %get3A_365 = tpu.vector_load %arg9[%get3A_363, %get3A_364] {strides = array<i32>} : memref<256x128xf32, #tpu.memory_space<vmem>>, vector<16xf32>,
        %sub3A_366 = arith.subf %get3A_365, %select_n3A_353 : vector<16xf32>
        %swap3A = arith.index_cast %add3A_362 : i32 to index
        %swap3A_367 = arith.constant 0 : index
        %swap3A_368 = tpu.vector_load %arg9[%swap3A, %swap3A_367] {strides = array<i32>} : memref<256x128xf32, #tpu.memory_space<vmem>>, vector<16xf32>,
        tpu.vector_store %arg9[%swap3A, %swap3A_367], %sub3A_366 {strides = array<i32>} : memref<256x128xf32, #tpu.memory_space<vmem>>, vector<16xf32>,
      }
      %scan3A_358 = arith.constant 64 : i32
    }
    %scan3A_285 = arith.constant 4 : i32
    %mul3A_286 = arith.constant 4096 : i32
    %mul3A_287 = arith.muli %add3A, %mul3A_286 : i32
    %add3A_288 = arith.constant 3072 : i32
    %add3A_289 = arith.addi %mul3A_287, %add3A_288 : i32
    "tpu.region"() ({
      %run_scoped3A = tpu.sem_alloc : memref<!tpu.dma_semaphore, #tpu.memory_space<semaphore_mem>>
      %dma_start3A_345 = arith.constant 0 : i32
      %dma_start3A_346 = tpu.memref_slice %arg5[%add3A_289, %dma_start3A_345] : memref<131072x128xf32, #tpu.memory_space<hbm>> -> memref<256x128xf32, #tpu.memory_space<hbm>>
      %dma_start3A_347 = arith.constant 0 : i32
      %dma_start3A_348 = tpu.memref_slice %arg5[%add3A_289, %dma_start3A_347] : memref<131072x128xf32, #tpu.memory_space<hbm>> -> memref<256x128xf32, #tpu.memory_space<hbm>>
      tpu.enqueue_dma source(%arg9 : memref<256x128xf32, #tpu.memory_space<vmem>>) target(%dma_start3A_348 : memref<256x128xf32, #tpu.memory_space<hbm>>) target_semaphore(%run_scoped3A : memref<!tpu.dma_semaphore, #tpu.memory_space<semaphore_mem>>)
      %dma_wait3A_349 = arith.constant 0 : i32
      %dma_wait3A_350 = tpu.memref_slice %arg5[%add3A_289, %dma_wait3A_349] : memref<131072x128xf32, #tpu.memory_space<hbm>> -> memref<256x128xf32, #tpu.memory_space<hbm>>
      %dma_wait3A_351 = arith.constant 0 : i32
      %dma_wait3A_352 = tpu.memref_slice %arg5[%add3A_289, %dma_wait3A_351] : memref<131072x128xf32, #tpu.memory_space<hbm>> -> memref<256x128xf32, #tpu.memory_space<hbm>>
      tpu.wait_dma2 semaphore(%run_scoped3A : memref<!tpu.dma_semaphore, #tpu.memory_space<semaphore_mem>>) src(%arg9 : memref<256x128xf32, #tpu.memory_space<vmem>>) dst(%dma_wait3A_352 : memref<256x128xf32, #tpu.memory_space<hbm>>)
      tpu.yield
    }) : () -> ()
    %dma_wait3A_290 = arith.constant 3328 : i32
    %dma_wait3A_291 = tpu.memref_slice %arg8[%dma_wait3A_290] : memref<4096xi32, #tpu.memory_space<vmem>> -> memref<256xi32, #tpu.memory_space<vmem>>
    %dma_wait3A_292 = arith.constant 0 : i32
    %dma_wait3A_293 = arith.constant 0 : i32
    %dma_wait3A_294 = tpu.memref_slice %arg4[%dma_wait3A_292, %dma_wait3A_293] : memref<16384x128xf32, #tpu.memory_space<hbm>> -> memref<16384x128xf32, #tpu.memory_space<hbm>>
    tpu.wait_indirect_dma semaphore(%arg12 : memref<!tpu.dma_semaphore, #tpu.memory_space<semaphore_mem>>) src(%dma_wait3A_294 : memref<16384x128xf32, #tpu.memory_space<hbm>>) dst(%arg10 : memref<256x128xf32, #tpu.memory_space<vmem>>)
    %dma_start3A_295 = arith.constant 3584 : i32
    %dma_start3A_296 = tpu.memref_slice %arg8[%dma_start3A_295] : memref<4096xi32, #tpu.memory_space<vmem>> -> memref<256xi32, #tpu.memory_space<vmem>>
    %dma_start3A_297 = arith.constant 0 : i32
    %dma_start3A_298 = arith.constant 0 : i32
    %dma_start3A_299 = tpu.memref_slice %arg4[%dma_start3A_297, %dma_start3A_298] : memref<16384x128xf32, #tpu.memory_space<hbm>> -> memref<16384x128xf32, #tpu.memory_space<hbm>>
    tpu.enqueue_indirect_dma source(%dma_start3A_299 : memref<16384x128xf32, #tpu.memory_space<hbm>>) target(%arg9 : memref<256x128xf32, #tpu.memory_space<vmem>>) offsets(%dma_start3A_296 : memref<256xi32, #tpu.memory_space<vmem>>) semaphore(%arg11 : memref<!tpu.dma_semaphore, #tpu.memory_space<semaphore_mem>>)
    %scan3A_300 = arith.constant 0 : i32
    %scan3A_301 = arith.constant 0 : i32
    %scan3A_302 = arith.constant 4 : i32
    %scan3A_303 = arith.addi %scan3A_301, %scan3A_302 : i32
    %scan3A_304 = arith.constant 1 : i32
    scf.for %scan3A_345 = %scan3A_301 to %scan3A_303 step %scan3A_304  : i32 {
      %add3A_346 = arith.constant 52 : i32
      %add3A_347 = arith.addi %add3A_346, %scan3A_345 : i32
      %get3A = arith.index_cast %add3A_347 : i32 to index
      %get3A_348 = arith.constant 0 : index
      %get3A_349 = tpu.vector_load %arg7[%get3A, %get3A_348] {strides = array<i32>} : memref<64x16xf32, #tpu.memory_space<vmem>>, vector<16xf32>,
      %lt3A = arith.constant 3 : i32
      %lt3A_350 = vector.broadcast %lt3A : i32 to vector<16xi32>
      %lt3A_351 = arith.cmpi slt, %iota3A, %lt3A_350 : vector<16xi32>
      %jit3A_352 = arith.constant 0.000000e+00 : f32
      %broadcast_in_dim3A = vector.broadcast %jit3A_352 : f32 to vector<16xf32>
      %select_n3A_353 = arith.select %lt3A_351, %get3A_349, %broadcast_in_dim3A : vector<16xi1>, vector<16xf32>
      %scan3A_354 = arith.constant 0 : i32
      %scan3A_355 = arith.constant 64 : i32
      %scan3A_356 = arith.addi %scan3A_354, %scan3A_355 : i32
      %scan3A_357 = arith.constant 1 : i32
      scf.for %scan3A_359 = %scan3A_354 to %scan3A_356 step %scan3A_357  : i32 {
        %mul3A_360 = arith.constant 64 : i32
        %mul3A_361 = arith.muli %scan3A_345, %mul3A_360 : i32
        %add3A_362 = arith.addi %mul3A_361, %scan3A_359 : i32
        %get3A_363 = arith.index_cast %add3A_362 : i32 to index
        %get3A_364 = arith.constant 0 : index
        %get3A_365 = tpu.vector_load %arg10[%get3A_363, %get3A_364] {strides = array<i32>} : memref<256x128xf32, #tpu.memory_space<vmem>>, vector<16xf32>,
        %sub3A_366 = arith.subf %get3A_365, %select_n3A_353 : vector<16xf32>
        %swap3A = arith.index_cast %add3A_362 : i32 to index
        %swap3A_367 = arith.constant 0 : index
        %swap3A_368 = tpu.vector_load %arg10[%swap3A, %swap3A_367] {strides = array<i32>} : memref<256x128xf32, #tpu.memory_space<vmem>>, vector<16xf32>,
        tpu.vector_store %arg10[%swap3A, %swap3A_367], %sub3A_366 {strides = array<i32>} : memref<256x128xf32, #tpu.memory_space<vmem>>, vector<16xf32>,
      }
      %scan3A_358 = arith.constant 64 : i32
    }
    %scan3A_305 = arith.constant 4 : i32
    %mul3A_306 = arith.constant 4096 : i32
    %mul3A_307 = arith.muli %add3A, %mul3A_306 : i32
    %add3A_308 = arith.constant 3328 : i32
    %add3A_309 = arith.addi %mul3A_307, %add3A_308 : i32
    "tpu.region"() ({
      %run_scoped3A = tpu.sem_alloc : memref<!tpu.dma_semaphore, #tpu.memory_space<semaphore_mem>>
      %dma_start3A_345 = arith.constant 0 : i32
      %dma_start3A_346 = tpu.memref_slice %arg5[%add3A_309, %dma_start3A_345] : memref<131072x128xf32, #tpu.memory_space<hbm>> -> memref<256x128xf32, #tpu.memory_space<hbm>>
      %dma_start3A_347 = arith.constant 0 : i32
      %dma_start3A_348 = tpu.memref_slice %arg5[%add3A_309, %dma_start3A_347] : memref<131072x128xf32, #tpu.memory_space<hbm>> -> memref<256x128xf32, #tpu.memory_space<hbm>>
      tpu.enqueue_dma source(%arg10 : memref<256x128xf32, #tpu.memory_space<vmem>>) target(%dma_start3A_348 : memref<256x128xf32, #tpu.memory_space<hbm>>) target_semaphore(%run_scoped3A : memref<!tpu.dma_semaphore, #tpu.memory_space<semaphore_mem>>)
      %dma_wait3A_349 = arith.constant 0 : i32
      %dma_wait3A_350 = tpu.memref_slice %arg5[%add3A_309, %dma_wait3A_349] : memref<131072x128xf32, #tpu.memory_space<hbm>> -> memref<256x128xf32, #tpu.memory_space<hbm>>
      %dma_wait3A_351 = arith.constant 0 : i32
      %dma_wait3A_352 = tpu.memref_slice %arg5[%add3A_309, %dma_wait3A_351] : memref<131072x128xf32, #tpu.memory_space<hbm>> -> memref<256x128xf32, #tpu.memory_space<hbm>>
      tpu.wait_dma2 semaphore(%run_scoped3A : memref<!tpu.dma_semaphore, #tpu.memory_space<semaphore_mem>>) src(%arg10 : memref<256x128xf32, #tpu.memory_space<vmem>>) dst(%dma_wait3A_352 : memref<256x128xf32, #tpu.memory_space<hbm>>)
      tpu.yield
    }) : () -> ()
    %dma_wait3A_310 = arith.constant 3584 : i32
    %dma_wait3A_311 = tpu.memref_slice %arg8[%dma_wait3A_310] : memref<4096xi32, #tpu.memory_space<vmem>> -> memref<256xi32, #tpu.memory_space<vmem>>
    %dma_wait3A_312 = arith.constant 0 : i32
    %dma_wait3A_313 = arith.constant 0 : i32
    %dma_wait3A_314 = tpu.memref_slice %arg4[%dma_wait3A_312, %dma_wait3A_313] : memref<16384x128xf32, #tpu.memory_space<hbm>> -> memref<16384x128xf32, #tpu.memory_space<hbm>>
    tpu.wait_indirect_dma semaphore(%arg11 : memref<!tpu.dma_semaphore, #tpu.memory_space<semaphore_mem>>) src(%dma_wait3A_314 : memref<16384x128xf32, #tpu.memory_space<hbm>>) dst(%arg9 : memref<256x128xf32, #tpu.memory_space<vmem>>)
    %dma_start3A_315 = arith.constant 3840 : i32
    %dma_start3A_316 = tpu.memref_slice %arg8[%dma_start3A_315] : memref<4096xi32, #tpu.memory_space<vmem>> -> memref<256xi32, #tpu.memory_space<vmem>>
    %dma_start3A_317 = arith.constant 0 : i32
    %dma_start3A_318 = arith.constant 0 : i32
    %dma_start3A_319 = tpu.memref_slice %arg4[%dma_start3A_317, %dma_start3A_318] : memref<16384x128xf32, #tpu.memory_space<hbm>> -> memref<16384x128xf32, #tpu.memory_space<hbm>>
    tpu.enqueue_indirect_dma source(%dma_start3A_319 : memref<16384x128xf32, #tpu.memory_space<hbm>>) target(%arg10 : memref<256x128xf32, #tpu.memory_space<vmem>>) offsets(%dma_start3A_316 : memref<256xi32, #tpu.memory_space<vmem>>) semaphore(%arg12 : memref<!tpu.dma_semaphore, #tpu.memory_space<semaphore_mem>>)
    %scan3A_320 = arith.constant 0 : i32
    %scan3A_321 = arith.constant 0 : i32
    %scan3A_322 = arith.constant 4 : i32
    %scan3A_323 = arith.addi %scan3A_321, %scan3A_322 : i32
    %scan3A_324 = arith.constant 1 : i32
    scf.for %scan3A_345 = %scan3A_321 to %scan3A_323 step %scan3A_324  : i32 {
      %add3A_346 = arith.constant 56 : i32
      %add3A_347 = arith.addi %add3A_346, %scan3A_345 : i32
      %get3A = arith.index_cast %add3A_347 : i32 to index
      %get3A_348 = arith.constant 0 : index
      %get3A_349 = tpu.vector_load %arg7[%get3A, %get3A_348] {strides = array<i32>} : memref<64x16xf32, #tpu.memory_space<vmem>>, vector<16xf32>,
      %lt3A = arith.constant 3 : i32
      %lt3A_350 = vector.broadcast %lt3A : i32 to vector<16xi32>
      %lt3A_351 = arith.cmpi slt, %iota3A, %lt3A_350 : vector<16xi32>
      %jit3A_352 = arith.constant 0.000000e+00 : f32
      %broadcast_in_dim3A = vector.broadcast %jit3A_352 : f32 to vector<16xf32>
      %select_n3A_353 = arith.select %lt3A_351, %get3A_349, %broadcast_in_dim3A : vector<16xi1>, vector<16xf32>
      %scan3A_354 = arith.constant 0 : i32
      %scan3A_355 = arith.constant 64 : i32
      %scan3A_356 = arith.addi %scan3A_354, %scan3A_355 : i32
      %scan3A_357 = arith.constant 1 : i32
      scf.for %scan3A_359 = %scan3A_354 to %scan3A_356 step %scan3A_357  : i32 {
        %mul3A_360 = arith.constant 64 : i32
        %mul3A_361 = arith.muli %scan3A_345, %mul3A_360 : i32
        %add3A_362 = arith.addi %mul3A_361, %scan3A_359 : i32
        %get3A_363 = arith.index_cast %add3A_362 : i32 to index
        %get3A_364 = arith.constant 0 : index
        %get3A_365 = tpu.vector_load %arg9[%get3A_363, %get3A_364] {strides = array<i32>} : memref<256x128xf32, #tpu.memory_space<vmem>>, vector<16xf32>,
        %sub3A_366 = arith.subf %get3A_365, %select_n3A_353 : vector<16xf32>
        %swap3A = arith.index_cast %add3A_362 : i32 to index
        %swap3A_367 = arith.constant 0 : index
        %swap3A_368 = tpu.vector_load %arg9[%swap3A, %swap3A_367] {strides = array<i32>} : memref<256x128xf32, #tpu.memory_space<vmem>>, vector<16xf32>,
        tpu.vector_store %arg9[%swap3A, %swap3A_367], %sub3A_366 {strides = array<i32>} : memref<256x128xf32, #tpu.memory_space<vmem>>, vector<16xf32>,
      }
      %scan3A_358 = arith.constant 64 : i32
    }
    %scan3A_325 = arith.constant 4 : i32
    %mul3A_326 = arith.constant 4096 : i32
    %mul3A_327 = arith.muli %add3A, %mul3A_326 : i32
    %add3A_328 = arith.constant 3584 : i32
    %add3A_329 = arith.addi %mul3A_327, %add3A_328 : i32
    "tpu.region"() ({
      %run_scoped3A = tpu.sem_alloc : memref<!tpu.dma_semaphore, #tpu.memory_space<semaphore_mem>>
      %dma_start3A_345 = arith.constant 0 : i32
      %dma_start3A_346 = tpu.memref_slice %arg5[%add3A_329, %dma_start3A_345] : memref<131072x128xf32, #tpu.memory_space<hbm>> -> memref<256x128xf32, #tpu.memory_space<hbm>>
      %dma_start3A_347 = arith.constant 0 : i32
      %dma_start3A_348 = tpu.memref_slice %arg5[%add3A_329, %dma_start3A_347] : memref<131072x128xf32, #tpu.memory_space<hbm>> -> memref<256x128xf32, #tpu.memory_space<hbm>>
      tpu.enqueue_dma source(%arg9 : memref<256x128xf32, #tpu.memory_space<vmem>>) target(%dma_start3A_348 : memref<256x128xf32, #tpu.memory_space<hbm>>) target_semaphore(%run_scoped3A : memref<!tpu.dma_semaphore, #tpu.memory_space<semaphore_mem>>)
      %dma_wait3A_349 = arith.constant 0 : i32
      %dma_wait3A_350 = tpu.memref_slice %arg5[%add3A_329, %dma_wait3A_349] : memref<131072x128xf32, #tpu.memory_space<hbm>> -> memref<256x128xf32, #tpu.memory_space<hbm>>
      %dma_wait3A_351 = arith.constant 0 : i32
      %dma_wait3A_352 = tpu.memref_slice %arg5[%add3A_329, %dma_wait3A_351] : memref<131072x128xf32, #tpu.memory_space<hbm>> -> memref<256x128xf32, #tpu.memory_space<hbm>>
      tpu.wait_dma2 semaphore(%run_scoped3A : memref<!tpu.dma_semaphore, #tpu.memory_space<semaphore_mem>>) src(%arg9 : memref<256x128xf32, #tpu.memory_space<vmem>>) dst(%dma_wait3A_352 : memref<256x128xf32, #tpu.memory_space<hbm>>)
      tpu.yield
    }) : () -> ()
    %dma_wait3A_330 = arith.constant 3840 : i32
    %dma_wait3A_331 = tpu.memref_slice %arg8[%dma_wait3A_330] : memref<4096xi32, #tpu.memory_space<vmem>> -> memref<256xi32, #tpu.memory_space<vmem>>
    %dma_wait3A_332 = arith.constant 0 : i32
    %dma_wait3A_333 = arith.constant 0 : i32
    %dma_wait3A_334 = tpu.memref_slice %arg4[%dma_wait3A_332, %dma_wait3A_333] : memref<16384x128xf32, #tpu.memory_space<hbm>> -> memref<16384x128xf32, #tpu.memory_space<hbm>>
    tpu.wait_indirect_dma semaphore(%arg12 : memref<!tpu.dma_semaphore, #tpu.memory_space<semaphore_mem>>) src(%dma_wait3A_334 : memref<16384x128xf32, #tpu.memory_space<hbm>>) dst(%arg10 : memref<256x128xf32, #tpu.memory_space<vmem>>)
    %scan3A_335 = arith.constant 0 : i32
    %scan3A_336 = arith.constant 0 : i32
    %scan3A_337 = arith.constant 4 : i32
    %scan3A_338 = arith.addi %scan3A_336, %scan3A_337 : i32
    %scan3A_339 = arith.constant 1 : i32
    scf.for %scan3A_345 = %scan3A_336 to %scan3A_338 step %scan3A_339  : i32 {
      %add3A_346 = arith.constant 60 : i32
      %add3A_347 = arith.addi %add3A_346, %scan3A_345 : i32
      %get3A = arith.index_cast %add3A_347 : i32 to index
      %get3A_348 = arith.constant 0 : index
      %get3A_349 = tpu.vector_load %arg7[%get3A, %get3A_348] {strides = array<i32>} : memref<64x16xf32, #tpu.memory_space<vmem>>, vector<16xf32>,
      %lt3A = arith.constant 3 : i32
      %lt3A_350 = vector.broadcast %lt3A : i32 to vector<16xi32>
      %lt3A_351 = arith.cmpi slt, %iota3A, %lt3A_350 : vector<16xi32>
      %jit3A_352 = arith.constant 0.000000e+00 : f32
      %broadcast_in_dim3A = vector.broadcast %jit3A_352 : f32 to vector<16xf32>
      %select_n3A_353 = arith.select %lt3A_351, %get3A_349, %broadcast_in_dim3A : vector<16xi1>, vector<16xf32>
      %scan3A_354 = arith.constant 0 : i32
      %scan3A_355 = arith.constant 64 : i32
      %scan3A_356 = arith.addi %scan3A_354, %scan3A_355 : i32
      %scan3A_357 = arith.constant 1 : i32
      scf.for %scan3A_359 = %scan3A_354 to %scan3A_356 step %scan3A_357  : i32 {
        %mul3A_360 = arith.constant 64 : i32
        %mul3A_361 = arith.muli %scan3A_345, %mul3A_360 : i32
        %add3A_362 = arith.addi %mul3A_361, %scan3A_359 : i32
        %get3A_363 = arith.index_cast %add3A_362 : i32 to index
        %get3A_364 = arith.constant 0 : index
        %get3A_365 = tpu.vector_load %arg10[%get3A_363, %get3A_364] {strides = array<i32>} : memref<256x128xf32, #tpu.memory_space<vmem>>, vector<16xf32>,
        %sub3A_366 = arith.subf %get3A_365, %select_n3A_353 : vector<16xf32>
        %swap3A = arith.index_cast %add3A_362 : i32 to index
        %swap3A_367 = arith.constant 0 : index
        %swap3A_368 = tpu.vector_load %arg10[%swap3A, %swap3A_367] {strides = array<i32>} : memref<256x128xf32, #tpu.memory_space<vmem>>, vector<16xf32>,
        tpu.vector_store %arg10[%swap3A, %swap3A_367], %sub3A_366 {strides = array<i32>} : memref<256x128xf32, #tpu.memory_space<vmem>>, vector<16xf32>,
      }
      %scan3A_358 = arith.constant 64 : i32
    }
    %scan3A_340 = arith.constant 4 : i32
    %mul3A_341 = arith.constant 4096 : i32
    %mul3A_342 = arith.muli %add3A, %mul3A_341 : i32
    %add3A_343 = arith.constant 3840 : i32
    %add3A_344 = arith.addi %mul3A_342, %add3A_343 : i32
    "tpu.region"() ({
      %run_scoped3A = tpu.sem_alloc : memref<!tpu.dma_semaphore, #tpu.memory_space<semaphore_mem>>
      %dma_start3A_345 = arith.constant 0 : i32
      %dma_start3A_346 = tpu.memref_slice %arg5[%add3A_344, %dma_start3A_345] : memref<131072x128xf32, #tpu.memory_space<hbm>> -> memref<256x128xf32, #tpu.memory_space<hbm>>
      %dma_start3A_347 = arith.constant 0 : i32
      %dma_start3A_348 = tpu.memref_slice %arg5[%add3A_344, %dma_start3A_347] : memref<131072x128xf32, #tpu.memory_space<hbm>> -> memref<256x128xf32, #tpu.memory_space<hbm>>
      tpu.enqueue_dma source(%arg10 : memref<256x128xf32, #tpu.memory_space<vmem>>) target(%dma_start3A_348 : memref<256x128xf32, #tpu.memory_space<hbm>>) target_semaphore(%run_scoped3A : memref<!tpu.dma_semaphore, #tpu.memory_space<semaphore_mem>>)
      %dma_wait3A_349 = arith.constant 0 : i32
      %dma_wait3A_350 = tpu.memref_slice %arg5[%add3A_344, %dma_wait3A_349] : memref<131072x128xf32, #tpu.memory_space<hbm>> -> memref<256x128xf32, #tpu.memory_space<hbm>>
      %dma_wait3A_351 = arith.constant 0 : i32
      %dma_wait3A_352 = tpu.memref_slice %arg5[%add3A_344, %dma_wait3A_351] : memref<131072x128xf32, #tpu.memory_space<hbm>> -> memref<256x128xf32, #tpu.memory_space<hbm>>
      tpu.wait_dma2 semaphore(%run_scoped3A : memref<!tpu.dma_semaphore, #tpu.memory_space<semaphore_mem>>) src(%arg10 : memref<256x128xf32, #tpu.memory_space<vmem>>) dst(%dma_wait3A_352 : memref<256x128xf32, #tpu.memory_space<hbm>>)
      tpu.yield
    }) : () -> ()
    return
  }
}

module attributes {stable_mosaic.version = 14 : i64} {
  func.func @_fps_body(%arg0: memref<4x32x128xf32, #tpu.memory_space<vmem>>, %arg1: memref<4x32x128xf32, #tpu.memory_space<vmem>>, %arg2: memref<4x32x128xf32, #tpu.memory_space<vmem>>, %arg3: memref<4x4096xf32, #tpu.memory_space<smem>>, %arg4: memref<4x4096xf32, #tpu.memory_space<smem>>, %arg5: memref<4x4096xf32, #tpu.memory_space<smem>>, %arg6: memref<4x4x128xf32, #tpu.memory_space<vmem>>, %arg7: memref<4x4x128xf32, #tpu.memory_space<vmem>>, %arg8: memref<4x4x128xf32, #tpu.memory_space<vmem>>) attributes {dimension_semantics = [], scalar_prefetch = 0 : i64, scratch_operands = 0 : i64, tpu.core_type = #tpu.core_type<tc>} {
    %iota3A = tpu.iota {dimensions = array<i32: 0>} : vector<32x128xi32>
    %mul3A = arith.constant 128 : i32
    %mul3A_0 = vector.broadcast %mul3A : i32 to vector<32x128xi32>
    %mul3A_1 = arith.muli %iota3A, %mul3A_0 : vector<32x128xi32>
    %iota3A_2 = tpu.iota {dimensions = array<i32: 1>} : vector<32x128xi32>
    %add3A = arith.addi %mul3A_1, %iota3A_2 : vector<32x128xi32>
    %iota3A_3 = tpu.iota {dimensions = array<i32: 0>} : vector<4x128xi32>
    %mul3A_4 = arith.constant 128 : i32
    %mul3A_5 = vector.broadcast %mul3A_4 : i32 to vector<4x128xi32>
    %mul3A_6 = arith.muli %iota3A_3, %mul3A_5 : vector<4x128xi32>
    %iota3A_7 = tpu.iota {dimensions = array<i32: 1>} : vector<4x128xi32>
    %add3A_8 = arith.addi %mul3A_6, %iota3A_7 : vector<4x128xi32>
    %get3A = arith.constant 0 : index
    %get3A_9 = arith.constant 0 : index
    %get3A_10 = arith.constant 0 : index
    %get3A_11 = vector.load %arg0[%get3A, %get3A_9, %get3A_10] : memref<4x32x128xf32, #tpu.memory_space<vmem>>, vector<1x32x128xf32>
    %get3A_12 = vector.shape_cast %get3A_11 : vector<1x32x128xf32> to vector<32x128xf32>
    %get3A_13 = arith.constant 1 : index
    %get3A_14 = arith.constant 0 : index
    %get3A_15 = arith.constant 0 : index
    %get3A_16 = vector.load %arg0[%get3A_13, %get3A_14, %get3A_15] : memref<4x32x128xf32, #tpu.memory_space<vmem>>, vector<1x32x128xf32>
    %get3A_17 = vector.shape_cast %get3A_16 : vector<1x32x128xf32> to vector<32x128xf32>
    %get3A_18 = arith.constant 2 : index
    %get3A_19 = arith.constant 0 : index
    %get3A_20 = arith.constant 0 : index
    %get3A_21 = vector.load %arg0[%get3A_18, %get3A_19, %get3A_20] : memref<4x32x128xf32, #tpu.memory_space<vmem>>, vector<1x32x128xf32>
    %get3A_22 = vector.shape_cast %get3A_21 : vector<1x32x128xf32> to vector<32x128xf32>
    %get3A_23 = arith.constant 3 : index
    %get3A_24 = arith.constant 0 : index
    %get3A_25 = arith.constant 0 : index
    %get3A_26 = vector.load %arg0[%get3A_23, %get3A_24, %get3A_25] : memref<4x32x128xf32, #tpu.memory_space<vmem>>, vector<1x32x128xf32>
    %get3A_27 = vector.shape_cast %get3A_26 : vector<1x32x128xf32> to vector<32x128xf32>
    %get3A_28 = arith.constant 0 : index
    %get3A_29 = arith.constant 0 : index
    %get3A_30 = arith.constant 0 : index
    %get3A_31 = vector.load %arg1[%get3A_28, %get3A_29, %get3A_30] : memref<4x32x128xf32, #tpu.memory_space<vmem>>, vector<1x32x128xf32>
    %get3A_32 = vector.shape_cast %get3A_31 : vector<1x32x128xf32> to vector<32x128xf32>
    %get3A_33 = arith.constant 1 : index
    %get3A_34 = arith.constant 0 : index
    %get3A_35 = arith.constant 0 : index
    %get3A_36 = vector.load %arg1[%get3A_33, %get3A_34, %get3A_35] : memref<4x32x128xf32, #tpu.memory_space<vmem>>, vector<1x32x128xf32>
    %get3A_37 = vector.shape_cast %get3A_36 : vector<1x32x128xf32> to vector<32x128xf32>
    %get3A_38 = arith.constant 2 : index
    %get3A_39 = arith.constant 0 : index
    %get3A_40 = arith.constant 0 : index
    %get3A_41 = vector.load %arg1[%get3A_38, %get3A_39, %get3A_40] : memref<4x32x128xf32, #tpu.memory_space<vmem>>, vector<1x32x128xf32>
    %get3A_42 = vector.shape_cast %get3A_41 : vector<1x32x128xf32> to vector<32x128xf32>
    %get3A_43 = arith.constant 3 : index
    %get3A_44 = arith.constant 0 : index
    %get3A_45 = arith.constant 0 : index
    %get3A_46 = vector.load %arg1[%get3A_43, %get3A_44, %get3A_45] : memref<4x32x128xf32, #tpu.memory_space<vmem>>, vector<1x32x128xf32>
    %get3A_47 = vector.shape_cast %get3A_46 : vector<1x32x128xf32> to vector<32x128xf32>
    %get3A_48 = arith.constant 0 : index
    %get3A_49 = arith.constant 0 : index
    %get3A_50 = arith.constant 0 : index
    %get3A_51 = vector.load %arg2[%get3A_48, %get3A_49, %get3A_50] : memref<4x32x128xf32, #tpu.memory_space<vmem>>, vector<1x32x128xf32>
    %get3A_52 = vector.shape_cast %get3A_51 : vector<1x32x128xf32> to vector<32x128xf32>
    %get3A_53 = arith.constant 1 : index
    %get3A_54 = arith.constant 0 : index
    %get3A_55 = arith.constant 0 : index
    %get3A_56 = vector.load %arg2[%get3A_53, %get3A_54, %get3A_55] : memref<4x32x128xf32, #tpu.memory_space<vmem>>, vector<1x32x128xf32>
    %get3A_57 = vector.shape_cast %get3A_56 : vector<1x32x128xf32> to vector<32x128xf32>
    %get3A_58 = arith.constant 2 : index
    %get3A_59 = arith.constant 0 : index
    %get3A_60 = arith.constant 0 : index
    %get3A_61 = vector.load %arg2[%get3A_58, %get3A_59, %get3A_60] : memref<4x32x128xf32, #tpu.memory_space<vmem>>, vector<1x32x128xf32>
    %get3A_62 = vector.shape_cast %get3A_61 : vector<1x32x128xf32> to vector<32x128xf32>
    %get3A_63 = arith.constant 3 : index
    %get3A_64 = arith.constant 0 : index
    %get3A_65 = arith.constant 0 : index
    %get3A_66 = vector.load %arg2[%get3A_63, %get3A_64, %get3A_65] : memref<4x32x128xf32, #tpu.memory_space<vmem>>, vector<1x32x128xf32>
    %get3A_67 = vector.shape_cast %get3A_66 : vector<1x32x128xf32> to vector<32x128xf32>
    %broadcast_in_dim3A = arith.constant 0.000000e+00 : f32
    %broadcast_in_dim3A_68 = vector.broadcast %broadcast_in_dim3A : f32 to vector<4x128xf32>
    %broadcast_in_dim3A_69 = arith.constant 0.000000e+00 : f32
    %broadcast_in_dim3A_70 = vector.broadcast %broadcast_in_dim3A_69 : f32 to vector<4x128xf32>
    %broadcast_in_dim3A_71 = arith.constant 0.000000e+00 : f32
    %broadcast_in_dim3A_72 = vector.broadcast %broadcast_in_dim3A_71 : f32 to vector<4x128xf32>
    %broadcast_in_dim3A_73 = arith.constant 0.000000e+00 : f32
    %broadcast_in_dim3A_74 = vector.broadcast %broadcast_in_dim3A_73 : f32 to vector<4x128xf32>
    %broadcast_in_dim3A_75 = arith.constant 0.000000e+00 : f32
    %broadcast_in_dim3A_76 = vector.broadcast %broadcast_in_dim3A_75 : f32 to vector<4x128xf32>
    %broadcast_in_dim3A_77 = arith.constant 0.000000e+00 : f32
    %broadcast_in_dim3A_78 = vector.broadcast %broadcast_in_dim3A_77 : f32 to vector<4x128xf32>
    %broadcast_in_dim3A_79 = arith.constant 0.000000e+00 : f32
    %broadcast_in_dim3A_80 = vector.broadcast %broadcast_in_dim3A_79 : f32 to vector<4x128xf32>
    %broadcast_in_dim3A_81 = arith.constant 0.000000e+00 : f32
    %broadcast_in_dim3A_82 = vector.broadcast %broadcast_in_dim3A_81 : f32 to vector<4x128xf32>
    %broadcast_in_dim3A_83 = arith.constant 0.000000e+00 : f32
    %broadcast_in_dim3A_84 = vector.broadcast %broadcast_in_dim3A_83 : f32 to vector<4x128xf32>
    %broadcast_in_dim3A_85 = arith.constant 0.000000e+00 : f32
    %broadcast_in_dim3A_86 = vector.broadcast %broadcast_in_dim3A_85 : f32 to vector<4x128xf32>
    %broadcast_in_dim3A_87 = arith.constant 0.000000e+00 : f32
    %broadcast_in_dim3A_88 = vector.broadcast %broadcast_in_dim3A_87 : f32 to vector<4x128xf32>
    %broadcast_in_dim3A_89 = arith.constant 0.000000e+00 : f32
    %broadcast_in_dim3A_90 = vector.broadcast %broadcast_in_dim3A_89 : f32 to vector<4x128xf32>
    %broadcast_in_dim3A_91 = arith.constant 1.000000e+10 : f32
    %broadcast_in_dim3A_92 = vector.broadcast %broadcast_in_dim3A_91 : f32 to vector<32x128xf32>
    %broadcast_in_dim3A_93 = arith.constant 1.000000e+10 : f32
    %broadcast_in_dim3A_94 = vector.broadcast %broadcast_in_dim3A_93 : f32 to vector<32x128xf32>
    %broadcast_in_dim3A_95 = arith.constant 1.000000e+10 : f32
    %broadcast_in_dim3A_96 = vector.broadcast %broadcast_in_dim3A_95 : f32 to vector<32x128xf32>
    %broadcast_in_dim3A_97 = arith.constant 1.000000e+10 : f32
    %broadcast_in_dim3A_98 = vector.broadcast %broadcast_in_dim3A_97 : f32 to vector<32x128xf32>
    %scan3A = arith.constant 0 : i32
    %scan3A_99 = arith.constant 0 : i32
    %scan3A_100 = arith.constant 0 : i32
    %scan3A_101 = arith.constant 0 : i32
    %scan3A_102 = arith.constant 0 : i32
    %scan3A_103 = arith.constant 512 : i32
    %scan3A_104 = arith.addi %scan3A_102, %scan3A_103 : i32
    %scan3A_105 = arith.constant 1 : i32
    %scan3A_106:20 = scf.for %scan3A_179 = %scan3A_102 to %scan3A_104 step %scan3A_105 iter_args(%scan3A_180 = %broadcast_in_dim3A_68, %scan3A_181 = %broadcast_in_dim3A_70, %scan3A_182 = %broadcast_in_dim3A_72, %scan3A_183 = %broadcast_in_dim3A_74, %scan3A_184 = %broadcast_in_dim3A_76, %scan3A_185 = %broadcast_in_dim3A_78, %scan3A_186 = %broadcast_in_dim3A_80, %scan3A_187 = %broadcast_in_dim3A_82, %scan3A_188 = %broadcast_in_dim3A_84, %scan3A_189 = %broadcast_in_dim3A_86, %scan3A_190 = %broadcast_in_dim3A_88, %scan3A_191 = %broadcast_in_dim3A_90, %scan3A_192 = %broadcast_in_dim3A_92, %scan3A_193 = %broadcast_in_dim3A_94, %scan3A_194 = %broadcast_in_dim3A_96, %scan3A_195 = %broadcast_in_dim3A_98, %scan3A_196 = %scan3A, %scan3A_197 = %scan3A_99, %scan3A_198 = %scan3A_100, %scan3A_199 = %scan3A_101) -> (vector<4x128xf32>, vector<4x128xf32>, vector<4x128xf32>, vector<4x128xf32>, vector<4x128xf32>, vector<4x128xf32>, vector<4x128xf32>, vector<4x128xf32>, vector<4x128xf32>, vector<4x128xf32>, vector<4x128xf32>, vector<4x128xf32>, vector<32x128xf32>, vector<32x128xf32>, vector<32x128xf32>, vector<32x128xf32>, i32, i32, i32, i32)  : i32 {
      %eq3A = vector.broadcast %scan3A_179 : i32 to vector<4x128xi32>
      %eq3A_200 = arith.cmpi eq, %add3A_8, %eq3A : vector<4x128xi32>
      %get3A_201 = arith.constant 0 : index
      %get3A_202 = arith.index_cast %scan3A_196 : i32 to index
      %get3A_203 = memref.load %arg3[%get3A_201, %get3A_202] : memref<4x4096xf32, #tpu.memory_space<smem>>
      %get3A_204 = arith.constant 0 : index
      %get3A_205 = arith.index_cast %scan3A_196 : i32 to index
      %get3A_206 = memref.load %arg4[%get3A_204, %get3A_205] : memref<4x4096xf32, #tpu.memory_space<smem>>
      %get3A_207 = arith.constant 0 : index
      %get3A_208 = arith.index_cast %scan3A_196 : i32 to index
      %get3A_209 = memref.load %arg5[%get3A_207, %get3A_208] : memref<4x4096xf32, #tpu.memory_space<smem>>
      %broadcast_in_dim3A_210 = vector.broadcast %get3A_203 : f32 to vector<4x128xf32>
      %select_n3A = arith.select %eq3A_200, %broadcast_in_dim3A_210, %scan3A_180 : vector<4x128xi1>, vector<4x128xf32>
      %broadcast_in_dim3A_211 = vector.broadcast %get3A_206 : f32 to vector<4x128xf32>
      %select_n3A_212 = arith.select %eq3A_200, %broadcast_in_dim3A_211, %scan3A_181 : vector<4x128xi1>, vector<4x128xf32>
      %broadcast_in_dim3A_213 = vector.broadcast %get3A_209 : f32 to vector<4x128xf32>
      %select_n3A_214 = arith.select %eq3A_200, %broadcast_in_dim3A_213, %scan3A_182 : vector<4x128xi1>, vector<4x128xf32>
      %sub3A = vector.broadcast %get3A_203 : f32 to vector<32x128xf32>
      %sub3A_215 = arith.subf %get3A_12, %sub3A : vector<32x128xf32>
      %sub3A_216 = vector.broadcast %get3A_206 : f32 to vector<32x128xf32>
      %sub3A_217 = arith.subf %get3A_32, %sub3A_216 : vector<32x128xf32>
      %sub3A_218 = vector.broadcast %get3A_209 : f32 to vector<32x128xf32>
      %sub3A_219 = arith.subf %get3A_52, %sub3A_218 : vector<32x128xf32>
      %mul3A_220 = arith.mulf %sub3A_215, %sub3A_215 : vector<32x128xf32>
      %mul3A_221 = arith.mulf %sub3A_217, %sub3A_217 : vector<32x128xf32>
      %add3A_222 = arith.addf %mul3A_220, %mul3A_221 : vector<32x128xf32>
      %mul3A_223 = arith.mulf %sub3A_219, %sub3A_219 : vector<32x128xf32>
      %add3A_224 = arith.addf %add3A_222, %mul3A_223 : vector<32x128xf32>
      %min3A = arith.minimumf %scan3A_192, %add3A_224 : vector<32x128xf32>
      %reduce_max3A = arith.constant dense<0xFF800000> : vector<128xf32>
      %reduce_max3A_225 = vector.multi_reduction <maximumf>, %min3A, %reduce_max3A [0] : vector<32x128xf32> to vector<128xf32>
      %broadcast_in_dim3A_226 = vector.shape_cast %reduce_max3A_225 : vector<128xf32> to vector<1x128xf32>
      %roll3A = arith.constant 1 : i32
      %roll3A_227 = tpu.dynamic_rotate %broadcast_in_dim3A_226 by %roll3A dim 1 : vector<1x128xf32>, i32 -> vector<1x128xf32>
      %max3A = arith.maximumf %broadcast_in_dim3A_226, %roll3A_227 : vector<1x128xf32>
      %roll3A_228 = arith.constant 2 : i32
      %roll3A_229 = tpu.dynamic_rotate %max3A by %roll3A_228 dim 1 : vector<1x128xf32>, i32 -> vector<1x128xf32>
      %max3A_230 = arith.maximumf %max3A, %roll3A_229 : vector<1x128xf32>
      %roll3A_231 = arith.constant 4 : i32
      %roll3A_232 = tpu.dynamic_rotate %max3A_230 by %roll3A_231 dim 1 : vector<1x128xf32>, i32 -> vector<1x128xf32>
      %max3A_233 = arith.maximumf %max3A_230, %roll3A_232 : vector<1x128xf32>
      %roll3A_234 = arith.constant 8 : i32
      %roll3A_235 = tpu.dynamic_rotate %max3A_233 by %roll3A_234 dim 1 : vector<1x128xf32>, i32 -> vector<1x128xf32>
      %max3A_236 = arith.maximumf %max3A_233, %roll3A_235 : vector<1x128xf32>
      %roll3A_237 = arith.constant 16 : i32
      %roll3A_238 = tpu.dynamic_rotate %max3A_236 by %roll3A_237 dim 1 : vector<1x128xf32>, i32 -> vector<1x128xf32>
      %max3A_239 = arith.maximumf %max3A_236, %roll3A_238 : vector<1x128xf32>
      %roll3A_240 = arith.constant 32 : i32
      %roll3A_241 = tpu.dynamic_rotate %max3A_239 by %roll3A_240 dim 1 : vector<1x128xf32>, i32 -> vector<1x128xf32>
      %max3A_242 = arith.maximumf %max3A_239, %roll3A_241 : vector<1x128xf32>
      %roll3A_243 = arith.constant 64 : i32
      %roll3A_244 = tpu.dynamic_rotate %max3A_242 by %roll3A_243 dim 1 : vector<1x128xf32>, i32 -> vector<1x128xf32>
      %max3A_245 = arith.maximumf %max3A_242, %roll3A_244 : vector<1x128xf32>
      %eq3A_246 = vector.broadcast %max3A_245 : vector<1x128xf32> to vector<32x128xf32>
      %eq3A_247 = arith.cmpf oeq, %min3A, %eq3A_246 : vector<32x128xf32>
      %jit3A = arith.constant 4096 : i32
      %broadcast_in_dim3A_248 = vector.broadcast %jit3A : i32 to vector<32x128xi32>
      %select_n3A_249 = arith.select %eq3A_247, %add3A, %broadcast_in_dim3A_248 : vector<32x128xi1>, vector<32x128xi32>
      %reduce_min3A = vector.shape_cast %select_n3A_249 : vector<32x128xi32> to vector<1x32x128xi32>
      %reduce_min3A_250 = arith.constant dense<2147483647> : vector<1xi32>
      %reduce_min3A_251 = vector.multi_reduction <minsi>, %reduce_min3A, %reduce_min3A_250 [1, 2] : vector<1x32x128xi32> to vector<1xi32>
      %reduce_min3A_252 = vector.shape_cast %reduce_min3A_251 : vector<1xi32> to vector<1x1x1xi32>
      %reduce_min3A_253 = vector.extract %reduce_min3A_252[0, 0, 0] : i32 from vector<1x1x1xi32>
      %get3A_254 = arith.constant 1 : index
      %get3A_255 = arith.index_cast %scan3A_197 : i32 to index
      %get3A_256 = memref.load %arg3[%get3A_254, %get3A_255] : memref<4x4096xf32, #tpu.memory_space<smem>>
      %get3A_257 = arith.constant 1 : index
      %get3A_258 = arith.index_cast %scan3A_197 : i32 to index
      %get3A_259 = memref.load %arg4[%get3A_257, %get3A_258] : memref<4x4096xf32, #tpu.memory_space<smem>>
      %get3A_260 = arith.constant 1 : index
      %get3A_261 = arith.index_cast %scan3A_197 : i32 to index
      %get3A_262 = memref.load %arg5[%get3A_260, %get3A_261] : memref<4x4096xf32, #tpu.memory_space<smem>>
      %broadcast_in_dim3A_263 = vector.broadcast %get3A_256 : f32 to vector<4x128xf32>
      %select_n3A_264 = arith.select %eq3A_200, %broadcast_in_dim3A_263, %scan3A_183 : vector<4x128xi1>, vector<4x128xf32>
      %broadcast_in_dim3A_265 = vector.broadcast %get3A_259 : f32 to vector<4x128xf32>
      %select_n3A_266 = arith.select %eq3A_200, %broadcast_in_dim3A_265, %scan3A_184 : vector<4x128xi1>, vector<4x128xf32>
      %broadcast_in_dim3A_267 = vector.broadcast %get3A_262 : f32 to vector<4x128xf32>
      %select_n3A_268 = arith.select %eq3A_200, %broadcast_in_dim3A_267, %scan3A_185 : vector<4x128xi1>, vector<4x128xf32>
      %sub3A_269 = vector.broadcast %get3A_256 : f32 to vector<32x128xf32>
      %sub3A_270 = arith.subf %get3A_17, %sub3A_269 : vector<32x128xf32>
      %sub3A_271 = vector.broadcast %get3A_259 : f32 to vector<32x128xf32>
      %sub3A_272 = arith.subf %get3A_37, %sub3A_271 : vector<32x128xf32>
      %sub3A_273 = vector.broadcast %get3A_262 : f32 to vector<32x128xf32>
      %sub3A_274 = arith.subf %get3A_57, %sub3A_273 : vector<32x128xf32>
      %mul3A_275 = arith.mulf %sub3A_270, %sub3A_270 : vector<32x128xf32>
      %mul3A_276 = arith.mulf %sub3A_272, %sub3A_272 : vector<32x128xf32>
      %add3A_277 = arith.addf %mul3A_275, %mul3A_276 : vector<32x128xf32>
      %mul3A_278 = arith.mulf %sub3A_274, %sub3A_274 : vector<32x128xf32>
      %add3A_279 = arith.addf %add3A_277, %mul3A_278 : vector<32x128xf32>
      %min3A_280 = arith.minimumf %scan3A_193, %add3A_279 : vector<32x128xf32>
      %reduce_max3A_281 = arith.constant dense<0xFF800000> : vector<128xf32>
      %reduce_max3A_282 = vector.multi_reduction <maximumf>, %min3A_280, %reduce_max3A_281 [0] : vector<32x128xf32> to vector<128xf32>
      %broadcast_in_dim3A_283 = vector.shape_cast %reduce_max3A_282 : vector<128xf32> to vector<1x128xf32>
      %roll3A_284 = arith.constant 1 : i32
      %roll3A_285 = tpu.dynamic_rotate %broadcast_in_dim3A_283 by %roll3A_284 dim 1 : vector<1x128xf32>, i32 -> vector<1x128xf32>
      %max3A_286 = arith.maximumf %broadcast_in_dim3A_283, %roll3A_285 : vector<1x128xf32>
      %roll3A_287 = arith.constant 2 : i32
      %roll3A_288 = tpu.dynamic_rotate %max3A_286 by %roll3A_287 dim 1 : vector<1x128xf32>, i32 -> vector<1x128xf32>
      %max3A_289 = arith.maximumf %max3A_286, %roll3A_288 : vector<1x128xf32>
      %roll3A_290 = arith.constant 4 : i32
      %roll3A_291 = tpu.dynamic_rotate %max3A_289 by %roll3A_290 dim 1 : vector<1x128xf32>, i32 -> vector<1x128xf32>
      %max3A_292 = arith.maximumf %max3A_289, %roll3A_291 : vector<1x128xf32>
      %roll3A_293 = arith.constant 8 : i32
      %roll3A_294 = tpu.dynamic_rotate %max3A_292 by %roll3A_293 dim 1 : vector<1x128xf32>, i32 -> vector<1x128xf32>
      %max3A_295 = arith.maximumf %max3A_292, %roll3A_294 : vector<1x128xf32>
      %roll3A_296 = arith.constant 16 : i32
      %roll3A_297 = tpu.dynamic_rotate %max3A_295 by %roll3A_296 dim 1 : vector<1x128xf32>, i32 -> vector<1x128xf32>
      %max3A_298 = arith.maximumf %max3A_295, %roll3A_297 : vector<1x128xf32>
      %roll3A_299 = arith.constant 32 : i32
      %roll3A_300 = tpu.dynamic_rotate %max3A_298 by %roll3A_299 dim 1 : vector<1x128xf32>, i32 -> vector<1x128xf32>
      %max3A_301 = arith.maximumf %max3A_298, %roll3A_300 : vector<1x128xf32>
      %roll3A_302 = arith.constant 64 : i32
      %roll3A_303 = tpu.dynamic_rotate %max3A_301 by %roll3A_302 dim 1 : vector<1x128xf32>, i32 -> vector<1x128xf32>
      %max3A_304 = arith.maximumf %max3A_301, %roll3A_303 : vector<1x128xf32>
      %eq3A_305 = vector.broadcast %max3A_304 : vector<1x128xf32> to vector<32x128xf32>
      %eq3A_306 = arith.cmpf oeq, %min3A_280, %eq3A_305 : vector<32x128xf32>
      %jit3A_307 = arith.constant 4096 : i32
      %broadcast_in_dim3A_308 = vector.broadcast %jit3A_307 : i32 to vector<32x128xi32>
      %select_n3A_309 = arith.select %eq3A_306, %add3A, %broadcast_in_dim3A_308 : vector<32x128xi1>, vector<32x128xi32>
      %reduce_min3A_310 = vector.shape_cast %select_n3A_309 : vector<32x128xi32> to vector<1x32x128xi32>
      %reduce_min3A_311 = arith.constant dense<2147483647> : vector<1xi32>
      %reduce_min3A_312 = vector.multi_reduction <minsi>, %reduce_min3A_310, %reduce_min3A_311 [1, 2] : vector<1x32x128xi32> to vector<1xi32>
      %reduce_min3A_313 = vector.shape_cast %reduce_min3A_312 : vector<1xi32> to vector<1x1x1xi32>
      %reduce_min3A_314 = vector.extract %reduce_min3A_313[0, 0, 0] : i32 from vector<1x1x1xi32>
      %get3A_315 = arith.constant 2 : index
      %get3A_316 = arith.index_cast %scan3A_198 : i32 to index
      %get3A_317 = memref.load %arg3[%get3A_315, %get3A_316] : memref<4x4096xf32, #tpu.memory_space<smem>>
      %get3A_318 = arith.constant 2 : index
      %get3A_319 = arith.index_cast %scan3A_198 : i32 to index
      %get3A_320 = memref.load %arg4[%get3A_318, %get3A_319] : memref<4x4096xf32, #tpu.memory_space<smem>>
      %get3A_321 = arith.constant 2 : index
      %get3A_322 = arith.index_cast %scan3A_198 : i32 to index
      %get3A_323 = memref.load %arg5[%get3A_321, %get3A_322] : memref<4x4096xf32, #tpu.memory_space<smem>>
      %broadcast_in_dim3A_324 = vector.broadcast %get3A_317 : f32 to vector<4x128xf32>
      %select_n3A_325 = arith.select %eq3A_200, %broadcast_in_dim3A_324, %scan3A_186 : vector<4x128xi1>, vector<4x128xf32>
      %broadcast_in_dim3A_326 = vector.broadcast %get3A_320 : f32 to vector<4x128xf32>
      %select_n3A_327 = arith.select %eq3A_200, %broadcast_in_dim3A_326, %scan3A_187 : vector<4x128xi1>, vector<4x128xf32>
      %broadcast_in_dim3A_328 = vector.broadcast %get3A_323 : f32 to vector<4x128xf32>
      %select_n3A_329 = arith.select %eq3A_200, %broadcast_in_dim3A_328, %scan3A_188 : vector<4x128xi1>, vector<4x128xf32>
      %sub3A_330 = vector.broadcast %get3A_317 : f32 to vector<32x128xf32>
      %sub3A_331 = arith.subf %get3A_22, %sub3A_330 : vector<32x128xf32>
      %sub3A_332 = vector.broadcast %get3A_320 : f32 to vector<32x128xf32>
      %sub3A_333 = arith.subf %get3A_42, %sub3A_332 : vector<32x128xf32>
      %sub3A_334 = vector.broadcast %get3A_323 : f32 to vector<32x128xf32>
      %sub3A_335 = arith.subf %get3A_62, %sub3A_334 : vector<32x128xf32>
      %mul3A_336 = arith.mulf %sub3A_331, %sub3A_331 : vector<32x128xf32>
      %mul3A_337 = arith.mulf %sub3A_333, %sub3A_333 : vector<32x128xf32>
      %add3A_338 = arith.addf %mul3A_336, %mul3A_337 : vector<32x128xf32>
      %mul3A_339 = arith.mulf %sub3A_335, %sub3A_335 : vector<32x128xf32>
      %add3A_340 = arith.addf %add3A_338, %mul3A_339 : vector<32x128xf32>
      %min3A_341 = arith.minimumf %scan3A_194, %add3A_340 : vector<32x128xf32>
      %reduce_max3A_342 = arith.constant dense<0xFF800000> : vector<128xf32>
      %reduce_max3A_343 = vector.multi_reduction <maximumf>, %min3A_341, %reduce_max3A_342 [0] : vector<32x128xf32> to vector<128xf32>
      %broadcast_in_dim3A_344 = vector.shape_cast %reduce_max3A_343 : vector<128xf32> to vector<1x128xf32>
      %roll3A_345 = arith.constant 1 : i32
      %roll3A_346 = tpu.dynamic_rotate %broadcast_in_dim3A_344 by %roll3A_345 dim 1 : vector<1x128xf32>, i32 -> vector<1x128xf32>
      %max3A_347 = arith.maximumf %broadcast_in_dim3A_344, %roll3A_346 : vector<1x128xf32>
      %roll3A_348 = arith.constant 2 : i32
      %roll3A_349 = tpu.dynamic_rotate %max3A_347 by %roll3A_348 dim 1 : vector<1x128xf32>, i32 -> vector<1x128xf32>
      %max3A_350 = arith.maximumf %max3A_347, %roll3A_349 : vector<1x128xf32>
      %roll3A_351 = arith.constant 4 : i32
      %roll3A_352 = tpu.dynamic_rotate %max3A_350 by %roll3A_351 dim 1 : vector<1x128xf32>, i32 -> vector<1x128xf32>
      %max3A_353 = arith.maximumf %max3A_350, %roll3A_352 : vector<1x128xf32>
      %roll3A_354 = arith.constant 8 : i32
      %roll3A_355 = tpu.dynamic_rotate %max3A_353 by %roll3A_354 dim 1 : vector<1x128xf32>, i32 -> vector<1x128xf32>
      %max3A_356 = arith.maximumf %max3A_353, %roll3A_355 : vector<1x128xf32>
      %roll3A_357 = arith.constant 16 : i32
      %roll3A_358 = tpu.dynamic_rotate %max3A_356 by %roll3A_357 dim 1 : vector<1x128xf32>, i32 -> vector<1x128xf32>
      %max3A_359 = arith.maximumf %max3A_356, %roll3A_358 : vector<1x128xf32>
      %roll3A_360 = arith.constant 32 : i32
      %roll3A_361 = tpu.dynamic_rotate %max3A_359 by %roll3A_360 dim 1 : vector<1x128xf32>, i32 -> vector<1x128xf32>
      %max3A_362 = arith.maximumf %max3A_359, %roll3A_361 : vector<1x128xf32>
      %roll3A_363 = arith.constant 64 : i32
      %roll3A_364 = tpu.dynamic_rotate %max3A_362 by %roll3A_363 dim 1 : vector<1x128xf32>, i32 -> vector<1x128xf32>
      %max3A_365 = arith.maximumf %max3A_362, %roll3A_364 : vector<1x128xf32>
      %eq3A_366 = vector.broadcast %max3A_365 : vector<1x128xf32> to vector<32x128xf32>
      %eq3A_367 = arith.cmpf oeq, %min3A_341, %eq3A_366 : vector<32x128xf32>
      %jit3A_368 = arith.constant 4096 : i32
      %broadcast_in_dim3A_369 = vector.broadcast %jit3A_368 : i32 to vector<32x128xi32>
      %select_n3A_370 = arith.select %eq3A_367, %add3A, %broadcast_in_dim3A_369 : vector<32x128xi1>, vector<32x128xi32>
      %reduce_min3A_371 = vector.shape_cast %select_n3A_370 : vector<32x128xi32> to vector<1x32x128xi32>
      %reduce_min3A_372 = arith.constant dense<2147483647> : vector<1xi32>
      %reduce_min3A_373 = vector.multi_reduction <minsi>, %reduce_min3A_371, %reduce_min3A_372 [1, 2] : vector<1x32x128xi32> to vector<1xi32>
      %reduce_min3A_374 = vector.shape_cast %reduce_min3A_373 : vector<1xi32> to vector<1x1x1xi32>
      %reduce_min3A_375 = vector.extract %reduce_min3A_374[0, 0, 0] : i32 from vector<1x1x1xi32>
      %get3A_376 = arith.constant 3 : index
      %get3A_377 = arith.index_cast %scan3A_199 : i32 to index
      %get3A_378 = memref.load %arg3[%get3A_376, %get3A_377] : memref<4x4096xf32, #tpu.memory_space<smem>>
      %get3A_379 = arith.constant 3 : index
      %get3A_380 = arith.index_cast %scan3A_199 : i32 to index
      %get3A_381 = memref.load %arg4[%get3A_379, %get3A_380] : memref<4x4096xf32, #tpu.memory_space<smem>>
      %get3A_382 = arith.constant 3 : index
      %get3A_383 = arith.index_cast %scan3A_199 : i32 to index
      %get3A_384 = memref.load %arg5[%get3A_382, %get3A_383] : memref<4x4096xf32, #tpu.memory_space<smem>>
      %broadcast_in_dim3A_385 = vector.broadcast %get3A_378 : f32 to vector<4x128xf32>
      %select_n3A_386 = arith.select %eq3A_200, %broadcast_in_dim3A_385, %scan3A_189 : vector<4x128xi1>, vector<4x128xf32>
      %broadcast_in_dim3A_387 = vector.broadcast %get3A_381 : f32 to vector<4x128xf32>
      %select_n3A_388 = arith.select %eq3A_200, %broadcast_in_dim3A_387, %scan3A_190 : vector<4x128xi1>, vector<4x128xf32>
      %broadcast_in_dim3A_389 = vector.broadcast %get3A_384 : f32 to vector<4x128xf32>
      %select_n3A_390 = arith.select %eq3A_200, %broadcast_in_dim3A_389, %scan3A_191 : vector<4x128xi1>, vector<4x128xf32>
      %sub3A_391 = vector.broadcast %get3A_378 : f32 to vector<32x128xf32>
      %sub3A_392 = arith.subf %get3A_27, %sub3A_391 : vector<32x128xf32>
      %sub3A_393 = vector.broadcast %get3A_381 : f32 to vector<32x128xf32>
      %sub3A_394 = arith.subf %get3A_47, %sub3A_393 : vector<32x128xf32>
      %sub3A_395 = vector.broadcast %get3A_384 : f32 to vector<32x128xf32>
      %sub3A_396 = arith.subf %get3A_67, %sub3A_395 : vector<32x128xf32>
      %mul3A_397 = arith.mulf %sub3A_392, %sub3A_392 : vector<32x128xf32>
      %mul3A_398 = arith.mulf %sub3A_394, %sub3A_394 : vector<32x128xf32>
      %add3A_399 = arith.addf %mul3A_397, %mul3A_398 : vector<32x128xf32>
      %mul3A_400 = arith.mulf %sub3A_396, %sub3A_396 : vector<32x128xf32>
      %add3A_401 = arith.addf %add3A_399, %mul3A_400 : vector<32x128xf32>
      %min3A_402 = arith.minimumf %scan3A_195, %add3A_401 : vector<32x128xf32>
      %reduce_max3A_403 = arith.constant dense<0xFF800000> : vector<128xf32>
      %reduce_max3A_404 = vector.multi_reduction <maximumf>, %min3A_402, %reduce_max3A_403 [0] : vector<32x128xf32> to vector<128xf32>
      %broadcast_in_dim3A_405 = vector.shape_cast %reduce_max3A_404 : vector<128xf32> to vector<1x128xf32>
      %roll3A_406 = arith.constant 1 : i32
      %roll3A_407 = tpu.dynamic_rotate %broadcast_in_dim3A_405 by %roll3A_406 dim 1 : vector<1x128xf32>, i32 -> vector<1x128xf32>
      %max3A_408 = arith.maximumf %broadcast_in_dim3A_405, %roll3A_407 : vector<1x128xf32>
      %roll3A_409 = arith.constant 2 : i32
      %roll3A_410 = tpu.dynamic_rotate %max3A_408 by %roll3A_409 dim 1 : vector<1x128xf32>, i32 -> vector<1x128xf32>
      %max3A_411 = arith.maximumf %max3A_408, %roll3A_410 : vector<1x128xf32>
      %roll3A_412 = arith.constant 4 : i32
      %roll3A_413 = tpu.dynamic_rotate %max3A_411 by %roll3A_412 dim 1 : vector<1x128xf32>, i32 -> vector<1x128xf32>
      %max3A_414 = arith.maximumf %max3A_411, %roll3A_413 : vector<1x128xf32>
      %roll3A_415 = arith.constant 8 : i32
      %roll3A_416 = tpu.dynamic_rotate %max3A_414 by %roll3A_415 dim 1 : vector<1x128xf32>, i32 -> vector<1x128xf32>
      %max3A_417 = arith.maximumf %max3A_414, %roll3A_416 : vector<1x128xf32>
      %roll3A_418 = arith.constant 16 : i32
      %roll3A_419 = tpu.dynamic_rotate %max3A_417 by %roll3A_418 dim 1 : vector<1x128xf32>, i32 -> vector<1x128xf32>
      %max3A_420 = arith.maximumf %max3A_417, %roll3A_419 : vector<1x128xf32>
      %roll3A_421 = arith.constant 32 : i32
      %roll3A_422 = tpu.dynamic_rotate %max3A_420 by %roll3A_421 dim 1 : vector<1x128xf32>, i32 -> vector<1x128xf32>
      %max3A_423 = arith.maximumf %max3A_420, %roll3A_422 : vector<1x128xf32>
      %roll3A_424 = arith.constant 64 : i32
      %roll3A_425 = tpu.dynamic_rotate %max3A_423 by %roll3A_424 dim 1 : vector<1x128xf32>, i32 -> vector<1x128xf32>
      %max3A_426 = arith.maximumf %max3A_423, %roll3A_425 : vector<1x128xf32>
      %eq3A_427 = vector.broadcast %max3A_426 : vector<1x128xf32> to vector<32x128xf32>
      %eq3A_428 = arith.cmpf oeq, %min3A_402, %eq3A_427 : vector<32x128xf32>
      %jit3A_429 = arith.constant 4096 : i32
      %broadcast_in_dim3A_430 = vector.broadcast %jit3A_429 : i32 to vector<32x128xi32>
      %select_n3A_431 = arith.select %eq3A_428, %add3A, %broadcast_in_dim3A_430 : vector<32x128xi1>, vector<32x128xi32>
      %reduce_min3A_432 = vector.shape_cast %select_n3A_431 : vector<32x128xi32> to vector<1x32x128xi32>
      %reduce_min3A_433 = arith.constant dense<2147483647> : vector<1xi32>
      %reduce_min3A_434 = vector.multi_reduction <minsi>, %reduce_min3A_432, %reduce_min3A_433 [1, 2] : vector<1x32x128xi32> to vector<1xi32>
      %reduce_min3A_435 = vector.shape_cast %reduce_min3A_434 : vector<1xi32> to vector<1x1x1xi32>
      %reduce_min3A_436 = vector.extract %reduce_min3A_435[0, 0, 0] : i32 from vector<1x1x1xi32>
      scf.yield %select_n3A, %select_n3A_212, %select_n3A_214, %select_n3A_264, %select_n3A_266, %select_n3A_268, %select_n3A_325, %select_n3A_327, %select_n3A_329, %select_n3A_386, %select_n3A_388, %select_n3A_390, %min3A, %min3A_280, %min3A_341, %min3A_402, %reduce_min3A_253, %reduce_min3A_314, %reduce_min3A_375, %reduce_min3A_436 : vector<4x128xf32>, vector<4x128xf32>, vector<4x128xf32>, vector<4x128xf32>, vector<4x128xf32>, vector<4x128xf32>, vector<4x128xf32>, vector<4x128xf32>, vector<4x128xf32>, vector<4x128xf32>, vector<4x128xf32>, vector<4x128xf32>, vector<32x128xf32>, vector<32x128xf32>, vector<32x128xf32>, vector<32x128xf32>, i32, i32, i32, i32
    }
    %scan3A_107 = arith.constant 512 : i32
    %swap3A = arith.constant 0 : index
    %swap3A_108 = arith.constant 0 : index
    %swap3A_109 = arith.constant 0 : index
    %swap3A_110 = vector.load %arg6[%swap3A, %swap3A_108, %swap3A_109] : memref<4x4x128xf32, #tpu.memory_space<vmem>>, vector<1x4x128xf32>
    %swap3A_111 = vector.shape_cast %swap3A_110 : vector<1x4x128xf32> to vector<4x128xf32>
    %swap3A_112 = vector.shape_cast %scan3A_106#0 : vector<4x128xf32> to vector<1x4x128xf32>
    tpu.vector_store %arg6[%swap3A, %swap3A_108, %swap3A_109], %swap3A_112 {strides = array<i32>} : memref<4x4x128xf32, #tpu.memory_space<vmem>>, vector<1x4x128xf32>,
    %swap3A_113 = arith.constant 0 : index
    %swap3A_114 = arith.constant 0 : index
    %swap3A_115 = arith.constant 0 : index
    %swap3A_116 = vector.load %arg7[%swap3A_113, %swap3A_114, %swap3A_115] : memref<4x4x128xf32, #tpu.memory_space<vmem>>, vector<1x4x128xf32>
    %swap3A_117 = vector.shape_cast %swap3A_116 : vector<1x4x128xf32> to vector<4x128xf32>
    %swap3A_118 = vector.shape_cast %scan3A_106#1 : vector<4x128xf32> to vector<1x4x128xf32>
    tpu.vector_store %arg7[%swap3A_113, %swap3A_114, %swap3A_115], %swap3A_118 {strides = array<i32>} : memref<4x4x128xf32, #tpu.memory_space<vmem>>, vector<1x4x128xf32>,
    %swap3A_119 = arith.constant 0 : index
    %swap3A_120 = arith.constant 0 : index
    %swap3A_121 = arith.constant 0 : index
    %swap3A_122 = vector.load %arg8[%swap3A_119, %swap3A_120, %swap3A_121] : memref<4x4x128xf32, #tpu.memory_space<vmem>>, vector<1x4x128xf32>
    %swap3A_123 = vector.shape_cast %swap3A_122 : vector<1x4x128xf32> to vector<4x128xf32>
    %swap3A_124 = vector.shape_cast %scan3A_106#2 : vector<4x128xf32> to vector<1x4x128xf32>
    tpu.vector_store %arg8[%swap3A_119, %swap3A_120, %swap3A_121], %swap3A_124 {strides = array<i32>} : memref<4x4x128xf32, #tpu.memory_space<vmem>>, vector<1x4x128xf32>,
    %swap3A_125 = arith.constant 1 : index
    %swap3A_126 = arith.constant 0 : index
    %swap3A_127 = arith.constant 0 : index
    %swap3A_128 = vector.load %arg6[%swap3A_125, %swap3A_126, %swap3A_127] : memref<4x4x128xf32, #tpu.memory_space<vmem>>, vector<1x4x128xf32>
    %swap3A_129 = vector.shape_cast %swap3A_128 : vector<1x4x128xf32> to vector<4x128xf32>
    %swap3A_130 = vector.shape_cast %scan3A_106#3 : vector<4x128xf32> to vector<1x4x128xf32>
    tpu.vector_store %arg6[%swap3A_125, %swap3A_126, %swap3A_127], %swap3A_130 {strides = array<i32>} : memref<4x4x128xf32, #tpu.memory_space<vmem>>, vector<1x4x128xf32>,
    %swap3A_131 = arith.constant 1 : index
    %swap3A_132 = arith.constant 0 : index
    %swap3A_133 = arith.constant 0 : index
    %swap3A_134 = vector.load %arg7[%swap3A_131, %swap3A_132, %swap3A_133] : memref<4x4x128xf32, #tpu.memory_space<vmem>>, vector<1x4x128xf32>
    %swap3A_135 = vector.shape_cast %swap3A_134 : vector<1x4x128xf32> to vector<4x128xf32>
    %swap3A_136 = vector.shape_cast %scan3A_106#4 : vector<4x128xf32> to vector<1x4x128xf32>
    tpu.vector_store %arg7[%swap3A_131, %swap3A_132, %swap3A_133], %swap3A_136 {strides = array<i32>} : memref<4x4x128xf32, #tpu.memory_space<vmem>>, vector<1x4x128xf32>,
    %swap3A_137 = arith.constant 1 : index
    %swap3A_138 = arith.constant 0 : index
    %swap3A_139 = arith.constant 0 : index
    %swap3A_140 = vector.load %arg8[%swap3A_137, %swap3A_138, %swap3A_139] : memref<4x4x128xf32, #tpu.memory_space<vmem>>, vector<1x4x128xf32>
    %swap3A_141 = vector.shape_cast %swap3A_140 : vector<1x4x128xf32> to vector<4x128xf32>
    %swap3A_142 = vector.shape_cast %scan3A_106#5 : vector<4x128xf32> to vector<1x4x128xf32>
    tpu.vector_store %arg8[%swap3A_137, %swap3A_138, %swap3A_139], %swap3A_142 {strides = array<i32>} : memref<4x4x128xf32, #tpu.memory_space<vmem>>, vector<1x4x128xf32>,
    %swap3A_143 = arith.constant 2 : index
    %swap3A_144 = arith.constant 0 : index
    %swap3A_145 = arith.constant 0 : index
    %swap3A_146 = vector.load %arg6[%swap3A_143, %swap3A_144, %swap3A_145] : memref<4x4x128xf32, #tpu.memory_space<vmem>>, vector<1x4x128xf32>
    %swap3A_147 = vector.shape_cast %swap3A_146 : vector<1x4x128xf32> to vector<4x128xf32>
    %swap3A_148 = vector.shape_cast %scan3A_106#6 : vector<4x128xf32> to vector<1x4x128xf32>
    tpu.vector_store %arg6[%swap3A_143, %swap3A_144, %swap3A_145], %swap3A_148 {strides = array<i32>} : memref<4x4x128xf32, #tpu.memory_space<vmem>>, vector<1x4x128xf32>,
    %swap3A_149 = arith.constant 2 : index
    %swap3A_150 = arith.constant 0 : index
    %swap3A_151 = arith.constant 0 : index
    %swap3A_152 = vector.load %arg7[%swap3A_149, %swap3A_150, %swap3A_151] : memref<4x4x128xf32, #tpu.memory_space<vmem>>, vector<1x4x128xf32>
    %swap3A_153 = vector.shape_cast %swap3A_152 : vector<1x4x128xf32> to vector<4x128xf32>
    %swap3A_154 = vector.shape_cast %scan3A_106#7 : vector<4x128xf32> to vector<1x4x128xf32>
    tpu.vector_store %arg7[%swap3A_149, %swap3A_150, %swap3A_151], %swap3A_154 {strides = array<i32>} : memref<4x4x128xf32, #tpu.memory_space<vmem>>, vector<1x4x128xf32>,
    %swap3A_155 = arith.constant 2 : index
    %swap3A_156 = arith.constant 0 : index
    %swap3A_157 = arith.constant 0 : index
    %swap3A_158 = vector.load %arg8[%swap3A_155, %swap3A_156, %swap3A_157] : memref<4x4x128xf32, #tpu.memory_space<vmem>>, vector<1x4x128xf32>
    %swap3A_159 = vector.shape_cast %swap3A_158 : vector<1x4x128xf32> to vector<4x128xf32>
    %swap3A_160 = vector.shape_cast %scan3A_106#8 : vector<4x128xf32> to vector<1x4x128xf32>
    tpu.vector_store %arg8[%swap3A_155, %swap3A_156, %swap3A_157], %swap3A_160 {strides = array<i32>} : memref<4x4x128xf32, #tpu.memory_space<vmem>>, vector<1x4x128xf32>,
    %swap3A_161 = arith.constant 3 : index
    %swap3A_162 = arith.constant 0 : index
    %swap3A_163 = arith.constant 0 : index
    %swap3A_164 = vector.load %arg6[%swap3A_161, %swap3A_162, %swap3A_163] : memref<4x4x128xf32, #tpu.memory_space<vmem>>, vector<1x4x128xf32>
    %swap3A_165 = vector.shape_cast %swap3A_164 : vector<1x4x128xf32> to vector<4x128xf32>
    %swap3A_166 = vector.shape_cast %scan3A_106#9 : vector<4x128xf32> to vector<1x4x128xf32>
    tpu.vector_store %arg6[%swap3A_161, %swap3A_162, %swap3A_163], %swap3A_166 {strides = array<i32>} : memref<4x4x128xf32, #tpu.memory_space<vmem>>, vector<1x4x128xf32>,
    %swap3A_167 = arith.constant 3 : index
    %swap3A_168 = arith.constant 0 : index
    %swap3A_169 = arith.constant 0 : index
    %swap3A_170 = vector.load %arg7[%swap3A_167, %swap3A_168, %swap3A_169] : memref<4x4x128xf32, #tpu.memory_space<vmem>>, vector<1x4x128xf32>
    %swap3A_171 = vector.shape_cast %swap3A_170 : vector<1x4x128xf32> to vector<4x128xf32>
    %swap3A_172 = vector.shape_cast %scan3A_106#10 : vector<4x128xf32> to vector<1x4x128xf32>
    tpu.vector_store %arg7[%swap3A_167, %swap3A_168, %swap3A_169], %swap3A_172 {strides = array<i32>} : memref<4x4x128xf32, #tpu.memory_space<vmem>>, vector<1x4x128xf32>,
    %swap3A_173 = arith.constant 3 : index
    %swap3A_174 = arith.constant 0 : index
    %swap3A_175 = arith.constant 0 : index
    %swap3A_176 = vector.load %arg8[%swap3A_173, %swap3A_174, %swap3A_175] : memref<4x4x128xf32, #tpu.memory_space<vmem>>, vector<1x4x128xf32>
    %swap3A_177 = vector.shape_cast %swap3A_176 : vector<1x4x128xf32> to vector<4x128xf32>
    %swap3A_178 = vector.shape_cast %scan3A_106#11 : vector<4x128xf32> to vector<1x4x128xf32>
    tpu.vector_store %arg8[%swap3A_173, %swap3A_174, %swap3A_175], %swap3A_178 {strides = array<i32>} : memref<4x4x128xf32, #tpu.memory_space<vmem>>, vector<1x4x128xf32>,
    return
  }
}

module attributes {stable_mosaic.version = 14 : i64} {
  func.func @_tnet1_body(%arg0: i32, %arg1: i32, %arg2: memref<1024x128xf32, #tpu.memory_space<vmem>>, %arg3: memref<64x128xf32, #tpu.memory_space<vmem>>, %arg4: memref<64xf32, #tpu.memory_space<vmem>>, %arg5: memref<128x64xf32, #tpu.memory_space<vmem>>, %arg6: memref<128xf32, #tpu.memory_space<vmem>>, %arg7: memref<1x1x128xf32, #tpu.memory_space<vmem>>) attributes {dimension_semantics = [#tpu.dimension_semantics<arbitrary>, #tpu.dimension_semantics<arbitrary>], iteration_bounds = array<i64: 4, 32>, scalar_prefetch = 0 : i64, scratch_operands = 0 : i64, tpu.core_type = #tpu.core_type<tc>, window_params = [{transform_indices = @transform_0, window_bounds = array<i64: 1024, 128>}, {pipeline_mode = #tpu.pipeline_mode<synchronous>, transform_indices = @transform_1, window_bounds = array<i64: 64, 128>}, {pipeline_mode = #tpu.pipeline_mode<synchronous>, transform_indices = @transform_2, window_bounds = array<i64: 64>}, {pipeline_mode = #tpu.pipeline_mode<synchronous>, transform_indices = @transform_3, window_bounds = array<i64: 128, 64>}, {pipeline_mode = #tpu.pipeline_mode<synchronous>, transform_indices = @transform_4, window_bounds = array<i64: 128>}, {transform_indices = @transform_5, window_bounds = array<i64: 1, 1, 128>}]} {
    %get3A = arith.constant 0 : index
    %get3A_0 = arith.constant 0 : index
    %get3A_1 = vector.load %arg2[%get3A, %get3A_0] : memref<1024x128xf32, #tpu.memory_space<vmem>>, vector<1024x128xf32>
    %get3A_2 = arith.constant 0 : index
    %get3A_3 = arith.constant 0 : index
    %get3A_4 = vector.load %arg3[%get3A_2, %get3A_3] : memref<64x128xf32, #tpu.memory_space<vmem>>, vector<64x128xf32>
    %dot_general3A = arith.constant dense<0.000000e+00> : vector<1024x64xf32>
    %dot_general3A_5 = tpu.matmul %get3A_1, %get3A_4, %dot_general3A {dimension_numbers = #tpu.dot_dimension_numbers<[1], [1], [0], [0], [0, 0, 1, 0], [], []>, transpose_lhs_hint = false} : vector<1024x128xf32>, vector<64x128xf32>, vector<1024x64xf32> -> vector<1024x64xf32>
    %get3A_6 = arith.constant 0 : index
    %get3A_7 = vector.load %arg4[%get3A_6] : memref<64xf32, #tpu.memory_space<vmem>>, vector<64xf32>
    %broadcast_in_dim3A = vector.shape_cast %get3A_7 : vector<64xf32> to vector<1x64xf32>
    %add3A = vector.broadcast %broadcast_in_dim3A : vector<1x64xf32> to vector<1024x64xf32>
    %add3A_8 = arith.addf %dot_general3A_5, %add3A : vector<1024x64xf32>
    %max3A = arith.constant 0.000000e+00 : f32
    %max3A_9 = vector.broadcast %max3A : f32 to vector<1024x64xf32>
    %max3A_10 = arith.maximumf %add3A_8, %max3A_9 : vector<1024x64xf32>
    %get3A_11 = arith.constant 0 : index
    %get3A_12 = arith.constant 0 : index
    %get3A_13 = vector.load %arg5[%get3A_11, %get3A_12] : memref<128x64xf32, #tpu.memory_space<vmem>>, vector<128x64xf32>
    %dot_general3A_14 = arith.constant dense<0.000000e+00> : vector<1024x128xf32>
    %dot_general3A_15 = tpu.matmul %max3A_10, %get3A_13, %dot_general3A_14 {dimension_numbers = #tpu.dot_dimension_numbers<[1], [1], [0], [0], [0, 0, 1, 0], [], []>, transpose_lhs_hint = false} : vector<1024x64xf32>, vector<128x64xf32>, vector<1024x128xf32> -> vector<1024x128xf32>
    %get3A_16 = arith.constant 0 : index
    %get3A_17 = vector.load %arg6[%get3A_16] : memref<128xf32, #tpu.memory_space<vmem>>, vector<128xf32>
    %broadcast_in_dim3A_18 = vector.shape_cast %get3A_17 : vector<128xf32> to vector<1x128xf32>
    %add3A_19 = vector.broadcast %broadcast_in_dim3A_18 : vector<1x128xf32> to vector<1024x128xf32>
    %add3A_20 = arith.addf %dot_general3A_15, %add3A_19 : vector<1024x128xf32>
    %max3A_21 = arith.constant 0.000000e+00 : f32
    %max3A_22 = vector.broadcast %max3A_21 : f32 to vector<1024x128xf32>
    %max3A_23 = arith.maximumf %add3A_20, %max3A_22 : vector<1024x128xf32>
    %reduce_max3A = arith.constant dense<0xFF800000> : vector<128xf32>
    %reduce_max3A_24 = vector.multi_reduction <maximumf>, %max3A_23, %reduce_max3A [0] : vector<1024x128xf32> to vector<128xf32>
    %broadcast_in_dim3A_25 = vector.shape_cast %reduce_max3A_24 : vector<128xf32> to vector<1x128xf32>
    %broadcast_in_dim3A_26 = vector.shape_cast %broadcast_in_dim3A_25 : vector<1x128xf32> to vector<1x1x128xf32>
    %eq3A = arith.constant 0 : i32
    %eq3A_27 = arith.cmpi eq, %arg1, %eq3A : i32
    %convert_element_type3A = arith.extui %eq3A_27 : i1 to i32
    %cond3A = arith.constant 0 : i32
    %cond3A_28 = arith.cmpi ne, %convert_element_type3A, %cond3A : i32
    scf.if %cond3A_28 {
      %swap3A = arith.constant 0 : index
      %swap3A_33 = arith.constant 0 : index
      %swap3A_34 = arith.constant 0 : index
      %swap3A_35 = vector.load %arg7[%swap3A, %swap3A_33, %swap3A_34] : memref<1x1x128xf32, #tpu.memory_space<vmem>>, vector<1x1x128xf32>
      tpu.vector_store %arg7[%swap3A, %swap3A_33, %swap3A_34], %broadcast_in_dim3A_26 {strides = array<i32>} : memref<1x1x128xf32, #tpu.memory_space<vmem>>, vector<1x1x128xf32>,
    } else {
    }
    %gt3A = arith.constant 0 : i32
    %gt3A_29 = arith.cmpi sgt, %arg1, %gt3A : i32
    %convert_element_type3A_30 = arith.extui %gt3A_29 : i1 to i32
    %cond3A_31 = arith.constant 0 : i32
    %cond3A_32 = arith.cmpi ne, %convert_element_type3A_30, %cond3A_31 : i32
    scf.if %cond3A_32 {
      %get3A_33 = arith.constant 0 : index
      %get3A_34 = arith.constant 0 : index
      %get3A_35 = arith.constant 0 : index
      %get3A_36 = vector.load %arg7[%get3A_33, %get3A_34, %get3A_35] : memref<1x1x128xf32, #tpu.memory_space<vmem>>, vector<1x1x128xf32>
      %max3A_37 = arith.maximumf %get3A_36, %broadcast_in_dim3A_26 : vector<1x1x128xf32>
      %swap3A = arith.constant 0 : index
      %swap3A_38 = arith.constant 0 : index
      %swap3A_39 = arith.constant 0 : index
      %swap3A_40 = vector.load %arg7[%swap3A, %swap3A_38, %swap3A_39] : memref<1x1x128xf32, #tpu.memory_space<vmem>>, vector<1x1x128xf32>
      tpu.vector_store %arg7[%swap3A, %swap3A_38, %swap3A_39], %max3A_37 {strides = array<i32>} : memref<1x1x128xf32, #tpu.memory_space<vmem>>, vector<1x1x128xf32>,
    } else {
    }
    return
  }
  func.func @transform_0(%arg0: i32, %arg1: i32) -> (i32, i32) {
    %mul3A = arith.constant 32 : i32
    %mul3A_0 = arith.muli %arg0, %mul3A : i32
    %add3A = arith.addi %mul3A_0, %arg1 : i32
    %c0_i32 = arith.constant 0 : i32
    %c0_i32_1 = arith.constant 0 : i32
    return %add3A, %c0_i32 : i32, i32
  }
  func.func @transform_1(%arg0: i32, %arg1: i32) -> (i32, i32) {
    %c0_i32 = arith.constant 0 : i32
    %c0_i32_0 = arith.constant 0 : i32
    %c0_i32_1 = arith.constant 0 : i32
    return %c0_i32, %c0_i32_0 : i32, i32
  }
  func.func @transform_2(%arg0: i32, %arg1: i32) -> i32 {
    %c0_i32 = arith.constant 0 : i32
    %c0_i32_0 = arith.constant 0 : i32
    return %c0_i32 : i32
  }
  func.func @transform_3(%arg0: i32, %arg1: i32) -> (i32, i32) {
    %c0_i32 = arith.constant 0 : i32
    %c0_i32_0 = arith.constant 0 : i32
    %c0_i32_1 = arith.constant 0 : i32
    return %c0_i32, %c0_i32_0 : i32, i32
  }
  func.func @transform_4(%arg0: i32, %arg1: i32) -> i32 {
    %c0_i32 = arith.constant 0 : i32
    %c0_i32_0 = arith.constant 0 : i32
    return %c0_i32 : i32
  }
  func.func @transform_5(%arg0: i32, %arg1: i32) -> (i32, i32, i32) {
    %c0_i32 = arith.constant 0 : i32
    %c0_i32_0 = arith.constant 0 : i32
    %c0_i32_1 = arith.constant 0 : i32
    return %arg0, %c0_i32, %c0_i32_0 : i32, i32, i32
  }
}

module attributes {stable_mosaic.version = 14 : i64} {
  func.func @_tfc_body(%arg0: memref<4x128xf32, #tpu.memory_space<vmem>>, %arg1: memref<128x16384xf32, #tpu.memory_space<vmem>>, %arg2: memref<16384xf32, #tpu.memory_space<vmem>>, %arg3: memref<4x16384xf32, #tpu.memory_space<vmem>>) attributes {dimension_semantics = [], scalar_prefetch = 0 : i64, scratch_operands = 0 : i64, tpu.core_type = #tpu.core_type<tc>} {
    %get3A = arith.constant 0 : index
    %get3A_0 = arith.constant 0 : index
    %get3A_1 = vector.load %arg0[%get3A, %get3A_0] : memref<4x128xf32, #tpu.memory_space<vmem>>, vector<4x128xf32>
    %get3A_2 = arith.constant 0 : index
    %get3A_3 = arith.constant 0 : index
    %get3A_4 = vector.load %arg1[%get3A_2, %get3A_3] : memref<128x16384xf32, #tpu.memory_space<vmem>>, vector<128x16384xf32>
    %dot_general3A = arith.constant dense<0.000000e+00> : vector<4x16384xf32>
    %dot_general3A_5 = tpu.matmul %get3A_1, %get3A_4, %dot_general3A {dimension_numbers = #tpu.dot_dimension_numbers<[1], [0], [0], [1], [0, 0, 1, 1], [], []>, transpose_lhs_hint = false} : vector<4x128xf32>, vector<128x16384xf32>, vector<4x16384xf32> -> vector<4x16384xf32>
    %get3A_6 = arith.constant 0 : index
    %get3A_7 = vector.load %arg2[%get3A_6] : memref<16384xf32, #tpu.memory_space<vmem>>, vector<16384xf32>
    %broadcast_in_dim3A = vector.shape_cast %get3A_7 : vector<16384xf32> to vector<1x16384xf32>
    %add3A = vector.broadcast %broadcast_in_dim3A : vector<1x16384xf32> to vector<4x16384xf32>
    %add3A_8 = arith.addf %dot_general3A_5, %add3A : vector<4x16384xf32>
    %iota3A = tpu.iota {dimensions = array<i32: 1>} : vector<4x16384xi32>
    %jit3A = arith.constant 128 : i32
    %div3A = vector.broadcast %jit3A : i32 to vector<4x16384xi32>
    %div3A_9 = arith.divsi %iota3A, %div3A : vector<4x16384xi32>
    %sign3A = arith.constant 0 : i32
    %sign3A_10 = vector.broadcast %sign3A : i32 to vector<4x16384xi32>
    %sign3A_11 = arith.cmpi sgt, %iota3A, %sign3A_10 : vector<4x16384xi32>
    %sign3A_12 = arith.extui %sign3A_11 : vector<4x16384xi1> to vector<4x16384xi32>
    %sign3A_13 = arith.constant 0 : i32
    %sign3A_14 = vector.broadcast %sign3A_13 : i32 to vector<4x16384xi32>
    %sign3A_15 = arith.cmpi slt, %iota3A, %sign3A_14 : vector<4x16384xi32>
    %sign3A_16 = arith.extui %sign3A_15 : vector<4x16384xi1> to vector<4x16384xi32>
    %sign3A_17 = arith.subi %sign3A_12, %sign3A_16 : vector<4x16384xi32>
    %sign3A_18 = arith.constant 0 : i32
    %sign3A_19 = arith.cmpi sgt, %jit3A, %sign3A_18 : i32
    %sign3A_20 = arith.extui %sign3A_19 : i1 to i32
    %sign3A_21 = arith.constant 0 : i32
    %sign3A_22 = arith.cmpi slt, %jit3A, %sign3A_21 : i32
    %sign3A_23 = arith.extui %sign3A_22 : i1 to i32
    %sign3A_24 = arith.subi %sign3A_20, %sign3A_23 : i32
    %ne3A = vector.broadcast %sign3A_24 : i32 to vector<4x16384xi32>
    %ne3A_25 = arith.cmpi ne, %sign3A_17, %ne3A : vector<4x16384xi32>
    %rem3A = vector.broadcast %jit3A : i32 to vector<4x16384xi32>
    %rem3A_26 = arith.remsi %iota3A, %rem3A : vector<4x16384xi32>
    %ne3A_27 = arith.constant 0 : i32
    %ne3A_28 = vector.broadcast %ne3A_27 : i32 to vector<4x16384xi32>
    %ne3A_29 = arith.cmpi ne, %rem3A_26, %ne3A_28 : vector<4x16384xi32>
    %and3A = arith.andi %ne3A_25, %ne3A_29 : vector<4x16384xi1>
    %sub3A = arith.constant 1 : i32
    %sub3A_30 = vector.broadcast %sub3A : i32 to vector<4x16384xi32>
    %sub3A_31 = arith.subi %div3A_9, %sub3A_30 : vector<4x16384xi32>
    %select_n3A = arith.select %and3A, %sub3A_31, %div3A_9 : vector<4x16384xi1>, vector<4x16384xi32>
    %jit3A_32 = arith.constant 128 : i32
    %eq3A = arith.constant 0 : i32
    %eq3A_33 = arith.cmpi eq, %jit3A_32, %eq3A : i32
    %jit3A_34 = arith.constant 1 : i32
    %select_n3A_35 = arith.select %eq3A_33, %jit3A_34, %jit3A_32 : i32
    %rem3A_36 = vector.broadcast %select_n3A_35 : i32 to vector<4x16384xi32>
    %rem3A_37 = arith.remsi %iota3A, %rem3A_36 : vector<4x16384xi32>
    %ne3A_38 = arith.constant 0 : i32
    %ne3A_39 = vector.broadcast %ne3A_38 : i32 to vector<4x16384xi32>
    %ne3A_40 = arith.cmpi ne, %rem3A_37, %ne3A_39 : vector<4x16384xi32>
    %lt3A = arith.constant 0 : i32
    %lt3A_41 = vector.broadcast %lt3A : i32 to vector<4x16384xi32>
    %lt3A_42 = arith.cmpi slt, %rem3A_37, %lt3A_41 : vector<4x16384xi32>
    %lt3A_43 = arith.constant 0 : i32
    %lt3A_44 = arith.cmpi slt, %select_n3A_35, %lt3A_43 : i32
    %ne3A_45 = vector.broadcast %lt3A_44 : i1 to vector<4x16384xi1>
    %ne3A_46 = vector.broadcast %ne3A_45 : vector<4x16384xi1> to vector<4x16384xi1>
    %ne3A_47 = arith.xori %lt3A_42, %ne3A_46 : vector<4x16384xi1>
    %and3A_48 = arith.andi %ne3A_47, %ne3A_40 : vector<4x16384xi1>
    %add3A_49 = vector.broadcast %select_n3A_35 : i32 to vector<4x16384xi32>
    %add3A_50 = arith.addi %rem3A_37, %add3A_49 : vector<4x16384xi32>
    %select_n3A_51 = arith.select %and3A_48, %add3A_50, %rem3A_37 : vector<4x16384xi1>, vector<4x16384xi32>
    %eq3A_52 = arith.cmpi eq, %select_n3A, %select_n3A_51 : vector<4x16384xi32>
    %jit3A_53 = arith.constant 1.000000e+00 : f32
    %jit3A_54 = arith.constant 0.000000e+00 : f32
    %broadcast_in_dim3A_55 = vector.broadcast %jit3A_53 : f32 to vector<4x16384xf32>
    %broadcast_in_dim3A_56 = vector.broadcast %jit3A_54 : f32 to vector<4x16384xf32>
    %select_n3A_57 = arith.select %eq3A_52, %broadcast_in_dim3A_55, %broadcast_in_dim3A_56 : vector<4x16384xi1>, vector<4x16384xf32>
    %add3A_58 = arith.addf %add3A_8, %select_n3A_57 : vector<4x16384xf32>
    %swap3A = arith.constant 0 : index
    %swap3A_59 = arith.constant 0 : index
    %swap3A_60 = vector.load %arg3[%swap3A, %swap3A_59] : memref<4x16384xf32, #tpu.memory_space<vmem>>, vector<4x16384xf32>
    tpu.vector_store %arg3[%swap3A, %swap3A_59], %add3A_58 {strides = array<i32>} : memref<4x16384xf32, #tpu.memory_space<vmem>>, vector<4x16384xf32>,
    return
  }
}

module attributes {stable_mosaic.version = 14 : i64} {
  func.func @_mid_body(%arg0: i32, %arg1: i32, %arg2: memref<1024x128xf32, #tpu.memory_space<vmem>>, %arg3: memref<1x128x128xf32, #tpu.memory_space<vmem>>, %arg4: memref<64x128xf32, #tpu.memory_space<vmem>>, %arg5: memref<64xf32, #tpu.memory_space<vmem>>, %arg6: memref<64x64xf32, #tpu.memory_space<vmem>>, %arg7: memref<64xf32, #tpu.memory_space<vmem>>, %arg8: memref<128x64xf32, #tpu.memory_space<vmem>>, %arg9: memref<128xf32, #tpu.memory_space<vmem>>, %arg10: memref<1024x64xf32, #tpu.memory_space<vmem>>, %arg11: memref<1x1x128xf32, #tpu.memory_space<vmem>>) attributes {dimension_semantics = [#tpu.dimension_semantics<arbitrary>, #tpu.dimension_semantics<arbitrary>], iteration_bounds = array<i64: 4, 32>, scalar_prefetch = 0 : i64, scratch_operands = 0 : i64, tpu.core_type = #tpu.core_type<tc>, window_params = [{transform_indices = @transform_0, window_bounds = array<i64: 1024, 128>}, {transform_indices = @transform_1, window_bounds = array<i64: 1, 128, 128>}, {pipeline_mode = #tpu.pipeline_mode<synchronous>, transform_indices = @transform_2, window_bounds = array<i64: 64, 128>}, {pipeline_mode = #tpu.pipeline_mode<synchronous>, transform_indices = @transform_3, window_bounds = array<i64: 64>}, {pipeline_mode = #tpu.pipeline_mode<synchronous>, transform_indices = @transform_4, window_bounds = array<i64: 64, 64>}, {pipeline_mode = #tpu.pipeline_mode<synchronous>, transform_indices = @transform_5, window_bounds = array<i64: 64>}, {pipeline_mode = #tpu.pipeline_mode<synchronous>, transform_indices = @transform_6, window_bounds = array<i64: 128, 64>}, {pipeline_mode = #tpu.pipeline_mode<synchronous>, transform_indices = @transform_7, window_bounds = array<i64: 128>}, {transform_indices = @transform_8, window_bounds = array<i64: 1024, 64>}, {transform_indices = @transform_9, window_bounds = array<i64: 1, 1, 128>}]} {
    %get3A = arith.constant 0 : index
    %get3A_0 = arith.constant 0 : index
    %get3A_1 = vector.load %arg2[%get3A, %get3A_0] : memref<1024x128xf32, #tpu.memory_space<vmem>>, vector<1024x128xf32>
    %get3A_2 = arith.constant 0 : index
    %get3A_3 = arith.constant 0 : index
    %get3A_4 = arith.constant 0 : index
    %get3A_5 = vector.load %arg3[%get3A_2, %get3A_3, %get3A_4] : memref<1x128x128xf32, #tpu.memory_space<vmem>>, vector<1x128x128xf32>
    %get3A_6 = vector.shape_cast %get3A_5 : vector<1x128x128xf32> to vector<128x128xf32>
    %dot_general3A = arith.constant dense<0.000000e+00> : vector<1024x128xf32>
    %dot_general3A_7 = tpu.matmul %get3A_1, %get3A_6, %dot_general3A {dimension_numbers = #tpu.dot_dimension_numbers<[1], [1], [0], [0], [0, 0, 1, 0], [], []>, transpose_lhs_hint = false} : vector<1024x128xf32>, vector<128x128xf32>, vector<1024x128xf32> -> vector<1024x128xf32>
    %get3A_8 = arith.constant 0 : index
    %get3A_9 = arith.constant 0 : index
    %get3A_10 = vector.load %arg4[%get3A_8, %get3A_9] : memref<64x128xf32, #tpu.memory_space<vmem>>, vector<64x128xf32>
    %dot_general3A_11 = arith.constant dense<0.000000e+00> : vector<1024x64xf32>
    %dot_general3A_12 = tpu.matmul %dot_general3A_7, %get3A_10, %dot_general3A_11 {dimension_numbers = #tpu.dot_dimension_numbers<[1], [1], [0], [0], [0, 0, 1, 0], [], []>, transpose_lhs_hint = false} : vector<1024x128xf32>, vector<64x128xf32>, vector<1024x64xf32> -> vector<1024x64xf32>
    %get3A_13 = arith.constant 0 : index
    %get3A_14 = vector.load %arg5[%get3A_13] : memref<64xf32, #tpu.memory_space<vmem>>, vector<64xf32>
    %broadcast_in_dim3A = vector.shape_cast %get3A_14 : vector<64xf32> to vector<1x64xf32>
    %add3A = vector.broadcast %broadcast_in_dim3A : vector<1x64xf32> to vector<1024x64xf32>
    %add3A_15 = arith.addf %dot_general3A_12, %add3A : vector<1024x64xf32>
    %max3A = arith.constant 0.000000e+00 : f32
    %max3A_16 = vector.broadcast %max3A : f32 to vector<1024x64xf32>
    %max3A_17 = arith.maximumf %add3A_15, %max3A_16 : vector<1024x64xf32>
    %swap3A = arith.constant 0 : index
    %swap3A_18 = arith.constant 0 : index
    %swap3A_19 = vector.load %arg10[%swap3A, %swap3A_18] : memref<1024x64xf32, #tpu.memory_space<vmem>>, vector<1024x64xf32>
    tpu.vector_store %arg10[%swap3A, %swap3A_18], %max3A_17 {strides = array<i32>} : memref<1024x64xf32, #tpu.memory_space<vmem>>, vector<1024x64xf32>,
    %get3A_20 = arith.constant 0 : index
    %get3A_21 = arith.constant 0 : index
    %get3A_22 = vector.load %arg6[%get3A_20, %get3A_21] : memref<64x64xf32, #tpu.memory_space<vmem>>, vector<64x64xf32>
    %dot_general3A_23 = arith.constant dense<0.000000e+00> : vector<1024x64xf32>
    %dot_general3A_24 = tpu.matmul %max3A_17, %get3A_22, %dot_general3A_23 {dimension_numbers = #tpu.dot_dimension_numbers<[1], [1], [0], [0], [0, 0, 1, 0], [], []>, transpose_lhs_hint = false} : vector<1024x64xf32>, vector<64x64xf32>, vector<1024x64xf32> -> vector<1024x64xf32>
    %get3A_25 = arith.constant 0 : index
    %get3A_26 = vector.load %arg7[%get3A_25] : memref<64xf32, #tpu.memory_space<vmem>>, vector<64xf32>
    %broadcast_in_dim3A_27 = vector.shape_cast %get3A_26 : vector<64xf32> to vector<1x64xf32>
    %add3A_28 = vector.broadcast %broadcast_in_dim3A_27 : vector<1x64xf32> to vector<1024x64xf32>
    %add3A_29 = arith.addf %dot_general3A_24, %add3A_28 : vector<1024x64xf32>
    %max3A_30 = arith.constant 0.000000e+00 : f32
    %max3A_31 = vector.broadcast %max3A_30 : f32 to vector<1024x64xf32>
    %max3A_32 = arith.maximumf %add3A_29, %max3A_31 : vector<1024x64xf32>
    %get3A_33 = arith.constant 0 : index
    %get3A_34 = arith.constant 0 : index
    %get3A_35 = vector.load %arg8[%get3A_33, %get3A_34] : memref<128x64xf32, #tpu.memory_space<vmem>>, vector<128x64xf32>
    %dot_general3A_36 = arith.constant dense<0.000000e+00> : vector<1024x128xf32>
    %dot_general3A_37 = tpu.matmul %max3A_32, %get3A_35, %dot_general3A_36 {dimension_numbers = #tpu.dot_dimension_numbers<[1], [1], [0], [0], [0, 0, 1, 0], [], []>, transpose_lhs_hint = false} : vector<1024x64xf32>, vector<128x64xf32>, vector<1024x128xf32> -> vector<1024x128xf32>
    %get3A_38 = arith.constant 0 : index
    %get3A_39 = vector.load %arg9[%get3A_38] : memref<128xf32, #tpu.memory_space<vmem>>, vector<128xf32>
    %broadcast_in_dim3A_40 = vector.shape_cast %get3A_39 : vector<128xf32> to vector<1x128xf32>
    %add3A_41 = vector.broadcast %broadcast_in_dim3A_40 : vector<1x128xf32> to vector<1024x128xf32>
    %add3A_42 = arith.addf %dot_general3A_37, %add3A_41 : vector<1024x128xf32>
    %max3A_43 = arith.constant 0.000000e+00 : f32
    %max3A_44 = vector.broadcast %max3A_43 : f32 to vector<1024x128xf32>
    %max3A_45 = arith.maximumf %add3A_42, %max3A_44 : vector<1024x128xf32>
    %reduce_max3A = arith.constant dense<0xFF800000> : vector<128xf32>
    %reduce_max3A_46 = vector.multi_reduction <maximumf>, %max3A_45, %reduce_max3A [0] : vector<1024x128xf32> to vector<128xf32>
    %broadcast_in_dim3A_47 = vector.shape_cast %reduce_max3A_46 : vector<128xf32> to vector<1x128xf32>
    %broadcast_in_dim3A_48 = vector.shape_cast %broadcast_in_dim3A_47 : vector<1x128xf32> to vector<1x1x128xf32>
    %eq3A = arith.constant 0 : i32
    %eq3A_49 = arith.cmpi eq, %arg1, %eq3A : i32
    %convert_element_type3A = arith.extui %eq3A_49 : i1 to i32
    %cond3A = arith.constant 0 : i32
    %cond3A_50 = arith.cmpi ne, %convert_element_type3A, %cond3A : i32
    scf.if %cond3A_50 {
      %swap3A_55 = arith.constant 0 : index
      %swap3A_56 = arith.constant 0 : index
      %swap3A_57 = arith.constant 0 : index
      %swap3A_58 = vector.load %arg11[%swap3A_55, %swap3A_56, %swap3A_57] : memref<1x1x128xf32, #tpu.memory_space<vmem>>, vector<1x1x128xf32>
      tpu.vector_store %arg11[%swap3A_55, %swap3A_56, %swap3A_57], %broadcast_in_dim3A_48 {strides = array<i32>} : memref<1x1x128xf32, #tpu.memory_space<vmem>>, vector<1x1x128xf32>,
    } else {
    }
    %gt3A = arith.constant 0 : i32
    %gt3A_51 = arith.cmpi sgt, %arg1, %gt3A : i32
    %convert_element_type3A_52 = arith.extui %gt3A_51 : i1 to i32
    %cond3A_53 = arith.constant 0 : i32
    %cond3A_54 = arith.cmpi ne, %convert_element_type3A_52, %cond3A_53 : i32
    scf.if %cond3A_54 {
      %get3A_55 = arith.constant 0 : index
      %get3A_56 = arith.constant 0 : index
      %get3A_57 = arith.constant 0 : index
      %get3A_58 = vector.load %arg11[%get3A_55, %get3A_56, %get3A_57] : memref<1x1x128xf32, #tpu.memory_space<vmem>>, vector<1x1x128xf32>
      %max3A_59 = arith.maximumf %get3A_58, %broadcast_in_dim3A_48 : vector<1x1x128xf32>
      %swap3A_60 = arith.constant 0 : index
      %swap3A_61 = arith.constant 0 : index
      %swap3A_62 = arith.constant 0 : index
      %swap3A_63 = vector.load %arg11[%swap3A_60, %swap3A_61, %swap3A_62] : memref<1x1x128xf32, #tpu.memory_space<vmem>>, vector<1x1x128xf32>
      tpu.vector_store %arg11[%swap3A_60, %swap3A_61, %swap3A_62], %max3A_59 {strides = array<i32>} : memref<1x1x128xf32, #tpu.memory_space<vmem>>, vector<1x1x128xf32>,
    } else {
    }
    return
  }
  func.func @transform_0(%arg0: i32, %arg1: i32) -> (i32, i32) {
    %mul3A = arith.constant 32 : i32
    %mul3A_0 = arith.muli %arg0, %mul3A : i32
    %add3A = arith.addi %mul3A_0, %arg1 : i32
    %c0_i32 = arith.constant 0 : i32
    %c0_i32_1 = arith.constant 0 : i32
    return %add3A, %c0_i32 : i32, i32
  }
  func.func @transform_1(%arg0: i32, %arg1: i32) -> (i32, i32, i32) {
    %c0_i32 = arith.constant 0 : i32
    %c0_i32_0 = arith.constant 0 : i32
    %c0_i32_1 = arith.constant 0 : i32
    return %arg0, %c0_i32, %c0_i32_0 : i32, i32, i32
  }
  func.func @transform_2(%arg0: i32, %arg1: i32) -> (i32, i32) {
    %c0_i32 = arith.constant 0 : i32
    %c0_i32_0 = arith.constant 0 : i32
    %c0_i32_1 = arith.constant 0 : i32
    return %c0_i32, %c0_i32_0 : i32, i32
  }
  func.func @transform_3(%arg0: i32, %arg1: i32) -> i32 {
    %c0_i32 = arith.constant 0 : i32
    %c0_i32_0 = arith.constant 0 : i32
    return %c0_i32 : i32
  }
  func.func @transform_4(%arg0: i32, %arg1: i32) -> (i32, i32) {
    %c0_i32 = arith.constant 0 : i32
    %c0_i32_0 = arith.constant 0 : i32
    %c0_i32_1 = arith.constant 0 : i32
    return %c0_i32, %c0_i32_0 : i32, i32
  }
  func.func @transform_5(%arg0: i32, %arg1: i32) -> i32 {
    %c0_i32 = arith.constant 0 : i32
    %c0_i32_0 = arith.constant 0 : i32
    return %c0_i32 : i32
  }
  func.func @transform_6(%arg0: i32, %arg1: i32) -> (i32, i32) {
    %c0_i32 = arith.constant 0 : i32
    %c0_i32_0 = arith.constant 0 : i32
    %c0_i32_1 = arith.constant 0 : i32
    return %c0_i32, %c0_i32_0 : i32, i32
  }
  func.func @transform_7(%arg0: i32, %arg1: i32) -> i32 {
    %c0_i32 = arith.constant 0 : i32
    %c0_i32_0 = arith.constant 0 : i32
    return %c0_i32 : i32
  }
  func.func @transform_8(%arg0: i32, %arg1: i32) -> (i32, i32) {
    %mul3A = arith.constant 32 : i32
    %mul3A_0 = arith.muli %arg0, %mul3A : i32
    %add3A = arith.addi %mul3A_0, %arg1 : i32
    %c0_i32 = arith.constant 0 : i32
    %c0_i32_1 = arith.constant 0 : i32
    return %add3A, %c0_i32 : i32, i32
  }
  func.func @transform_9(%arg0: i32, %arg1: i32) -> (i32, i32, i32) {
    %c0_i32 = arith.constant 0 : i32
    %c0_i32_0 = arith.constant 0 : i32
    %c0_i32_1 = arith.constant 0 : i32
    return %arg0, %c0_i32, %c0_i32_0 : i32, i32, i32
  }
}

module attributes {stable_mosaic.version = 14 : i64} {
  func.func @_tfc_body(%arg0: memref<4x128xf32, #tpu.memory_space<vmem>>, %arg1: memref<128x4096xf32, #tpu.memory_space<vmem>>, %arg2: memref<4096xf32, #tpu.memory_space<vmem>>, %arg3: memref<4x4096xf32, #tpu.memory_space<vmem>>) attributes {dimension_semantics = [], scalar_prefetch = 0 : i64, scratch_operands = 0 : i64, tpu.core_type = #tpu.core_type<tc>} {
    %get3A = arith.constant 0 : index
    %get3A_0 = arith.constant 0 : index
    %get3A_1 = vector.load %arg0[%get3A, %get3A_0] : memref<4x128xf32, #tpu.memory_space<vmem>>, vector<4x128xf32>
    %get3A_2 = arith.constant 0 : index
    %get3A_3 = arith.constant 0 : index
    %get3A_4 = vector.load %arg1[%get3A_2, %get3A_3] : memref<128x4096xf32, #tpu.memory_space<vmem>>, vector<128x4096xf32>
    %dot_general3A = arith.constant dense<0.000000e+00> : vector<4x4096xf32>
    %dot_general3A_5 = tpu.matmul %get3A_1, %get3A_4, %dot_general3A {dimension_numbers = #tpu.dot_dimension_numbers<[1], [0], [0], [1], [0, 0, 1, 1], [], []>, transpose_lhs_hint = false} : vector<4x128xf32>, vector<128x4096xf32>, vector<4x4096xf32> -> vector<4x4096xf32>
    %get3A_6 = arith.constant 0 : index
    %get3A_7 = vector.load %arg2[%get3A_6] : memref<4096xf32, #tpu.memory_space<vmem>>, vector<4096xf32>
    %broadcast_in_dim3A = vector.shape_cast %get3A_7 : vector<4096xf32> to vector<1x4096xf32>
    %add3A = vector.broadcast %broadcast_in_dim3A : vector<1x4096xf32> to vector<4x4096xf32>
    %add3A_8 = arith.addf %dot_general3A_5, %add3A : vector<4x4096xf32>
    %iota3A = tpu.iota {dimensions = array<i32: 1>} : vector<4x4096xi32>
    %jit3A = arith.constant 64 : i32
    %div3A = vector.broadcast %jit3A : i32 to vector<4x4096xi32>
    %div3A_9 = arith.divsi %iota3A, %div3A : vector<4x4096xi32>
    %sign3A = arith.constant 0 : i32
    %sign3A_10 = vector.broadcast %sign3A : i32 to vector<4x4096xi32>
    %sign3A_11 = arith.cmpi sgt, %iota3A, %sign3A_10 : vector<4x4096xi32>
    %sign3A_12 = arith.extui %sign3A_11 : vector<4x4096xi1> to vector<4x4096xi32>
    %sign3A_13 = arith.constant 0 : i32
    %sign3A_14 = vector.broadcast %sign3A_13 : i32 to vector<4x4096xi32>
    %sign3A_15 = arith.cmpi slt, %iota3A, %sign3A_14 : vector<4x4096xi32>
    %sign3A_16 = arith.extui %sign3A_15 : vector<4x4096xi1> to vector<4x4096xi32>
    %sign3A_17 = arith.subi %sign3A_12, %sign3A_16 : vector<4x4096xi32>
    %sign3A_18 = arith.constant 0 : i32
    %sign3A_19 = arith.cmpi sgt, %jit3A, %sign3A_18 : i32
    %sign3A_20 = arith.extui %sign3A_19 : i1 to i32
    %sign3A_21 = arith.constant 0 : i32
    %sign3A_22 = arith.cmpi slt, %jit3A, %sign3A_21 : i32
    %sign3A_23 = arith.extui %sign3A_22 : i1 to i32
    %sign3A_24 = arith.subi %sign3A_20, %sign3A_23 : i32
    %ne3A = vector.broadcast %sign3A_24 : i32 to vector<4x4096xi32>
    %ne3A_25 = arith.cmpi ne, %sign3A_17, %ne3A : vector<4x4096xi32>
    %rem3A = vector.broadcast %jit3A : i32 to vector<4x4096xi32>
    %rem3A_26 = arith.remsi %iota3A, %rem3A : vector<4x4096xi32>
    %ne3A_27 = arith.constant 0 : i32
    %ne3A_28 = vector.broadcast %ne3A_27 : i32 to vector<4x4096xi32>
    %ne3A_29 = arith.cmpi ne, %rem3A_26, %ne3A_28 : vector<4x4096xi32>
    %and3A = arith.andi %ne3A_25, %ne3A_29 : vector<4x4096xi1>
    %sub3A = arith.constant 1 : i32
    %sub3A_30 = vector.broadcast %sub3A : i32 to vector<4x4096xi32>
    %sub3A_31 = arith.subi %div3A_9, %sub3A_30 : vector<4x4096xi32>
    %select_n3A = arith.select %and3A, %sub3A_31, %div3A_9 : vector<4x4096xi1>, vector<4x4096xi32>
    %jit3A_32 = arith.constant 64 : i32
    %eq3A = arith.constant 0 : i32
    %eq3A_33 = arith.cmpi eq, %jit3A_32, %eq3A : i32
    %jit3A_34 = arith.constant 1 : i32
    %select_n3A_35 = arith.select %eq3A_33, %jit3A_34, %jit3A_32 : i32
    %rem3A_36 = vector.broadcast %select_n3A_35 : i32 to vector<4x4096xi32>
    %rem3A_37 = arith.remsi %iota3A, %rem3A_36 : vector<4x4096xi32>
    %ne3A_38 = arith.constant 0 : i32
    %ne3A_39 = vector.broadcast %ne3A_38 : i32 to vector<4x4096xi32>
    %ne3A_40 = arith.cmpi ne, %rem3A_37, %ne3A_39 : vector<4x4096xi32>
    %lt3A = arith.constant 0 : i32
    %lt3A_41 = vector.broadcast %lt3A : i32 to vector<4x4096xi32>
    %lt3A_42 = arith.cmpi slt, %rem3A_37, %lt3A_41 : vector<4x4096xi32>
    %lt3A_43 = arith.constant 0 : i32
    %lt3A_44 = arith.cmpi slt, %select_n3A_35, %lt3A_43 : i32
    %ne3A_45 = vector.broadcast %lt3A_44 : i1 to vector<4x4096xi1>
    %ne3A_46 = vector.broadcast %ne3A_45 : vector<4x4096xi1> to vector<4x4096xi1>
    %ne3A_47 = arith.xori %lt3A_42, %ne3A_46 : vector<4x4096xi1>
    %and3A_48 = arith.andi %ne3A_47, %ne3A_40 : vector<4x4096xi1>
    %add3A_49 = vector.broadcast %select_n3A_35 : i32 to vector<4x4096xi32>
    %add3A_50 = arith.addi %rem3A_37, %add3A_49 : vector<4x4096xi32>
    %select_n3A_51 = arith.select %and3A_48, %add3A_50, %rem3A_37 : vector<4x4096xi1>, vector<4x4096xi32>
    %eq3A_52 = arith.cmpi eq, %select_n3A, %select_n3A_51 : vector<4x4096xi32>
    %jit3A_53 = arith.constant 1.000000e+00 : f32
    %jit3A_54 = arith.constant 0.000000e+00 : f32
    %broadcast_in_dim3A_55 = vector.broadcast %jit3A_53 : f32 to vector<4x4096xf32>
    %broadcast_in_dim3A_56 = vector.broadcast %jit3A_54 : f32 to vector<4x4096xf32>
    %select_n3A_57 = arith.select %eq3A_52, %broadcast_in_dim3A_55, %broadcast_in_dim3A_56 : vector<4x4096xi1>, vector<4x4096xf32>
    %add3A_58 = arith.addf %add3A_8, %select_n3A_57 : vector<4x4096xf32>
    %swap3A = arith.constant 0 : index
    %swap3A_59 = arith.constant 0 : index
    %swap3A_60 = vector.load %arg3[%swap3A, %swap3A_59] : memref<4x4096xf32, #tpu.memory_space<vmem>>, vector<4x4096xf32>
    tpu.vector_store %arg3[%swap3A, %swap3A_59], %add3A_58 {strides = array<i32>} : memref<4x4096xf32, #tpu.memory_space<vmem>>, vector<4x4096xf32>,
    return
  }
}

module attributes {stable_mosaic.version = 14 : i64} {
  func.func @_tail_body(%arg0: i32, %arg1: i32, %arg2: memref<1024x64xf32, #tpu.memory_space<vmem>>, %arg3: memref<1x64x64xf32, #tpu.memory_space<vmem>>, %arg4: memref<128x64xf32, #tpu.memory_space<vmem>>, %arg5: memref<128xf32, #tpu.memory_space<vmem>>, %arg6: memref<256x128xf32, #tpu.memory_space<vmem>>, %arg7: memref<256xf32, #tpu.memory_space<vmem>>, %arg8: memref<1024x256xf32, #tpu.memory_space<vmem>>) attributes {dimension_semantics = [#tpu.dimension_semantics<arbitrary>, #tpu.dimension_semantics<arbitrary>], iteration_bounds = array<i64: 4, 32>, scalar_prefetch = 0 : i64, scratch_operands = 0 : i64, tpu.core_type = #tpu.core_type<tc>, window_params = [{transform_indices = @transform_0, window_bounds = array<i64: 1024, 64>}, {transform_indices = @transform_1, window_bounds = array<i64: 1, 64, 64>}, {pipeline_mode = #tpu.pipeline_mode<synchronous>, transform_indices = @transform_2, window_bounds = array<i64: 128, 64>}, {pipeline_mode = #tpu.pipeline_mode<synchronous>, transform_indices = @transform_3, window_bounds = array<i64: 128>}, {pipeline_mode = #tpu.pipeline_mode<synchronous>, transform_indices = @transform_4, window_bounds = array<i64: 256, 128>}, {pipeline_mode = #tpu.pipeline_mode<synchronous>, transform_indices = @transform_5, window_bounds = array<i64: 256>}, {transform_indices = @transform_6, window_bounds = array<i64: 1024, 256>}]} {
    %get3A = arith.constant 0 : index
    %get3A_0 = arith.constant 0 : index
    %get3A_1 = vector.load %arg2[%get3A, %get3A_0] : memref<1024x64xf32, #tpu.memory_space<vmem>>, vector<1024x64xf32>
    %get3A_2 = arith.constant 0 : index
    %get3A_3 = arith.constant 0 : index
    %get3A_4 = arith.constant 0 : index
    %get3A_5 = vector.load %arg3[%get3A_2, %get3A_3, %get3A_4] : memref<1x64x64xf32, #tpu.memory_space<vmem>>, vector<1x64x64xf32>
    %get3A_6 = vector.shape_cast %get3A_5 : vector<1x64x64xf32> to vector<64x64xf32>
    %dot_general3A = arith.constant dense<0.000000e+00> : vector<1024x64xf32>
    %dot_general3A_7 = tpu.matmul %get3A_1, %get3A_6, %dot_general3A {dimension_numbers = #tpu.dot_dimension_numbers<[1], [1], [0], [0], [0, 0, 1, 0], [], []>, transpose_lhs_hint = false} : vector<1024x64xf32>, vector<64x64xf32>, vector<1024x64xf32> -> vector<1024x64xf32>
    %get3A_8 = arith.constant 0 : index
    %get3A_9 = arith.constant 0 : index
    %get3A_10 = vector.load %arg4[%get3A_8, %get3A_9] : memref<128x64xf32, #tpu.memory_space<vmem>>, vector<128x64xf32>
    %dot_general3A_11 = arith.constant dense<0.000000e+00> : vector<1024x128xf32>
    %dot_general3A_12 = tpu.matmul %dot_general3A_7, %get3A_10, %dot_general3A_11 {dimension_numbers = #tpu.dot_dimension_numbers<[1], [1], [0], [0], [0, 0, 1, 0], [], []>, transpose_lhs_hint = false} : vector<1024x64xf32>, vector<128x64xf32>, vector<1024x128xf32> -> vector<1024x128xf32>
    %get3A_13 = arith.constant 0 : index
    %get3A_14 = vector.load %arg5[%get3A_13] : memref<128xf32, #tpu.memory_space<vmem>>, vector<128xf32>
    %broadcast_in_dim3A = vector.shape_cast %get3A_14 : vector<128xf32> to vector<1x128xf32>
    %add3A = vector.broadcast %broadcast_in_dim3A : vector<1x128xf32> to vector<1024x128xf32>
    %add3A_15 = arith.addf %dot_general3A_12, %add3A : vector<1024x128xf32>
    %max3A = arith.constant 0.000000e+00 : f32
    %max3A_16 = vector.broadcast %max3A : f32 to vector<1024x128xf32>
    %max3A_17 = arith.maximumf %add3A_15, %max3A_16 : vector<1024x128xf32>
    %get3A_18 = arith.constant 0 : index
    %get3A_19 = arith.constant 0 : index
    %get3A_20 = vector.load %arg6[%get3A_18, %get3A_19] : memref<256x128xf32, #tpu.memory_space<vmem>>, vector<256x128xf32>
    %dot_general3A_21 = arith.constant dense<0.000000e+00> : vector<1024x256xf32>
    %dot_general3A_22 = tpu.matmul %max3A_17, %get3A_20, %dot_general3A_21 {dimension_numbers = #tpu.dot_dimension_numbers<[1], [1], [0], [0], [0, 0, 1, 0], [], []>, transpose_lhs_hint = false} : vector<1024x128xf32>, vector<256x128xf32>, vector<1024x256xf32> -> vector<1024x256xf32>
    %get3A_23 = arith.constant 0 : index
    %get3A_24 = vector.load %arg7[%get3A_23] : memref<256xf32, #tpu.memory_space<vmem>>, vector<256xf32>
    %broadcast_in_dim3A_25 = vector.shape_cast %get3A_24 : vector<256xf32> to vector<1x256xf32>
    %add3A_26 = vector.broadcast %broadcast_in_dim3A_25 : vector<1x256xf32> to vector<1024x256xf32>
    %add3A_27 = arith.addf %dot_general3A_22, %add3A_26 : vector<1024x256xf32>
    %max3A_28 = arith.constant 0.000000e+00 : f32
    %max3A_29 = vector.broadcast %max3A_28 : f32 to vector<1024x256xf32>
    %max3A_30 = arith.maximumf %add3A_27, %max3A_29 : vector<1024x256xf32>
    %swap3A = arith.constant 0 : index
    %swap3A_31 = arith.constant 0 : index
    %swap3A_32 = vector.load %arg8[%swap3A, %swap3A_31] : memref<1024x256xf32, #tpu.memory_space<vmem>>, vector<1024x256xf32>
    tpu.vector_store %arg8[%swap3A, %swap3A_31], %max3A_30 {strides = array<i32>} : memref<1024x256xf32, #tpu.memory_space<vmem>>, vector<1024x256xf32>,
    return
  }
  func.func @transform_0(%arg0: i32, %arg1: i32) -> (i32, i32) {
    %mul3A = arith.constant 32 : i32
    %mul3A_0 = arith.muli %arg0, %mul3A : i32
    %add3A = arith.addi %mul3A_0, %arg1 : i32
    %c0_i32 = arith.constant 0 : i32
    %c0_i32_1 = arith.constant 0 : i32
    return %add3A, %c0_i32 : i32, i32
  }
  func.func @transform_1(%arg0: i32, %arg1: i32) -> (i32, i32, i32) {
    %c0_i32 = arith.constant 0 : i32
    %c0_i32_0 = arith.constant 0 : i32
    %c0_i32_1 = arith.constant 0 : i32
    return %arg0, %c0_i32, %c0_i32_0 : i32, i32, i32
  }
  func.func @transform_2(%arg0: i32, %arg1: i32) -> (i32, i32) {
    %c0_i32 = arith.constant 0 : i32
    %c0_i32_0 = arith.constant 0 : i32
    %c0_i32_1 = arith.constant 0 : i32
    return %c0_i32, %c0_i32_0 : i32, i32
  }
  func.func @transform_3(%arg0: i32, %arg1: i32) -> i32 {
    %c0_i32 = arith.constant 0 : i32
    %c0_i32_0 = arith.constant 0 : i32
    return %c0_i32 : i32
  }
  func.func @transform_4(%arg0: i32, %arg1: i32) -> (i32, i32) {
    %c0_i32 = arith.constant 0 : i32
    %c0_i32_0 = arith.constant 0 : i32
    %c0_i32_1 = arith.constant 0 : i32
    return %c0_i32, %c0_i32_0 : i32, i32
  }
  func.func @transform_5(%arg0: i32, %arg1: i32) -> i32 {
    %c0_i32 = arith.constant 0 : i32
    %c0_i32_0 = arith.constant 0 : i32
    return %c0_i32 : i32
  }
  func.func @transform_6(%arg0: i32, %arg1: i32) -> (i32, i32) {
    %mul3A = arith.constant 32 : i32
    %mul3A_0 = arith.muli %arg0, %mul3A : i32
    %add3A = arith.addi %mul3A_0, %arg1 : i32
    %c0_i32 = arith.constant 0 : i32
    %c0_i32_1 = arith.constant 0 : i32
    return %add3A, %c0_i32 : i32, i32
  }
}

</mosaic_0001>

<sc_bundles>
// kernel: kernel.9.cloned.1.call-start
scs
__scs_entry_jumppad:
0x0: {  	(pc) =	sbr.rel $0x88, $3  }
0x1: {  	(tag) =	ssettag $0x0;
	lr =	simm.s32 $0x1  }
0x2: {  	[smem:$0x3F8D] =	sst lr;
	_ =	strace $0xD0000000  }
0x3: {  	_ = 	snop  }
0x4: {  	_ = 	snop  }
0x5: {  	_ = 	snop  }
0x6: {  	_ = 	snop  }
0x7: {  	_ = 	snop  }
__scs_overlays_trampoline_lowered:
0x8: {  	[smem:$0x3F9C] =	sst s0  }
0x9: {  	[smem:$0x3F9D] =	sst s1  }
0xa: {  	[smem:$0x3F9E] =	sst s2  }
0xb: {  	[smem:$0x3F9F] =	sst s3  }
0xc: {  	[smem:$0x3FA0] =	sst s4  }
0xd: {  	[smem:$0x3FA1] =	sst s5  }
0xe: {  	[smem:$0x3FA2] =	sst s6  }
0xf: {  	[smem:$0x3FA3] =	sst s7  }
0x10: {  	[smem:$0x3FA4] =	sst s8  }
0x11: {  	[smem:$0x3FA5] =	sst s9;
	s0 =	simm.s32 @!p0 $0x0  }
0x12: {  	s1 =	sld [smem:$0x3F8B];
	s0 =	simm.s32 @p0 $0x1  }
0x13: {  	[smem:$0x3FA6] =	sst s0;
	s0 =	simm.s32 @!p1 $0x0  }
0x14: {  	s2 =	sld [smem:$0x3F8A];
	s0 =	simm.s32 @p1 $0x1  }
0x15: {  	[smem:$0x3FA7] =	sst s0;
	s0 =	simm.s32 @!p2 $0x0  }
0x16: {  	s3 =	sld [smem:$0x3FDB];
	s0 =	simm.s32 @p2 $0x1  }
0x17: {  	s4 =	simm.s32 $0x1BF5;
	[smem:$0x3FA9] =	sst s0  }
0x18: {  	s0 =	sld [smem:$0x3F8C];
	_ =	swait.ge [sflag:s4], $0x0  }
0x19: {  	s7 =	sld [smem:$0x3F8D]  }
0x1a: {  	s8 =	sadd.s32 $0xFFFFE003, lr  }
0x1b: {  	s9 =	sadd.s32 $0xFFFFFEF7, lr;
	s5 =	simm.s32 $0xFFFFFFFF;
	p2 =	slt.u32 s8, $0xFFFFF086  }
0x1c: {  	p1 =	slt.u32 s9, $0xF7A;
	s5 =	simm.s32 @!p2 $0x0  }
0x1d: {  	s5 =	simm.s32 @p1 $0x1;
	p0 =	seq.s32 s7, s2  }
0x1e: {  	s7 =	smul.u32 @!p0 $0xF7A, s2;
	p2 =	seq.s32 @!p0 s5, $0x0  }
0x1f: {  	s9 =	smul.u32 $0xF7A, s1;
	s8 =	simm.s32 @!p0 $0x1BF5;
	p2 =	por !p2, p0  }
0x20: {  	[sflag:s8] =	ssyncset.s32 @!p0 $0xFFFFF086;
	s6 =	sadd.s32 @!p0 s3, s7;
	s7 =	simm.s32 @!p0 $0x108  }
0x21: {  	s3 =	sadd.s32 s3, s9;
	s6 =	sadd.s32 @!p0 $0x88, s6;
	s7 =	simm.s32 @p2 $0x1082  }
0x22: {  	[simem:s7], [sflag:s8] =	dma.local @!p0 [hbm:s6], $0xF7A  }
0x23: {  	s9 =	sor.u32 $0xD0000000, s2;
	s6 =	simm.s32 $0x108;
	_ =	swait.ge @!p0 [sflag:s8], $0x0  }
0x24: {  	s3 =	sadd.s32 $0x88, s3;
	s6 =	simm.s32 @!p1 $0x1082;
	[sflag:s4] =	ssyncset.s32 $0xFFFFF086  }
0x25: {  	[simem:s6], [sflag:s4] =	dma.local [hbm:s3], $0xF7A  }
0x26: {  	[smem:$0x3F8D] =	sst s1;
	(tag) =	ssettag s2;
	_ =	strace s9  }
0x27: {  	s1 =	sld [smem:$0x3F9D]  }
0x28: {  	s2 =	sld [smem:$0x3F9E]  }
0x29: {  	s4 =	sld [smem:$0x3FA0]  }
0x2a: {  	p0 =	seq.s32 s5, $0x0;
	s5 =	sld [smem:$0x3FA1]  }
0x2b: {  	s6 =	sld [smem:$0x3FA2]  }
0x2c: {  	s7 =	sld [smem:$0x3FA3]  }
0x2d: {  	s3 =	simm.s32 $0x108;
	s8 =	sld [smem:$0x3FA4]  }
0x2e: {  	s3 =	simm.s32 @!p0 $0x1082;
	s9 =	sld [smem:$0x3FA5]  }
0x2f: {  	lr =	sadd.s32 s0, s3;
	s0 =	sld [smem:$0x3F9C]  }
0x30: {  	s3 =	sld [smem:$0x3F9F]  }
0x31: {  	[smem:$0x3FA8] =	sst s10  }
0x32: {  	s10 =	sld [smem:$0x3FA6];
	_ =	sdelay $0x3  }
0x33: {  	p0 =	seq.s32 s10, $0x1;
	s10 =	sld [smem:$0x3FA8];
	_ =	sdelay $0x3  }
0x34: {  	[smem:$0x3FA8] =	sst s10  }
0x35: {  	s10 =	sld [smem:$0x3FA7];
	_ =	sdelay $0x3  }
0x36: {  	p1 =	seq.s32 s10, $0x1;
	s10 =	sld [smem:$0x3FA8];
	_ =	sdelay $0x3  }
0x37: {  	[smem:$0x3FA8] =	sst s10  }
0x38: {  	s10 =	sld [smem:$0x3FA9]  }
0x39: {  	_ = 	snop;
	(pc) =	sbr.ind lr, $3  }
0x3a: {  	_ = 	snop  }
0x3b: {  	_ = 	snop  }
0x3c: {  	p2 =	seq.s32 s10, $0x1;
	s10 =	sld [smem:$0x3FA8]  }
0x3d: {  	_ =	shalt  }
0x3e: {  	_ =	shalt  }
0x3f: {  	_ =	shalt  }
0x40: {  	_ =	shalt  }
0x41: {  	_ =	shalt  }
0x42: {  	_ =	shalt  }
0x43: {  	_ =	shalt  }
0x44: {  	_ =	shalt  }
0x45: {  	_ =	shalt  }
0x46: {  	_ =	shalt  }
0x47: {  	_ =	shalt  }
0x48: {  	_ =	shalt  }
0x49: {  	_ =	shalt  }
0x4a: {  	_ =	shalt  }
0x4b: {  	_ =	shalt  }
0x4c: {  	_ =	shalt  }
0x4d: {  	_ =	shalt  }
0x4e: {  	_ =	shalt  }
0x4f: {  	_ =	shalt  }
0x50: {  	_ =	shalt  }
0x51: {  	_ =	shalt  }
0x52: {  	_ =	shalt  }
0x53: {  	_ =	shalt  }
0x54: {  	_ =	shalt  }
0x55: {  	_ =	shalt  }
0x56: {  	_ =	shalt  }
0x57: {  	_ =	shalt  }
0x58: {  	_ =	shalt  }
0x59: {  	_ =	shalt  }
0x5a: {  	_ =	shalt  }
0x5b: {  	_ =	shalt  }
0x5c: {  	_ =	shalt  }
0x5d: {  	_ =	shalt  }
0x5e: {  	_ =	shalt  }
0x5f: {  	_ =	shalt  }
0x60: {  	_ =	shalt  }
0x61: {  	_ =	shalt  }
0x62: {  	_ =	shalt  }
0x63: {  	_ =	shalt  }
0x64: {  	_ =	shalt  }
0x65: {  	_ =	shalt  }
0x66: {  	_ =	shalt  }
0x67: {  	_ =	shalt  }
0x68: {  	_ =	shalt  }
0x69: {  	_ =	shalt  }
0x6a: {  	_ =	shalt  }
0x6b: {  	_ =	shalt  }
0x6c: {  	_ =	shalt  }
0x6d: {  	_ =	shalt  }
0x6e: {  	_ =	shalt  }
0x6f: {  	_ =	shalt  }
0x70: {  	_ =	shalt  }
0x71: {  	_ =	shalt  }
0x72: {  	_ =	shalt  }
0x73: {  	_ =	shalt  }
0x74: {  	_ =	shalt  }
0x75: {  	_ =	shalt  }
0x76: {  	_ =	shalt  }
0x77: {  	_ =	shalt  }
0x78: {  	_ =	shalt  }
0x79: {  	_ =	shalt  }
0x7a: {  	_ =	shalt  }
0x7b: {  	_ =	shalt  }
0x7c: {  	_ =	shalt  }
0x7d: {  	_ =	shalt  }
0x7e: {  	_ =	shalt  }
0x7f: {  	_ =	shalt  }
0x80: {  	_ =	shalt  }
0x81: {  	_ =	shalt  }
0x82: {  	_ =	shalt  }
0x83: {  	_ =	shalt  }
0x84: {  	_ =	shalt  }
0x85: {  	_ =	shalt  }
0x86: {  	_ =	shalt  }
0x87: {  	_ =	shalt  }
.Lfunc_end0:
.L_simem_size_0:
called_computation.1_lowered:
.L_overlay_start_0:
0x88: {  	s2 =	sld [smem:$0x3FD9]  }
0x89: {  	s3 =	sld [smem:$0x3FFE];
	_ =	sdelay $0x1  }
0x8a: {  	s1 =	srdreg.scid  }
0x8b: {  	s0 =	sand.u32 $0x1, s1  }
0x8c: {  	s14 =	sshll.u32 s0, $0xA;
	s2 =	sadd.s32 s3, s2  }
0x8d: {  	s2 =	sadd.s32 s2, s14  }
0x8e: {  	[smem:$0x3FB4] =	sst s2  }
0x8f: {  	_ = 	snop  }
0x90: {  	s2 =	sld [smem:$0x3FD0];
	_ =	sdelay $0x2  }
0x91: {  	s15 =	simm.s32 $0xA;
	s4 =	simm.s32 $0x10  }
0x92: {  	[smem:s4], [sflag:s15] =	dma.local [hbm:s2], $0x1  }
0x93: {  	_ =	swait.eq [sflag:s15], $0x1  }
0x94: {  	s16 =	sld [smem:$0x11];
	[sflag:s15] =	ssyncset.done $0x0  }
0x95: {  	s17 =	sld [smem:$0x12];
	[sflag:s15] =	ssyncadd.s32 $0xFFFFFFFF  }
0x96: {  	s18 =	sld [smem:$0x13];
	(tm) =	ssettm $0x1  }
0x97: {  	s5 =	sld [smem:$0x3FFB];
	_ =	sdelay $0x3  }
0x98: {  	_ =	strace s5  }
0x99: {  	s5 =	sld [smem:$0x3FFC];
	_ =	sdelay $0x3  }
0x9a: {  	_ =	strace s5  }
0x9b: {  	s5 =	sld [smem:$0x3FFD];
	_ =	sdelay $0x3  }
0x9c: {  	_ =	strace s5  }
0x9d: {  	_ =	strace $0x8FFFFFFF  }
0x9e: {  	s19 =	sld [smem:$0x3FDB];
	_ =	sdelay $0x1  }
0x9f: {  	s6 =	simm.s32 $_scs_section_size  }
0xa0: {  	s7 =	simm.s32 $_size__tile_overlayer_lowered;
	s8 =	simm.s32 $_tile_overlayer_lowered  }
0xa1: {  	s22 =	simm.s32 $0x1BFF;
	s21 =	sshll.u32 s8, $0x1;
	s5 =	sadd.s32 s6, s19  }
0xa2: {  	s9 =	simm.s32 $0x0;
	s20 =	sshll.u32 s7, $0x1;
	s7 =	sadd.s32 s21, s5  }
0xa3: {  	[timem:s9], [sflag:s22] =	dma.local [hbm:s7], s20  }
0xa4: {  	_ =	swait.ge [sflag:s22], s20  }
0xa5: {  	s6 =	ssub.s32 $0x0, s20;
	[sflag:s22] =	ssyncset.done $0x0  }
0xa6: {  	[sflag:s22] =	ssyncadd.s32 s6;
	_ =	sdelay $0x1  }
0xa7: {  	s23 =	simm.s32 $0x1B8B  }
0xa8: {  	_ =	swait.ge [sflag:s23], $0x1  }
0xa9: {  	[sflag:s23] =	ssyncset.done $0x0  }
0xaa: {  	s25 =	simm.s32 $0x1B8E;
	s24 =	sld [smem:$0x3FFE];
	[sflag:s23] =	ssyncadd.s32 $0xFFFFFFFF  }
0xab: {  	s26 =	simm.s32 $execute0_lowered;
	[smem:$0x3FD2] =	sst s25  }
0xac: {  	s7 =	sshll.u32 s26, $0x1;
	_ =	strace $0x80000046;
	[dreg:$0x1] =	wrdreg $0xFFFFFFFF  }
0xad: {  	s28 =	simm.s32 $_size_execute0_lowered;
	s5 =	sadd.s32 s5, s7;
	[dreg:$0x0] =	wrdreg $0x0  }
0xae: {  	s7 =	sshll.u32 s28, $0x1;
	[dreg:$0x2] =	wrdreg s5  }
0xaf: {  	[dreg:$0x3] =	wrdreg s7  }
0xb0: {  	[dreg:$0x4] =	wrdreg $0xC0  }
0xb1: {  	_ =	task [dreg:s9], $0x5FFFF  }
0xb2: {  	[dreg:$0x1] =	wrdreg $0xFFFFFFFF  }
0xb3: {  	[dreg:$0x0] =	wrdreg $0x60  }
0xb4: {  	[dreg:$0x2] =	wrdreg s18  }
0xb5: {  	[dreg:$0x3] =	wrdreg s16  }
0xb6: {  	[dreg:$0x4] =	wrdreg s17  }
0xb7: {  	[dreg:$0x5] =	wrdreg s24  }
0xb8: {  	[dreg:$0x6] =	wrdreg $0x9  }
0xb9: {  	_ =	task.clear_ibuf [dreg:s9], $0x7FFFF;
	_ =	strace $0x90000046  }
0xba: {  	s29 =	simm.s32 $0x9;
	_ =	strace $0x80000048  }
0xbb: {  	_ =	swait.ge [sflag:s29], $0x1  }
0xbc: {  	[sflag:s29] =	ssyncadd.s32 $0xFFFFFFFF  }
0xbd: {  	_ =	strace $0x90000048  }
0xbe: {  	_ =	sfence  }
0xbf: {  	s30 =	sld [smem:$0x0];
	_ =	sdelay $0x2  }
0xc0: {  	s31 =	sshll.u32 s1, $0xD;
	s1 =	sshrl.u32 s1, $0x2  }
0xc1: {  	s3 =	sand.u32 $0x4000, s31;
	s1 =	sadd.s32 s1, s30  }
0xc2: {  	s0 =	sor.u32 s3, s0;
	s1 =	sshll.u32 s1, $0x11  }
0xc3: {  	s0 =	sor.u32 s1, s0  }
0xc4: {  	s0 =	sadd.s32 $0x8F2B, s0  }
0xc5: {  	[sflag:s0] =	ssyncadd.remote.s32 $0x1  }
0xc6: {  	_ =	sfence.sel $0xFFFF  }
0xc7: {  	[dreg:$0x0] =	wrdreg $0xFFFFFFFF;
	(pc) =	sbr.abs _section_cstart, $3  }
0xc8: {  	[dreg:$0x1] =	wrdreg $0xFFFFFFFF  }
0xc9: {  	_ =	task.clear_ibuf [dreg:s9], $0x2FFFF;
	_ =	strace $0x9FFFFFFF  }
0xca: {  	(tm) =	ssettm $0x7FFFFFFF  }
0xcb: {  	_ =	shalt  }
tec
execute0_lowered:
.L_overlay_start_1:
0x0: {  	(tag) =	ssettag $0x1  }
0x1: {  	s0 =	rddreg [dreg:$0x0]  }
0x2: {  	s1 =	rddreg [dreg:$0x1]  }
0x3: {  	s2 =	rddreg [dreg:$0x2]  }
0x4: {  	s4 =	rddreg [dreg:$0x3];
	s5 =	srdreg.scid  }
0x5: {  	s8 =	stileid.u32;
	s3 =	simm.s32 $0x0;
	s28 =	simm.s32 $0x100  }
0x6: {  	s29 =	simm.s32 $0x7000;
	s30 =	simm.s32 $0x1;
	s5 =	sand.u32 $0x1, s5  }
0x7: {  	s6 =	sshll.u32 s8, $0x1;
	[smem:$0x7FF] =	sst s3;
	s19 =	sshrl.u32 s8, $0x2  }
0x8: {  	s6 =	sor.u32 s5, s6;
	_ =	strace $0x80000047;
	s5 =	ssub.s32 $0x2, s5  }
0x9: {  	s9 =	sshll.u32 s19, $0xB;
	s7 =	sshll.u32 s6, $0x10;
	s20 =	sshrl.u32 s5, $0x1  }
0xa: {  	s6 =	sshll.u32 s6, $0xA;
	s0 =	sadd.s32 s0, s9;
	s4 =	sadd.s32 s7, s4  }
0xb: {  	s5 =	ssub.s32 s5, s20;
	[dreg:$0x5] =	wrdreg s0;
	s21 =	sadd.s32 s1, s6  }
0xc: {  	s6 =	sshll.u32 s19, $0xC;
	s0 =	simm.s32 $0xF000;
	s1 =	simm.s32 $0x2  }
0xd: {  	[dreg:$0x6] =	wrdreg s21;
	s22 =	sadd.s32 $0x4C00, s4;
	s23 =	sadd.s32 $0x5C00, s4  }
0xe: {  	s24 =	sadd.s32 $0x6C00, s4;
	s25 =	sadd.s32 $0x7C00, s4;
	s26 =	sadd.s32 $0x8C00, s4  }
0xf: {  	s31 =	sadd.s32 $0x9C00, s4;
	s13 =	sadd.s32 $0xAC00, s4;
	[dreg:$0x7] =	wrdreg s22  }
0x10: {  	s14 =	sadd.s32 $0xBC00, s4;
	s15 =	sadd.s32 $0xCC00, s4;
	[dreg:$0x8] =	wrdreg s23  }
0x11: {  	s16 =	sadd.s32 $0xDC00, s4;
	s17 =	sadd.s32 $0xEC00, s4;
	[dreg:$0x9] =	wrdreg s24  }
0x12: {  	s18 =	sadd.s32 $0xFC00, s4;
	s19 =	sadd.s32 $0x10C00, s4;
	[dreg:$0xa] =	wrdreg s25  }
0x13: {  	s20 =	sadd.s32 $0x11C00, s4;
	s21 =	sadd.s32 $0x12C00, s4;
	[dreg:$0xb] =	wrdreg s26  }
0x14: {  	v0 =	vlaneseq.u32;
	v1 =	vimm.s32 $0x0;
	vm0 =	vmmov $0x7;
	[dreg:$0xc] =	wrdreg s31;
	s22 =	sadd.s32 $0x13C00, s4;
	s23 =	smax.u32 s5, $0x1  }
0x15: {  	v2 =	vor.u32 $0x10, v0;
	v3 =	vor.u32 $0x20, v0;
	v4 =	vor.u32 $0x30, v0;
	s24 =	simm.s32 $0x3;
	s26 =	simm.s32 $0x6000;
	s25 =	simm.s32 $0x0  }
.LBB2_1:
0x16: {  	s4 =	rddreg [dreg:$0x5]  }
0x17: {  	[tilespmem:s3], [sflag:$0x3] =	stream.linear.gather [hbm4b:s4+s3], $0x4000, $0x38;
	[tilespmem:$0x17000] =	vst v63  }
0x18: {  	_ =	swait.ge [sflag:s24], $0x4000  }
0x19: {  	[sflag:s24] =	ssyncset.done $0x0  }
0x1a: {  	s5 =	simm.s32 $0x4000;
	s12 =	rddreg [dreg:$0x6];
	[sflag:s24] =	ssyncadd.s32 $0xFFFFC000  }
0x1b: {  	[tilespmem:s5], [sflag:$0x3] =	stream.linear.gather [hbm4b:s12+s3], $0x2000, $0x38;
	[tilespmem:$0x17000] =	vst v63  }
0x1c: {  	_ =	swait.ge [sflag:s24], $0x2000  }
0x1d: {  	[sflag:s24] =	ssyncset.done $0x0  }
0x1e: {  	s31 =	simm.s32 $0x0;
	[sflag:s24] =	ssyncadd.s32 $0xFFFFE000  }
.LBB2_2:
0x1f: {  	s5 =	sshll.u32 s31, $0x7;
	s4 =	simm.s32 $0x0  }
0x20: {  	s5 =	sand.u32 $0x3FFFFF80, s5;
	s7 =	sand.u32 $0x70, s4;
	s8 =	sand.u32 $0x3E00, s4  }
0x21: {  	v5 =	vld [tilespmem:s5+$0x4000];
	s12 =	sor.u32 s7, s8  }
0x22: {  	v9 =	vld [tilespmem:s12+$0x80]  }
0x23: {  	v10 =	vld [tilespmem:s12+$0x0];
	_ =	sdelay $0x1  }
0x24: {  	v11 =	vld [tilespmem:s12+$0x100]  }
0x25: {  	v6 =	vbroadcast v5, $0x0;
	v7 =	vbroadcast v5, $0x1;
	_ =	sdelay $0x1  }
0x26: {  	v8 =	vbroadcast v5, $0x2;
	v5 =	vsub.f32 v10, v6;
	v9 =	vsub.f32 v9, v7;
	_ =	sdelay $0x1  }
0x27: {  	v10 =	vsub.f32 v11, v8;
	v5 =	vmul.f32 v5, v5;
	v9 =	vmul.f32 v9, v9;
	_ =	sdelay $0x1  }
0x28: {  	v5 =	vadd.f32 v9, v5;
	v9 =	vmul.f32 v10, v10;
	_ =	sdelay $0x1  }
0x29: {  	v5 =	vadd.f32 v9, v5;
	_ =	sdelay $0x1  }
0x2a: {  	vm1 =	vle.f32 v5, $3.999999910e-02  }
0x2b: {  	v5 =	vsel vm1, $0x1, v1  }
0x2c: {  	(xrf0) =	vadd.scan.msk.s32 $0xffff, v5;
	_ =	sdelay $0x2  }
0x2d: {  	v5 =	vmov s4  }
0x2e: {  	v5 =	vadd.s32 $0xFFFFFFFF, v5  }
0x2f: {  	v5 =	vbroadcast v5, $0x0  }
0x30: {  	v9, _, _ =	vpop (xrf0)  }
0x31: {  	v10 =	vadd.s32 v9, v5;
	v5 =	vxor.u32 $0x80000000, v9  }
0x32: {  	s5 =	sshll.u32 s31, $0x6;
	vm2 =	vlt.s32 v10, $0x40;
	(xrf0) =	vmax.scan.msk.u32 $0xffff, v5  }
0x33: {  	v5 =	vmov s5;
	vm1 =	vmand vm1, vm2  }
0x34: {  	v9 =	vadd.s32 v5, v10;
	_ =	sdelay $0x2  }
0x35: {  	s9 =	sor.u32 s6, s4;
	s7 =	simm.s32 $0x10;
	s8 =	simm.s32 $0x40  }
0x36: {  	s10 =	sand.u32 $0x70, s7;
	s11 =	sand.u32 $0x3E00, s8;
	v10 =	vor.u32 s9, v0;
	v11, _, _ =	vpop (xrf0)  }
0x37: {  	s10 =	sor.u32 s10, s11;
	s9 =	simm.s32 $0x20;
	[tilespmem:v9+s26+$0x0] =	vst.idx.msk vm1, v10;
	(v2sf) =	vpush v11, $0xF  }
.LBB2_3:
0x38: {  	p0 =	sne.s32 s9, $0xFF0;
	v9 =	vld [tilespmem:s10+$0x80]  }
0x39: {  	v10 =	vld [tilespmem:s10+$0x0];
	_ =	sdelay $0x1  }
0x3a: {  	v11 =	vld [tilespmem:s10+$0x100];
	_ =	sdelay $0x2  }
0x3b: {  	v9 =	vsub.f32 v9, v7;
	v10 =	vsub.f32 v10, v6;
	_ =	sdelay $0x1  }
0x3c: {  	v9 =	vmul.f32 v9, v9;
	v11 =	vsub.f32 v11, v8;
	v10 =	vmul.f32 v10, v10;
	_ =	sdelay $0x1  }
0x3d: {  	v9 =	vadd.f32 v9, v10;
	v10 =	vmul.f32 v11, v11;
	_ =	sdelay $0x1  }
0x3e: {  	v9 =	vadd.f32 v10, v9;
	_ =	sdelay $0x1  }
0x3f: {  	vm1 =	vle.f32 v9, $3.999999910e-02;
	s10 =	spop (v2sf)  }
0x40: {  	v9 =	vsel vm1, $0x1, v1;
	s4 =	sadd.s32 s10, s4  }
0x41: {  	(xrf0) =	vadd.scan.msk.s32 $0xffff, v9;
	s4 =	sadd.s32 $0x80000000, s4  }
0x42: {  	v9 =	vmov s4  }
0x43: {  	v9 =	vadd.s32 $0xFFFFFFFF, v9  }
0x44: {  	v9 =	vbroadcast v9, $0x0;
	_ =	sdelay $0x2  }
0x45: {  	v10, _, _ =	vpop (xrf0)  }
0x46: {  	v9 =	vadd.s32 v10, v9;
	v10 =	vxor.u32 $0x80000000, v10  }
0x47: {  	vm2 =	vlt.s32 v9, $0x40;
	v9 =	vadd.s32 v5, v9;
	(xrf0) =	vmax.scan.msk.u32 $0xffff, v10  }
0x48: {  	vm1 =	vmand vm1, vm2;
	_ =	sdelay $0x1  }
.Ltmp0:
0x49: {  	(pc) =	sbr.rel @p0 .LBB2_3-.Ltmp0, $4  }
0x4a: {  	_ = 	snop  }
0x4b: {  	s8 =	sadd.s32 $0x40, s8;
	s10 =	sor.u32 s6, s7;
	s7 =	smov.u32 s9  }
0x4c: {  	s11 =	sand.u32 $0x70, s9;
	s12 =	sand.u32 $0x3E00, s8;
	v10 =	vor.u32 s10, v0;
	v11, _, _ =	vpop (xrf0)  }
0x4d: {  	s9 =	sadd.s32 $0x10, s9;
	s10 =	sor.u32 s11, s12;
	[tilespmem:v9+s26+$0x0] =	vst.idx.msk vm1, v10;
	(v2sf) =	vpush v11, $0xF  }
0x4e: {  	v9 =	vld [tilespmem:s10+$0x80]  }
0x4f: {  	v10 =	vld [tilespmem:s10+$0x0];
	_ =	sdelay $0x1  }
0x50: {  	v11 =	vld [tilespmem:s10+$0x100];
	_ =	sdelay $0x2  }
0x51: {  	v6 =	vsub.f32 v10, v6;
	v7 =	vsub.f32 v9, v7;
	_ =	sdelay $0x1  }
0x52: {  	v8 =	vsub.f32 v11, v8;
	v6 =	vmul.f32 v6, v6;
	v7 =	vmul.f32 v7, v7;
	_ =	sdelay $0x1  }
0x53: {  	v6 =	vadd.f32 v7, v6;
	v7 =	vmul.f32 v8, v8;
	_ =	sdelay $0x1  }
0x54: {  	v6 =	vadd.f32 v7, v6;
	_ =	sdelay $0x1  }
0x55: {  	vm1 =	vle.f32 v6, $3.999999910e-02  }
0x56: {  	v6 =	vsel vm1, $0x1, v1  }
0x57: {  	(xrf0) =	vadd.scan.msk.s32 $0xffff, v6;
	_ =	sdelay $0x5  }
0x58: {  	v6, _, _ =	vpop (xrf0)  }
0x59: {  	v7 =	vxor.u32 $0x80000000, v6  }
0x5a: {  	(xrf0) =	vmax.scan.msk.u32 $0xffff, v7;
	_ =	sdelay $0x5  }
0x5b: {  	s8 =	spop (v2sf);
	v7, _, _ =	vpop (xrf0)  }
0x5c: {  	s4 =	sadd.s32 s8, s4;
	(v2sf) =	vpush v7, $0xF  }
0x5d: {  	s4 =	sadd.s32 $0x80000000, s4  }
0x5e: {  	v7 =	vmov s4  }
0x5f: {  	v7 =	vadd.s32 $0xFFFFFFFF, v7  }
0x60: {  	v7 =	vbroadcast v7, $0x0;
	_ =	sdelay $0x1  }
0x61: {  	v6 =	vadd.s32 v6, v7  }
0x62: {  	vm2 =	vlt.s32 v6, $0x40  }
0x63: {  	vm1 =	vmand vm1, vm2  }
0x64: {  	v5 =	vadd.s32 v5, v6;
	_ =	sdelay $0x2  }
0x65: {  	s7 =	sor.u32 s6, s7  }
0x66: {  	v6 =	vor.u32 s7, v0  }
0x67: {  	s5 =	sand.u32 $0x3FFFFFC0, s5;
	[tilespmem:v5+s26+$0x0] =	vst.idx.msk vm1, v6  }
0x68: {  	v5 =	vld [tilespmem:s5+$0x6000];
	s12 =	spop (v2sf)  }
0x69: {  	s4 =	sadd.s32 s12, s4  }
0x6a: {  	s4 =	sadd.s32 $0x80000000, s4  }
0x6b: {  	v6 =	vld [tilespmem:s5+$0x6010];
	p0 =	slt.s32 s4, $0x40  }
0x6c: {  	v7 =	vld [tilespmem:s5+$0x6020];
	s4 =	simm.s32 @!p0 $0x40  }
0x6d: {  	s31 =	sadd.s32 $0x1, s31;
	v63 =	vld [tilespmem:s5+$0x6030];
	v62 =	vbroadcast v5, $0x0;
	v61 =	vmov s4  }
0x6e: {  	p0 =	sne.s32 s31, $0x40;
	vm1 =	vgt.s32 v61, v0  }
.Ltmp1:
0x6f: {  	v5 =	vsel vm1, v5, v62;
	vm1 =	vgt.s32 v61, v2;
	(pc) =	sbr.rel @p0 .LBB2_2-.Ltmp1, $4  }
0x70: {  	[tilespmem:s5+$0x6000] =	vst v5;
	v5 =	vsel vm1, v6, v62;
	vm1 =	vgt.s32 v61, v3  }
0x71: {  	[tilespmem:s5+$0x6010] =	vst v5;
	v5 =	vsel vm1, v7, v62;
	vm1 =	vgt.s32 v61, v4  }
0x72: {  	[tilespmem:s5+$0x6020] =	vst v5;
	v5 =	vsel vm1, v63, v62  }
0x73: {  	[tilespmem:s5+$0x6030] =	vst v5  }
0x74: {  	[tilespmem:s29], [sflag:$0x1] =	stream.indirect.gather [hbm4b:s2+s28], $0x80, s26, s28, $0xb8;
	[tilespmem:$0x17000] =	vst v63  }
0x75: {  	_ =	swait.ge [sflag:s30], $0x8000  }
0x76: {  	[sflag:s30] =	ssyncset.done $0x0  }
0x77: {  	s4 =	simm.s32 $0x6100;
	[sflag:s30] =	ssyncadd.s32 $0xFFFF8000  }
0x78: {  	[tilespmem:s0], [sflag:$0x2] =	stream.indirect.gather [hbm4b:s2+s28], $0x80, s4, s28, $0xb8;
	[tilespmem:$0x17000] =	vst v63  }
0x79: {  	v5 =	vld [tilespmem:$0x4000];
	_ =	sdelay $0x4  }
0x7a: {  	s5 =	simm.s32 $0x200;
	s4 =	simm.s32 $0x0;
	v5 =	vnsel vm0, $0x0, v5  }
.LBB2_6:
0x7b: {  	p0 =	sne.s32 s5, $0x7E00;
	v6 =	vld [tilespmem:s4+$0x7000];
	_ =	sdelay $0x2  }
.Ltmp2:
0x7c: {  	(pc) =	sbr.rel @p0 .LBB2_6-.Ltmp2, $3  }
0x7d: {  	_ = 	snop  }
0x7e: {  	v6 =	vsub.f32 v6, v5;
	_ =	sdelay $0x1  }
0x7f: {  	[tilespmem:s4+$0x7000] =	vst v6;
	s4 =	sshra.s32 s5, $0x2;
	s5 =	sadd.s32 $0x200, s5  }
0x80: {  	v6 =	vld [tilespmem:s4+$0x7000];
	_ =	sdelay $0x4  }
0x81: {  	v5 =	vsub.f32 v6, v5;
	_ =	sdelay $0x1  }
0x82: {  	[tilespmem:s4+$0x7000] =	vst v5  }
0x83: {  	v5 =	vld [tilespmem:$0x4080];
	_ =	sdelay $0x4  }
0x84: {  	s5 =	simm.s32 $0x200;
	s4 =	simm.s32 $0x0;
	v5 =	vnsel vm0, $0x0, v5  }
.LBB2_8:
0x85: {  	p0 =	sne.s32 s5, $0x7E00;
	v6 =	vld [tilespmem:s4+$0x9000];
	_ =	sdelay $0x2  }
.Ltmp3:
0x86: {  	(pc) =	sbr.rel @p0 .LBB2_8-.Ltmp3, $3  }
0x87: {  	_ = 	snop  }
0x88: {  	v6 =	vsub.f32 v6, v5;
	_ =	sdelay $0x1  }
0x89: {  	[tilespmem:s4+$0x9000] =	vst v6;
	s4 =	sshra.s32 s5, $0x2;
	s5 =	sadd.s32 $0x200, s5  }
0x8a: {  	v6 =	vld [tilespmem:s4+$0x9000];
	_ =	sdelay $0x4  }
0x8b: {  	v5 =	vsub.f32 v6, v5;
	_ =	sdelay $0x1  }
0x8c: {  	[tilespmem:s4+$0x9000] =	vst v5  }
0x8d: {  	v5 =	vld [tilespmem:$0x4100];
	_ =	sdelay $0x4  }
0x8e: {  	s5 =	simm.s32 $0x200;
	s4 =	simm.s32 $0x0;
	v5 =	vnsel vm0, $0x0, v5  }
.LBB2_10:
0x8f: {  	p0 =	sne.s32 s5, $0x7E00;
	v6 =	vld [tilespmem:s4+$0xB000];
	_ =	sdelay $0x2  }
.Ltmp4:
0x90: {  	(pc) =	sbr.rel @p0 .LBB2_10-.Ltmp4, $3  }
0x91: {  	_ = 	snop  }
0x92: {  	v6 =	vsub.f32 v6, v5;
	_ =	sdelay $0x1  }
0x93: {  	[tilespmem:s4+$0xB000] =	vst v6;
	s4 =	sshra.s32 s5, $0x2;
	s5 =	sadd.s32 $0x200, s5  }
0x94: {  	v6 =	vld [tilespmem:s4+$0xB000];
	_ =	sdelay $0x4  }
0x95: {  	v5 =	vsub.f32 v6, v5;
	_ =	sdelay $0x1  }
0x96: {  	[tilespmem:s4+$0xB000] =	vst v5  }
0x97: {  	v5 =	vld [tilespmem:$0x4180];
	_ =	sdelay $0x4  }
0x98: {  	s5 =	simm.s32 $0x200;
	s4 =	simm.s32 $0x0;
	v5 =	vnsel vm0, $0x0, v5  }
.LBB2_12:
0x99: {  	p0 =	sne.s32 s5, $0x7E00;
	v6 =	vld [tilespmem:s4+$0xD000];
	_ =	sdelay $0x2  }
.Ltmp5:
0x9a: {  	(pc) =	sbr.rel @p0 .LBB2_12-.Ltmp5, $3  }
0x9b: {  	_ = 	snop  }
0x9c: {  	v6 =	vsub.f32 v6, v5;
	_ =	sdelay $0x1  }
0x9d: {  	[tilespmem:s4+$0xD000] =	vst v6;
	s4 =	sshra.s32 s5, $0x2;
	s5 =	sadd.s32 $0x200, s5  }
0x9e: {  	v6 =	vld [tilespmem:s4+$0xD000];
	_ =	sdelay $0x4  }
0x9f: {  	v5 =	vsub.f32 v6, v5;
	_ =	sdelay $0x1  }
0xa0: {  	s12 =	simm.s32 $0x0;
	s5 =	rddreg [dreg:$0x7];
	[tilespmem:s4+$0xD000] =	vst v5  }
0xa1: {  	[hbm4b:s5+s12] =	stream.linear.scatter [tilespmem:s29], [sflag:$0x3], $0x8000, $0x38;
	[tilespmem:$0x17000] =	vst v63  }
0xa2: {  	_ =	swait.ge [sflag:s24], $0x8000  }
0xa3: {  	[sflag:s24] =	ssyncset.done $0x0  }
0xa4: {  	[sflag:s24] =	ssyncadd.s32 $0xFFFF8000  }
0xa5: {  	_ =	swait.ge [sflag:s1], $0x8000  }
0xa6: {  	[sflag:s1] =	ssyncset.done $0x0  }
0xa7: {  	s31 =	simm.s32 $0x6200;
	[sflag:s1] =	ssyncadd.s32 $0xFFFF8000  }
0xa8: {  	[tilespmem:s29], [sflag:$0x1] =	stream.indirect.gather [hbm4b:s2+s28], $0x80, s31, s28, $0xb8;
	[tilespmem:$0x17000] =	vst v63  }
0xa9: {  	v5 =	vld [tilespmem:$0x4200];
	_ =	sdelay $0x4  }
0xaa: {  	s4 =	simm.s32 $0x0;
	s5 =	simm.s32 $0x200;
	v5 =	vnsel vm0, $0x0, v5  }
.LBB2_14:
0xab: {  	p0 =	sne.s32 s5, $0x7E00;
	v6 =	vld [tilespmem:s4+$0xF000];
	_ =	sdelay $0x2  }
.Ltmp6:
0xac: {  	(pc) =	sbr.rel @p0 .LBB2_14-.Ltmp6, $3  }
0xad: {  	_ = 	snop  }
0xae: {  	v6 =	vsub.f32 v6, v5;
	_ =	sdelay $0x1  }
0xaf: {  	[tilespmem:s4+$0xF000] =	vst v6;
	s4 =	sshra.s32 s5, $0x2;
	s5 =	sadd.s32 $0x200, s5  }
0xb0: {  	v6 =	vld [tilespmem:s4+$0xF000];
	_ =	sdelay $0x4  }
0xb1: {  	v5 =	vsub.f32 v6, v5;
	_ =	sdelay $0x1  }
0xb2: {  	[tilespmem:s4+$0xF000] =	vst v5  }
0xb3: {  	v5 =	vld [tilespmem:$0x4280];
	_ =	sdelay $0x4  }
0xb4: {  	s5 =	simm.s32 $0x200;
	s4 =	simm.s32 $0x0;
	v5 =	vnsel vm0, $0x0, v5  }
.LBB2_16:
0xb5: {  	p0 =	sne.s32 s5, $0x7E00;
	v6 =	vld [tilespmem:s4+$0x11000];
	_ =	sdelay $0x2  }
.Ltmp7:
0xb6: {  	(pc) =	sbr.rel @p0 .LBB2_16-.Ltmp7, $3  }
0xb7: {  	_ = 	snop  }
0xb8: {  	v6 =	vsub.f32 v6, v5;
	_ =	sdelay $0x1  }
0xb9: {  	[tilespmem:s4+$0x11000] =	vst v6;
	s4 =	sshra.s32 s5, $0x2;
	s5 =	sadd.s32 $0x200, s5  }
0xba: {  	v6 =	vld [tilespmem:s4+$0x11000];
	_ =	sdelay $0x4  }
0xbb: {  	v5 =	vsub.f32 v6, v5;
	_ =	sdelay $0x1  }
0xbc: {  	[tilespmem:s4+$0x11000] =	vst v5  }
0xbd: {  	v5 =	vld [tilespmem:$0x4300];
	_ =	sdelay $0x4  }
0xbe: {  	s5 =	simm.s32 $0x200;
	s4 =	simm.s32 $0x0;
	v5 =	vnsel vm0, $0x0, v5  }
.LBB2_18:
0xbf: {  	p0 =	sne.s32 s5, $0x7E00;
	v6 =	vld [tilespmem:s4+$0x13000];
	_ =	sdelay $0x2  }
.Ltmp8:
0xc0: {  	(pc) =	sbr.rel @p0 .LBB2_18-.Ltmp8, $3  }
0xc1: {  	_ = 	snop  }
0xc2: {  	v6 =	vsub.f32 v6, v5;
	_ =	sdelay $0x1  }
0xc3: {  	[tilespmem:s4+$0x13000] =	vst v6;
	s4 =	sshra.s32 s5, $0x2;
	s5 =	sadd.s32 $0x200, s5  }
0xc4: {  	v6 =	vld [tilespmem:s4+$0x13000];
	_ =	sdelay $0x4  }
0xc5: {  	v5 =	vsub.f32 v6, v5;
	_ =	sdelay $0x1  }
0xc6: {  	[tilespmem:s4+$0x13000] =	vst v5  }
0xc7: {  	v5 =	vld [tilespmem:$0x4380];
	_ =	sdelay $0x4  }
0xc8: {  	s5 =	simm.s32 $0x200;
	s4 =	simm.s32 $0x0;
	v5 =	vnsel vm0, $0x0, v5  }
.LBB2_20:
0xc9: {  	p0 =	sne.s32 s5, $0x7E00;
	v6 =	vld [tilespmem:s4+$0x15000];
	_ =	sdelay $0x2  }
.Ltmp9:
0xca: {  	(pc) =	sbr.rel @p0 .LBB2_20-.Ltmp9, $3  }
0xcb: {  	_ = 	snop  }
0xcc: {  	v6 =	vsub.f32 v6, v5;
	_ =	sdelay $0x1  }
0xcd: {  	[tilespmem:s4+$0x15000] =	vst v6;
	s4 =	sshra.s32 s5, $0x2;
	s5 =	sadd.s32 $0x200, s5  }
0xce: {  	v6 =	vld [tilespmem:s4+$0x15000];
	_ =	sdelay $0x4  }
0xcf: {  	v5 =	vsub.f32 v6, v5;
	_ =	sdelay $0x1  }
0xd0: {  	s12 =	simm.s32 $0x0;
	s5 =	rddreg [dreg:$0x8];
	[tilespmem:s4+$0x15000] =	vst v5  }
0xd1: {  	[hbm4b:s5+s12] =	stream.linear.scatter [tilespmem:s0], [sflag:$0x3], $0x8000, $0x38;
	[tilespmem:$0x17000] =	vst v63  }
0xd2: {  	_ =	swait.ge [sflag:s24], $0x8000  }
0xd3: {  	[sflag:s24] =	ssyncset.done $0x0  }
0xd4: {  	[sflag:s24] =	ssyncadd.s32 $0xFFFF8000  }
0xd5: {  	_ =	swait.ge [sflag:s30], $0x8000  }
0xd6: {  	[sflag:s30] =	ssyncset.done $0x0  }
0xd7: {  	s31 =	simm.s32 $0x6300;
	[sflag:s30] =	ssyncadd.s32 $0xFFFF8000  }
0xd8: {  	[tilespmem:s0], [sflag:$0x2] =	stream.indirect.gather [hbm4b:s2+s28], $0x80, s31, s28, $0xb8;
	[tilespmem:$0x17000] =	vst v63  }
0xd9: {  	v5 =	vld [tilespmem:$0x4400];
	_ =	sdelay $0x4  }
0xda: {  	s4 =	simm.s32 $0x0;
	s5 =	simm.s32 $0x200;
	v5 =	vnsel vm0, $0x0, v5  }
.LBB2_22:
0xdb: {  	p0 =	sne.s32 s5, $0x7E00;
	v6 =	vld [tilespmem:s4+$0x7000];
	_ =	sdelay $0x2  }
.Ltmp10:
0xdc: {  	(pc) =	sbr.rel @p0 .LBB2_22-.Ltmp10, $3  }
0xdd: {  	_ = 	snop  }
0xde: {  	v6 =	vsub.f32 v6, v5;
	_ =	sdelay $0x1  }
0xdf: {  	[tilespmem:s4+$0x7000] =	vst v6;
	s4 =	sshra.s32 s5, $0x2;
	s5 =	sadd.s32 $0x200, s5  }
0xe0: {  	v6 =	vld [tilespmem:s4+$0x7000];
	_ =	sdelay $0x4  }
0xe1: {  	v5 =	vsub.f32 v6, v5;
	_ =	sdelay $0x1  }
0xe2: {  	[tilespmem:s4+$0x7000] =	vst v5  }
0xe3: {  	v5 =	vld [tilespmem:$0x4480];
	_ =	sdelay $0x4  }
0xe4: {  	s5 =	simm.s32 $0x200;
	s4 =	simm.s32 $0x0;
	v5 =	vnsel vm0, $0x0, v5  }
.LBB2_24:
0xe5: {  	p0 =	sne.s32 s5, $0x7E00;
	v6 =	vld [tilespmem:s4+$0x9000];
	_ =	sdelay $0x2  }
.Ltmp11:
0xe6: {  	(pc) =	sbr.rel @p0 .LBB2_24-.Ltmp11, $3  }
0xe7: {  	_ = 	snop  }
0xe8: {  	v6 =	vsub.f32 v6, v5;
	_ =	sdelay $0x1  }
0xe9: {  	[tilespmem:s4+$0x9000] =	vst v6;
	s4 =	sshra.s32 s5, $0x2;
	s5 =	sadd.s32 $0x200, s5  }
0xea: {  	v6 =	vld [tilespmem:s4+$0x9000];
	_ =	sdelay $0x4  }
0xeb: {  	v5 =	vsub.f32 v6, v5;
	_ =	sdelay $0x1  }
0xec: {  	[tilespmem:s4+$0x9000] =	vst v5  }
0xed: {  	v5 =	vld [tilespmem:$0x4500];
	_ =	sdelay $0x4  }
0xee: {  	s5 =	simm.s32 $0x200;
	s4 =	simm.s32 $0x0;
	v5 =	vnsel vm0, $0x0, v5  }
.LBB2_26:
0xef: {  	p0 =	sne.s32 s5, $0x7E00;
	v6 =	vld [tilespmem:s4+$0xB000];
	_ =	sdelay $0x2  }
.Ltmp12:
0xf0: {  	(pc) =	sbr.rel @p0 .LBB2_26-.Ltmp12, $3  }
0xf1: {  	_ = 	snop  }
0xf2: {  	v6 =	vsub.f32 v6, v5;
	_ =	sdelay $0x1  }
0xf3: {  	[tilespmem:s4+$0xB000] =	vst v6;
	s4 =	sshra.s32 s5, $0x2;
	s5 =	sadd.s32 $0x200, s5  }
0xf4: {  	v6 =	vld [tilespmem:s4+$0xB000];
	_ =	sdelay $0x4  }
0xf5: {  	v5 =	vsub.f32 v6, v5;
	_ =	sdelay $0x1  }
0xf6: {  	[tilespmem:s4+$0xB000] =	vst v5  }
0xf7: {  	v5 =	vld [tilespmem:$0x4580];
	_ =	sdelay $0x4  }
0xf8: {  	s5 =	simm.s32 $0x200;
	s4 =	simm.s32 $0x0;
	v5 =	vnsel vm0, $0x0, v5  }
.LBB2_28:
0xf9: {  	p0 =	sne.s32 s5, $0x7E00;
	v6 =	vld [tilespmem:s4+$0xD000];
	_ =	sdelay $0x2  }
.Ltmp13:
0xfa: {  	(pc) =	sbr.rel @p0 .LBB2_28-.Ltmp13, $3  }
0xfb: {  	_ = 	snop  }
0xfc: {  	v6 =	vsub.f32 v6, v5;
	_ =	sdelay $0x1  }
0xfd: {  	[tilespmem:s4+$0xD000] =	vst v6;
	s4 =	sshra.s32 s5, $0x2;
	s5 =	sadd.s32 $0x200, s5  }
0xfe: {  	v6 =	vld [tilespmem:s4+$0xD000];
	_ =	sdelay $0x4  }
0xff: {  	v5 =	vsub.f32 v6, v5;
	_ =	sdelay $0x1  }
0x100: {  	s12 =	simm.s32 $0x0;
	s5 =	rddreg [dreg:$0x9];
	[tilespmem:s4+$0xD000] =	vst v5  }
0x101: {  	[hbm4b:s5+s12] =	stream.linear.scatter [tilespmem:s29], [sflag:$0x3], $0x8000, $0x38;
	[tilespmem:$0x17000] =	vst v63  }
0x102: {  	_ =	swait.ge [sflag:s24], $0x8000  }
0x103: {  	[sflag:s24] =	ssyncset.done $0x0  }
0x104: {  	[sflag:s24] =	ssyncadd.s32 $0xFFFF8000  }
0x105: {  	_ =	swait.ge [sflag:s1], $0x8000  }
0x106: {  	[sflag:s1] =	ssyncset.done $0x0  }
0x107: {  	s31 =	simm.s32 $0x6400;
	[sflag:s1] =	ssyncadd.s32 $0xFFFF8000  }
0x108: {  	[tilespmem:s29], [sflag:$0x1] =	stream.indirect.gather [hbm4b:s2+s28], $0x80, s31, s28, $0xb8;
	[tilespmem:$0x17000] =	vst v63  }
0x109: {  	v5 =	vld [tilespmem:$0x4600];
	_ =	sdelay $0x4  }
0x10a: {  	s4 =	simm.s32 $0x0;
	s5 =	simm.s32 $0x200;
	v5 =	vnsel vm0, $0x0, v5  }
.LBB2_30:
0x10b: {  	p0 =	sne.s32 s5, $0x7E00;
	v6 =	vld [tilespmem:s4+$0xF000];
	_ =	sdelay $0x2  }
.Ltmp14:
0x10c: {  	(pc) =	sbr.rel @p0 .LBB2_30-.Ltmp14, $3  }
0x10d: {  	_ = 	snop  }
0x10e: {  	v6 =	vsub.f32 v6, v5;
	_ =	sdelay $0x1  }
0x10f: {  	[tilespmem:s4+$0xF000] =	vst v6;
	s4 =	sshra.s32 s5, $0x2;
	s5 =	sadd.s32 $0x200, s5  }
0x110: {  	v6 =	vld [tilespmem:s4+$0xF000];
	_ =	sdelay $0x4  }
0x111: {  	v5 =	vsub.f32 v6, v5;
	_ =	sdelay $0x1  }
0x112: {  	[tilespmem:s4+$0xF000] =	vst v5  }
0x113: {  	v5 =	vld [tilespmem:$0x4680];
	_ =	sdelay $0x4  }
0x114: {  	s5 =	simm.s32 $0x200;
	s4 =	simm.s32 $0x0;
	v5 =	vnsel vm0, $0x0, v5  }
.LBB2_32:
0x115: {  	p0 =	sne.s32 s5, $0x7E00;
	v6 =	vld [tilespmem:s4+$0x11000];
	_ =	sdelay $0x2  }
.Ltmp15:
0x116: {  	(pc) =	sbr.rel @p0 .LBB2_32-.Ltmp15, $3  }
0x117: {  	_ = 	snop  }
0x118: {  	v6 =	vsub.f32 v6, v5;
	_ =	sdelay $0x1  }
0x119: {  	[tilespmem:s4+$0x11000] =	vst v6;
	s4 =	sshra.s32 s5, $0x2;
	s5 =	sadd.s32 $0x200, s5  }
0x11a: {  	v6 =	vld [tilespmem:s4+$0x11000];
	_ =	sdelay $0x4  }
0x11b: {  	v5 =	vsub.f32 v6, v5;
	_ =	sdelay $0x1  }
0x11c: {  	[tilespmem:s4+$0x11000] =	vst v5  }
0x11d: {  	v5 =	vld [tilespmem:$0x4700];
	_ =	sdelay $0x4  }
0x11e: {  	s5 =	simm.s32 $0x200;
	s4 =	simm.s32 $0x0;
	v5 =	vnsel vm0, $0x0, v5  }
.LBB2_34:
0x11f: {  	p0 =	sne.s32 s5, $0x7E00;
	v6 =	vld [tilespmem:s4+$0x13000];
	_ =	sdelay $0x2  }
.Ltmp16:
0x120: {  	(pc) =	sbr.rel @p0 .LBB2_34-.Ltmp16, $3  }
0x121: {  	_ = 	snop  }
0x122: {  	v6 =	vsub.f32 v6, v5;
	_ =	sdelay $0x1  }
0x123: {  	[tilespmem:s4+$0x13000] =	vst v6;
	s4 =	sshra.s32 s5, $0x2;
	s5 =	sadd.s32 $0x200, s5  }
0x124: {  	v6 =	vld [tilespmem:s4+$0x13000];
	_ =	sdelay $0x4  }
0x125: {  	v5 =	vsub.f32 v6, v5;
	_ =	sdelay $0x1  }
0x126: {  	[tilespmem:s4+$0x13000] =	vst v5  }
0x127: {  	v5 =	vld [tilespmem:$0x4780];
	_ =	sdelay $0x4  }
0x128: {  	s5 =	simm.s32 $0x200;
	s4 =	simm.s32 $0x0;
	v5 =	vnsel vm0, $0x0, v5  }
.LBB2_36:
0x129: {  	p0 =	sne.s32 s5, $0x7E00;
	v6 =	vld [tilespmem:s4+$0x15000];
	_ =	sdelay $0x2  }
.Ltmp17:
0x12a: {  	(pc) =	sbr.rel @p0 .LBB2_36-.Ltmp17, $3  }
0x12b: {  	_ = 	snop  }
0x12c: {  	v6 =	vsub.f32 v6, v5;
	_ =	sdelay $0x1  }
0x12d: {  	[tilespmem:s4+$0x15000] =	vst v6;
	s4 =	sshra.s32 s5, $0x2;
	s5 =	sadd.s32 $0x200, s5  }
0x12e: {  	v6 =	vld [tilespmem:s4+$0x15000];
	_ =	sdelay $0x4  }
0x12f: {  	v5 =	vsub.f32 v6, v5;
	_ =	sdelay $0x1  }
0x130: {  	s12 =	simm.s32 $0x0;
	s5 =	rddreg [dreg:$0xa];
	[tilespmem:s4+$0x15000] =	vst v5  }
0x131: {  	[hbm4b:s5+s12] =	stream.linear.scatter [tilespmem:s0], [sflag:$0x3], $0x8000, $0x38;
	[tilespmem:$0x17000] =	vst v63  }
0x132: {  	_ =	swait.ge [sflag:s24], $0x8000  }
0x133: {  	[sflag:s24] =	ssyncset.done $0x0  }
0x134: {  	[sflag:s24] =	ssyncadd.s32 $0xFFFF8000  }
0x135: {  	_ =	swait.ge [sflag:s30], $0x8000  }
0x136: {  	[sflag:s30] =	ssyncset.done $0x0  }
0x137: {  	s31 =	simm.s32 $0x6500;
	[sflag:s30] =	ssyncadd.s32 $0xFFFF8000  }
0x138: {  	[tilespmem:s0], [sflag:$0x2] =	stream.indirect.gather [hbm4b:s2+s28], $0x80, s31, s28, $0xb8;
	[tilespmem:$0x17000] =	vst v63  }
0x139: {  	v5 =	vld [tilespmem:$0x4800];
	_ =	sdelay $0x4  }
0x13a: {  	s4 =	simm.s32 $0x0;
	s5 =	simm.s32 $0x200;
	v5 =	vnsel vm0, $0x0, v5  }
.LBB2_38:
0x13b: {  	p0 =	sne.s32 s5, $0x7E00;
	v6 =	vld [tilespmem:s4+$0x7000];
	_ =	sdelay $0x2  }
.Ltmp18:
0x13c: {  	(pc) =	sbr.rel @p0 .LBB2_38-.Ltmp18, $3  }
0x13d: {  	_ = 	snop  }
0x13e: {  	v6 =	vsub.f32 v6, v5;
	_ =	sdelay $0x1  }
0x13f: {  	[tilespmem:s4+$0x7000] =	vst v6;
	s4 =	sshra.s32 s5, $0x2;
	s5 =	sadd.s32 $0x200, s5  }
0x140: {  	v6 =	vld [tilespmem:s4+$0x7000];
	_ =	sdelay $0x4  }
0x141: {  	v5 =	vsub.f32 v6, v5;
	_ =	sdelay $0x1  }
0x142: {  	[tilespmem:s4+$0x7000] =	vst v5  }
0x143: {  	v5 =	vld [tilespmem:$0x4880];
	_ =	sdelay $0x4  }
0x144: {  	s5 =	simm.s32 $0x200;
	s4 =	simm.s32 $0x0;
	v5 =	vnsel vm0, $0x0, v5  }
.LBB2_40:
0x145: {  	p0 =	sne.s32 s5, $0x7E00;
	v6 =	vld [tilespmem:s4+$0x9000];
	_ =	sdelay $0x2  }
.Ltmp19:
0x146: {  	(pc) =	sbr.rel @p0 .LBB2_40-.Ltmp19, $3  }
0x147: {  	_ = 	snop  }
0x148: {  	v6 =	vsub.f32 v6, v5;
	_ =	sdelay $0x1  }
0x149: {  	[tilespmem:s4+$0x9000] =	vst v6;
	s4 =	sshra.s32 s5, $0x2;
	s5 =	sadd.s32 $0x200, s5  }
0x14a: {  	v6 =	vld [tilespmem:s4+$0x9000];
	_ =	sdelay $0x4  }
0x14b: {  	v5 =	vsub.f32 v6, v5;
	_ =	sdelay $0x1  }
0x14c: {  	[tilespmem:s4+$0x9000] =	vst v5  }
0x14d: {  	v5 =	vld [tilespmem:$0x4900];
	_ =	sdelay $0x4  }
0x14e: {  	s5 =	simm.s32 $0x200;
	s4 =	simm.s32 $0x0;
	v5 =	vnsel vm0, $0x0, v5  }
.LBB2_42:
0x14f: {  	p0 =	sne.s32 s5, $0x7E00;
	v6 =	vld [tilespmem:s4+$0xB000];
	_ =	sdelay $0x2  }
.Ltmp20:
0x150: {  	(pc) =	sbr.rel @p0 .LBB2_42-.Ltmp20, $3  }
0x151: {  	_ = 	snop  }
0x152: {  	v6 =	vsub.f32 v6, v5;
	_ =	sdelay $0x1  }
0x153: {  	[tilespmem:s4+$0xB000] =	vst v6;
	s4 =	sshra.s32 s5, $0x2;
	s5 =	sadd.s32 $0x200, s5  }
0x154: {  	v6 =	vld [tilespmem:s4+$0xB000];
	_ =	sdelay $0x4  }
0x155: {  	v5 =	vsub.f32 v6, v5;
	_ =	sdelay $0x1  }
0x156: {  	[tilespmem:s4+$0xB000] =	vst v5  }
0x157: {  	v5 =	vld [tilespmem:$0x4980];
	_ =	sdelay $0x4  }
0x158: {  	s5 =	simm.s32 $0x200;
	s4 =	simm.s32 $0x0;
	v5 =	vnsel vm0, $0x0, v5  }
.LBB2_44:
0x159: {  	p0 =	sne.s32 s5, $0x7E00;
	v6 =	vld [tilespmem:s4+$0xD000];
	_ =	sdelay $0x2  }
.Ltmp21:
0x15a: {  	(pc) =	sbr.rel @p0 .LBB2_44-.Ltmp21, $3  }
0x15b: {  	_ = 	snop  }
0x15c: {  	v6 =	vsub.f32 v6, v5;
	_ =	sdelay $0x1  }
0x15d: {  	[tilespmem:s4+$0xD000] =	vst v6;
	s4 =	sshra.s32 s5, $0x2;
	s5 =	sadd.s32 $0x200, s5  }
0x15e: {  	v6 =	vld [tilespmem:s4+$0xD000];
	_ =	sdelay $0x4  }
0x15f: {  	v5 =	vsub.f32 v6, v5;
	_ =	sdelay $0x1  }
0x160: {  	s12 =	simm.s32 $0x0;
	s5 =	rddreg [dreg:$0xb];
	[tilespmem:s4+$0xD000] =	vst v5  }
0x161: {  	[hbm4b:s5+s12] =	stream.linear.scatter [tilespmem:s29], [sflag:$0x3], $0x8000, $0x38;
	[tilespmem:$0x17000] =	vst v63  }
0x162: {  	_ =	swait.ge [sflag:s24], $0x8000  }
0x163: {  	[sflag:s24] =	ssyncset.done $0x0  }
0x164: {  	[sflag:s24] =	ssyncadd.s32 $0xFFFF8000  }
0x165: {  	_ =	swait.ge [sflag:s1], $0x8000  }
0x166: {  	[sflag:s1] =	ssyncset.done $0x0  }
0x167: {  	s31 =	simm.s32 $0x6600;
	[sflag:s1] =	ssyncadd.s32 $0xFFFF8000  }
0x168: {  	[tilespmem:s29], [sflag:$0x1] =	stream.indirect.gather [hbm4b:s2+s28], $0x80, s31, s28, $0xb8;
	[tilespmem:$0x17000] =	vst v63  }
0x169: {  	v5 =	vld [tilespmem:$0x4A00];
	_ =	sdelay $0x4  }
0x16a: {  	s4 =	simm.s32 $0x0;
	s5 =	simm.s32 $0x200;
	v5 =	vnsel vm0, $0x0, v5  }
.LBB2_46:
0x16b: {  	p0 =	sne.s32 s5, $0x7E00;
	v6 =	vld [tilespmem:s4+$0xF000];
	_ =	sdelay $0x2  }
.Ltmp22:
0x16c: {  	(pc) =	sbr.rel @p0 .LBB2_46-.Ltmp22, $3  }
0x16d: {  	_ = 	snop  }
0x16e: {  	v6 =	vsub.f32 v6, v5;
	_ =	sdelay $0x1  }
0x16f: {  	[tilespmem:s4+$0xF000] =	vst v6;
	s4 =	sshra.s32 s5, $0x2;
	s5 =	sadd.s32 $0x200, s5  }
0x170: {  	v6 =	vld [tilespmem:s4+$0xF000];
	_ =	sdelay $0x4  }
0x171: {  	v5 =	vsub.f32 v6, v5;
	_ =	sdelay $0x1  }
0x172: {  	[tilespmem:s4+$0xF000] =	vst v5  }
0x173: {  	v5 =	vld [tilespmem:$0x4A80];
	_ =	sdelay $0x4  }
0x174: {  	s5 =	simm.s32 $0x200;
	s4 =	simm.s32 $0x0;
	v5 =	vnsel vm0, $0x0, v5  }
.LBB2_48:
0x175: {  	p0 =	sne.s32 s5, $0x7E00;
	v6 =	vld [tilespmem:s4+$0x11000];
	_ =	sdelay $0x2  }
.Ltmp23:
0x176: {  	(pc) =	sbr.rel @p0 .LBB2_48-.Ltmp23, $3  }
0x177: {  	_ = 	snop  }
0x178: {  	v6 =	vsub.f32 v6, v5;
	_ =	sdelay $0x1  }
0x179: {  	[tilespmem:s4+$0x11000] =	vst v6;
	s4 =	sshra.s32 s5, $0x2;
	s5 =	sadd.s32 $0x200, s5  }
0x17a: {  	v6 =	vld [tilespmem:s4+$0x11000];
	_ =	sdelay $0x4  }
0x17b: {  	v5 =	vsub.f32 v6, v5;
	_ =	sdelay $0x1  }
0x17c: {  	[tilespmem:s4+$0x11000] =	vst v5  }
0x17d: {  	v5 =	vld [tilespmem:$0x4B00];
	_ =	sdelay $0x4  }
0x17e: {  	s5 =	simm.s32 $0x200;
	s4 =	simm.s32 $0x0;
	v5 =	vnsel vm0, $0x0, v5  }
.LBB2_50:
0x17f: {  	p0 =	sne.s32 s5, $0x7E00;
	v6 =	vld [tilespmem:s4+$0x13000];
	_ =	sdelay $0x2  }
.Ltmp24:
0x180: {  	(pc) =	sbr.rel @p0 .LBB2_50-.Ltmp24, $3  }
0x181: {  	_ = 	snop  }
0x182: {  	v6 =	vsub.f32 v6, v5;
	_ =	sdelay $0x1  }
0x183: {  	[tilespmem:s4+$0x13000] =	vst v6;
	s4 =	sshra.s32 s5, $0x2;
	s5 =	sadd.s32 $0x200, s5  }
0x184: {  	v6 =	vld [tilespmem:s4+$0x13000];
	_ =	sdelay $0x4  }
0x185: {  	v5 =	vsub.f32 v6, v5;
	_ =	sdelay $0x1  }
0x186: {  	[tilespmem:s4+$0x13000] =	vst v5  }
0x187: {  	v5 =	vld [tilespmem:$0x4B80];
	_ =	sdelay $0x4  }
0x188: {  	s5 =	simm.s32 $0x200;
	s4 =	simm.s32 $0x0;
	v5 =	vnsel vm0, $0x0, v5  }
.LBB2_52:
0x189: {  	p0 =	sne.s32 s5, $0x7E00;
	v6 =	vld [tilespmem:s4+$0x15000];
	_ =	sdelay $0x2  }
.Ltmp25:
0x18a: {  	(pc) =	sbr.rel @p0 .LBB2_52-.Ltmp25, $3  }
0x18b: {  	_ = 	snop  }
0x18c: {  	v6 =	vsub.f32 v6, v5;
	_ =	sdelay $0x1  }
0x18d: {  	[tilespmem:s4+$0x15000] =	vst v6;
	s4 =	sshra.s32 s5, $0x2;
	s5 =	sadd.s32 $0x200, s5  }
0x18e: {  	v6 =	vld [tilespmem:s4+$0x15000];
	_ =	sdelay $0x4  }
0x18f: {  	v5 =	vsub.f32 v6, v5;
	_ =	sdelay $0x1  }
0x190: {  	s12 =	simm.s32 $0x0;
	s5 =	rddreg [dreg:$0xc];
	[tilespmem:s4+$0x15000] =	vst v5  }
0x191: {  	[hbm4b:s5+s12] =	stream.linear.scatter [tilespmem:s0], [sflag:$0x3], $0x8000, $0x38;
	[tilespmem:$0x17000] =	vst v63  }
0x192: {  	_ =	swait.ge [sflag:s24], $0x8000  }
0x193: {  	[sflag:s24] =	ssyncset.done $0x0  }
0x194: {  	[sflag:s24] =	ssyncadd.s32 $0xFFFF8000  }
0x195: {  	_ =	swait.ge [sflag:s30], $0x8000  }
0x196: {  	[sflag:s30] =	ssyncset.done $0x0  }
0x197: {  	s31 =	simm.s32 $0x6700;
	[sflag:s30] =	ssyncadd.s32 $0xFFFF8000  }
0x198: {  	[tilespmem:s0], [sflag:$0x2] =	stream.indirect.gather [hbm4b:s2+s28], $0x80, s31, s28, $0xb8;
	[tilespmem:$0x17000] =	vst v63  }
0x199: {  	v5 =	vld [tilespmem:$0x4C00];
	_ =	sdelay $0x4  }
0x19a: {  	s4 =	simm.s32 $0x0;
	s5 =	simm.s32 $0x200;
	v5 =	vnsel vm0, $0x0, v5  }
.LBB2_54:
0x19b: {  	p0 =	sne.s32 s5, $0x7E00;
	v6 =	vld [tilespmem:s4+$0x7000];
	_ =	sdelay $0x2  }
.Ltmp26:
0x19c: {  	(pc) =	sbr.rel @p0 .LBB2_54-.Ltmp26, $3  }
0x19d: {  	_ = 	snop  }
0x19e: {  	v6 =	vsub.f32 v6, v5;
	_ =	sdelay $0x1  }
0x19f: {  	[tilespmem:s4+$0x7000] =	vst v6;
	s4 =	sshra.s32 s5, $0x2;
	s5 =	sadd.s32 $0x200, s5  }
0x1a0: {  	v6 =	vld [tilespmem:s4+$0x7000];
	_ =	sdelay $0x4  }
0x1a1: {  	v5 =	vsub.f32 v6, v5;
	_ =	sdelay $0x1  }
0x1a2: {  	[tilespmem:s4+$0x7000] =	vst v5  }
0x1a3: {  	v5 =	vld [tilespmem:$0x4C80];
	_ =	sdelay $0x4  }
0x1a4: {  	s5 =	simm.s32 $0x200;
	s4 =	simm.s32 $0x0;
	v5 =	vnsel vm0, $0x0, v5  }
.LBB2_56:
0x1a5: {  	p0 =	sne.s32 s5, $0x7E00;
	v6 =	vld [tilespmem:s4+$0x9000];
	_ =	sdelay $0x2  }
.Ltmp27:
0x1a6: {  	(pc) =	sbr.rel @p0 .LBB2_56-.Ltmp27, $3  }
0x1a7: {  	_ = 	snop  }
0x1a8: {  	v6 =	vsub.f32 v6, v5;
	_ =	sdelay $0x1  }
0x1a9: {  	[tilespmem:s4+$0x9000] =	vst v6;
	s4 =	sshra.s32 s5, $0x2;
	s5 =	sadd.s32 $0x200, s5  }
0x1aa: {  	v6 =	vld [tilespmem:s4+$0x9000];
	_ =	sdelay $0x4  }
0x1ab: {  	v5 =	vsub.f32 v6, v5;
	_ =	sdelay $0x1  }
0x1ac: {  	[tilespmem:s4+$0x9000] =	vst v5  }
0x1ad: {  	v5 =	vld [tilespmem:$0x4D00];
	_ =	sdelay $0x4  }
0x1ae: {  	s5 =	simm.s32 $0x200;
	s4 =	simm.s32 $0x0;
	v5 =	vnsel vm0, $0x0, v5  }
.LBB2_58:
0x1af: {  	p0 =	sne.s32 s5, $0x7E00;
	v6 =	vld [tilespmem:s4+$0xB000];
	_ =	sdelay $0x2  }
.Ltmp28:
0x1b0: {  	(pc) =	sbr.rel @p0 .LBB2_58-.Ltmp28, $3  }
0x1b1: {  	_ = 	snop  }
0x1b2: {  	v6 =	vsub.f32 v6, v5;
	_ =	sdelay $0x1  }
0x1b3: {  	[tilespmem:s4+$0xB000] =	vst v6;
	s4 =	sshra.s32 s5, $0x2;
	s5 =	sadd.s32 $0x200, s5  }
0x1b4: {  	v6 =	vld [tilespmem:s4+$0xB000];
	_ =	sdelay $0x4  }
0x1b5: {  	v5 =	vsub.f32 v6, v5;
	_ =	sdelay $0x1  }
0x1b6: {  	[tilespmem:s4+$0xB000] =	vst v5  }
0x1b7: {  	v5 =	vld [tilespmem:$0x4D80];
	_ =	sdelay $0x4  }
0x1b8: {  	s5 =	simm.s32 $0x200;
	s4 =	simm.s32 $0x0;
	v5 =	vnsel vm0, $0x0, v5  }
.LBB2_60:
0x1b9: {  	p0 =	sne.s32 s5, $0x7E00;
	v6 =	vld [tilespmem:s4+$0xD000];
	_ =	sdelay $0x2  }
.Ltmp29:
0x1ba: {  	(pc) =	sbr.rel @p0 .LBB2_60-.Ltmp29, $3  }
0x1bb: {  	_ = 	snop  }
0x1bc: {  	v6 =	vsub.f32 v6, v5;
	_ =	sdelay $0x1  }
0x1bd: {  	[tilespmem:s4+$0xD000] =	vst v6;
	s4 =	sshra.s32 s5, $0x2;
	s5 =	sadd.s32 $0x200, s5  }
0x1be: {  	v6 =	vld [tilespmem:s4+$0xD000];
	_ =	sdelay $0x4  }
0x1bf: {  	v5 =	vsub.f32 v6, v5;
	_ =	sdelay $0x1  }
0x1c0: {  	s12 =	simm.s32 $0x0;
	[tilespmem:s4+$0xD000] =	vst v5  }
0x1c1: {  	[hbm4b:s13+s12] =	stream.linear.scatter [tilespmem:s29], [sflag:$0x3], $0x8000, $0x38;
	[tilespmem:$0x17000] =	vst v63  }
0x1c2: {  	_ =	swait.ge [sflag:s24], $0x8000  }
0x1c3: {  	[sflag:s24] =	ssyncset.done $0x0  }
0x1c4: {  	[sflag:s24] =	ssyncadd.s32 $0xFFFF8000  }
0x1c5: {  	_ =	swait.ge [sflag:s1], $0x8000  }
0x1c6: {  	[sflag:s1] =	ssyncset.done $0x0  }
0x1c7: {  	s31 =	simm.s32 $0x6800;
	[sflag:s1] =	ssyncadd.s32 $0xFFFF8000  }
0x1c8: {  	[tilespmem:s29], [sflag:$0x1] =	stream.indirect.gather [hbm4b:s2+s28], $0x80, s31, s28, $0xb8;
	[tilespmem:$0x17000] =	vst v63  }
0x1c9: {  	v5 =	vld [tilespmem:$0x4E00];
	_ =	sdelay $0x4  }
0x1ca: {  	s5 =	simm.s32 $0x200;
	s4 =	simm.s32 $0x0;
	v5 =	vnsel vm0, $0x0, v5  }
.LBB2_62:
0x1cb: {  	p0 =	sne.s32 s5, $0x7E00;
	v6 =	vld [tilespmem:s4+$0xF000];
	_ =	sdelay $0x2  }
.Ltmp30:
0x1cc: {  	(pc) =	sbr.rel @p0 .LBB2_62-.Ltmp30, $3  }
0x1cd: {  	_ = 	snop  }
0x1ce: {  	v6 =	vsub.f32 v6, v5;
	_ =	sdelay $0x1  }
0x1cf: {  	[tilespmem:s4+$0xF000] =	vst v6;
	s4 =	sshra.s32 s5, $0x2;
	s5 =	sadd.s32 $0x200, s5  }
0x1d0: {  	v6 =	vld [tilespmem:s4+$0xF000];
	_ =	sdelay $0x4  }
0x1d1: {  	v5 =	vsub.f32 v6, v5;
	_ =	sdelay $0x1  }
0x1d2: {  	[tilespmem:s4+$0xF000] =	vst v5  }
0x1d3: {  	v5 =	vld [tilespmem:$0x4E80];
	_ =	sdelay $0x4  }
0x1d4: {  	s5 =	simm.s32 $0x200;
	s4 =	simm.s32 $0x0;
	v5 =	vnsel vm0, $0x0, v5  }
.LBB2_64:
0x1d5: {  	p0 =	sne.s32 s5, $0x7E00;
	v6 =	vld [tilespmem:s4+$0x11000];
	_ =	sdelay $0x2  }
.Ltmp31:
0x1d6: {  	(pc) =	sbr.rel @p0 .LBB2_64-.Ltmp31, $3  }
0x1d7: {  	_ = 	snop  }
0x1d8: {  	v6 =	vsub.f32 v6, v5;
	_ =	sdelay $0x1  }
0x1d9: {  	[tilespmem:s4+$0x11000] =	vst v6;
	s4 =	sshra.s32 s5, $0x2;
	s5 =	sadd.s32 $0x200, s5  }
0x1da: {  	v6 =	vld [tilespmem:s4+$0x11000];
	_ =	sdelay $0x4  }
0x1db: {  	v5 =	vsub.f32 v6, v5;
	_ =	sdelay $0x1  }
0x1dc: {  	[tilespmem:s4+$0x11000] =	vst v5  }
0x1dd: {  	v5 =	vld [tilespmem:$0x4F00];
	_ =	sdelay $0x4  }
0x1de: {  	s5 =	simm.s32 $0x200;
	s4 =	simm.s32 $0x0;
	v5 =	vnsel vm0, $0x0, v5  }
.LBB2_66:
0x1df: {  	p0 =	sne.s32 s5, $0x7E00;
	v6 =	vld [tilespmem:s4+$0x13000];
	_ =	sdelay $0x2  }
.Ltmp32:
0x1e0: {  	(pc) =	sbr.rel @p0 .LBB2_66-.Ltmp32, $3  }
0x1e1: {  	_ = 	snop  }
0x1e2: {  	v6 =	vsub.f32 v6, v5;
	_ =	sdelay $0x1  }
0x1e3: {  	[tilespmem:s4+$0x13000] =	vst v6;
	s4 =	sshra.s32 s5, $0x2;
	s5 =	sadd.s32 $0x200, s5  }
0x1e4: {  	v6 =	vld [tilespmem:s4+$0x13000];
	_ =	sdelay $0x4  }
0x1e5: {  	v5 =	vsub.f32 v6, v5;
	_ =	sdelay $0x1  }
0x1e6: {  	[tilespmem:s4+$0x13000] =	vst v5  }
0x1e7: {  	v5 =	vld [tilespmem:$0x4F80];
	_ =	sdelay $0x4  }
0x1e8: {  	s5 =	simm.s32 $0x200;
	s4 =	simm.s32 $0x0;
	v5 =	vnsel vm0, $0x0, v5  }
.LBB2_68:
0x1e9: {  	p0 =	sne.s32 s5, $0x7E00;
	v6 =	vld [tilespmem:s4+$0x15000];
	_ =	sdelay $0x2  }
.Ltmp33:
0x1ea: {  	(pc) =	sbr.rel @p0 .LBB2_68-.Ltmp33, $3  }
0x1eb: {  	_ = 	snop  }
0x1ec: {  	v6 =	vsub.f32 v6, v5;
	_ =	sdelay $0x1  }
0x1ed: {  	[tilespmem:s4+$0x15000] =	vst v6;
	s4 =	sshra.s32 s5, $0x2;
	s5 =	sadd.s32 $0x200, s5  }
0x1ee: {  	v6 =	vld [tilespmem:s4+$0x15000];
	_ =	sdelay $0x4  }
0x1ef: {  	v5 =	vsub.f32 v6, v5;
	_ =	sdelay $0x1  }
0x1f0: {  	s12 =	simm.s32 $0x0;
	[tilespmem:s4+$0x15000] =	vst v5  }
0x1f1: {  	[hbm4b:s14+s12] =	stream.linear.scatter [tilespmem:s0], [sflag:$0x3], $0x8000, $0x38;
	[tilespmem:$0x17000] =	vst v63  }
0x1f2: {  	_ =	swait.ge [sflag:s24], $0x8000  }
0x1f3: {  	[sflag:s24] =	ssyncset.done $0x0  }
0x1f4: {  	[sflag:s24] =	ssyncadd.s32 $0xFFFF8000  }
0x1f5: {  	_ =	swait.ge [sflag:s30], $0x8000  }
0x1f6: {  	[sflag:s30] =	ssyncset.done $0x0  }
0x1f7: {  	s31 =	simm.s32 $0x6900;
	[sflag:s30] =	ssyncadd.s32 $0xFFFF8000  }
0x1f8: {  	[tilespmem:s0], [sflag:$0x2] =	stream.indirect.gather [hbm4b:s2+s28], $0x80, s31, s28, $0xb8;
	[tilespmem:$0x17000] =	vst v63  }
0x1f9: {  	v5 =	vld [tilespmem:$0x5000];
	_ =	sdelay $0x4  }
0x1fa: {  	s5 =	simm.s32 $0x200;
	s4 =	simm.s32 $0x0;
	v5 =	vnsel vm0, $0x0, v5  }
.LBB2_70:
0x1fb: {  	p0 =	sne.s32 s5, $0x7E00;
	v6 =	vld [tilespmem:s4+$0x7000];
	_ =	sdelay $0x2  }
.Ltmp34:
0x1fc: {  	(pc) =	sbr.rel @p0 .LBB2_70-.Ltmp34, $3  }
0x1fd: {  	_ = 	snop  }
0x1fe: {  	v6 =	vsub.f32 v6, v5;
	_ =	sdelay $0x1  }
0x1ff: {  	[tilespmem:s4+$0x7000] =	vst v6;
	s4 =	sshra.s32 s5, $0x2;
	s5 =	sadd.s32 $0x200, s5  }
0x200: {  	v6 =	vld [tilespmem:s4+$0x7000];
	_ =	sdelay $0x4  }
0x201: {  	v5 =	vsub.f32 v6, v5;
	_ =	sdelay $0x1  }
0x202: {  	[tilespmem:s4+$0x7000] =	vst v5  }
0x203: {  	v5 =	vld [tilespmem:$0x5080];
	_ =	sdelay $0x4  }
0x204: {  	s5 =	simm.s32 $0x200;
	s4 =	simm.s32 $0x0;
	v5 =	vnsel vm0, $0x0, v5  }
.LBB2_72:
0x205: {  	p0 =	sne.s32 s5, $0x7E00;
	v6 =	vld [tilespmem:s4+$0x9000];
	_ =	sdelay $0x2  }
.Ltmp35:
0x206: {  	(pc) =	sbr.rel @p0 .LBB2_72-.Ltmp35, $3  }
0x207: {  	_ = 	snop  }
0x208: {  	v6 =	vsub.f32 v6, v5;
	_ =	sdelay $0x1  }
0x209: {  	[tilespmem:s4+$0x9000] =	vst v6;
	s4 =	sshra.s32 s5, $0x2;
	s5 =	sadd.s32 $0x200, s5  }
0x20a: {  	v6 =	vld [tilespmem:s4+$0x9000];
	_ =	sdelay $0x4  }
0x20b: {  	v5 =	vsub.f32 v6, v5;
	_ =	sdelay $0x1  }
0x20c: {  	[tilespmem:s4+$0x9000] =	vst v5  }
0x20d: {  	v5 =	vld [tilespmem:$0x5100];
	_ =	sdelay $0x4  }
0x20e: {  	s5 =	simm.s32 $0x200;
	s4 =	simm.s32 $0x0;
	v5 =	vnsel vm0, $0x0, v5  }
.LBB2_74:
0x20f: {  	p0 =	sne.s32 s5, $0x7E00;
	v6 =	vld [tilespmem:s4+$0xB000];
	_ =	sdelay $0x2  }
.Ltmp36:
0x210: {  	(pc) =	sbr.rel @p0 .LBB2_74-.Ltmp36, $3  }
0x211: {  	_ = 	snop  }
0x212: {  	v6 =	vsub.f32 v6, v5;
	_ =	sdelay $0x1  }
0x213: {  	[tilespmem:s4+$0xB000] =	vst v6;
	s4 =	sshra.s32 s5, $0x2;
	s5 =	sadd.s32 $0x200, s5  }
0x214: {  	v6 =	vld [tilespmem:s4+$0xB000];
	_ =	sdelay $0x4  }
0x215: {  	v5 =	vsub.f32 v6, v5;
	_ =	sdelay $0x1  }
0x216: {  	[tilespmem:s4+$0xB000] =	vst v5  }
0x217: {  	v5 =	vld [tilespmem:$0x5180];
	_ =	sdelay $0x4  }
0x218: {  	s5 =	simm.s32 $0x200;
	s4 =	simm.s32 $0x0;
	v5 =	vnsel vm0, $0x0, v5  }
.LBB2_76:
0x219: {  	p0 =	sne.s32 s5, $0x7E00;
	v6 =	vld [tilespmem:s4+$0xD000];
	_ =	sdelay $0x2  }
.Ltmp37:
0x21a: {  	(pc) =	sbr.rel @p0 .LBB2_76-.Ltmp37, $3  }
0x21b: {  	_ = 	snop  }
0x21c: {  	v6 =	vsub.f32 v6, v5;
	_ =	sdelay $0x1  }
0x21d: {  	[tilespmem:s4+$0xD000] =	vst v6;
	s4 =	sshra.s32 s5, $0x2;
	s5 =	sadd.s32 $0x200, s5  }
0x21e: {  	v6 =	vld [tilespmem:s4+$0xD000];
	_ =	sdelay $0x4  }
0x21f: {  	v5 =	vsub.f32 v6, v5;
	_ =	sdelay $0x1  }
0x220: {  	s12 =	simm.s32 $0x0;
	[tilespmem:s4+$0xD000] =	vst v5  }
0x221: {  	[hbm4b:s15+s12] =	stream.linear.scatter [tilespmem:s29], [sflag:$0x3], $0x8000, $0x38;
	[tilespmem:$0x17000] =	vst v63  }
0x222: {  	_ =	swait.ge [sflag:s24], $0x8000  }
0x223: {  	[sflag:s24] =	ssyncset.done $0x0  }
0x224: {  	[sflag:s24] =	ssyncadd.s32 $0xFFFF8000  }
0x225: {  	_ =	swait.ge [sflag:s1], $0x8000  }
0x226: {  	[sflag:s1] =	ssyncset.done $0x0  }
0x227: {  	s31 =	simm.s32 $0x6A00;
	[sflag:s1] =	ssyncadd.s32 $0xFFFF8000  }
0x228: {  	[tilespmem:s29], [sflag:$0x1] =	stream.indirect.gather [hbm4b:s2+s28], $0x80, s31, s28, $0xb8;
	[tilespmem:$0x17000] =	vst v63  }
0x229: {  	v5 =	vld [tilespmem:$0x5200];
	_ =	sdelay $0x4  }
0x22a: {  	s5 =	simm.s32 $0x200;
	s4 =	simm.s32 $0x0;
	v5 =	vnsel vm0, $0x0, v5  }
.LBB2_78:
0x22b: {  	p0 =	sne.s32 s5, $0x7E00;
	v6 =	vld [tilespmem:s4+$0xF000];
	_ =	sdelay $0x2  }
.Ltmp38:
0x22c: {  	(pc) =	sbr.rel @p0 .LBB2_78-.Ltmp38, $3  }
0x22d: {  	_ = 	snop  }
0x22e: {  	v6 =	vsub.f32 v6, v5;
	_ =	sdelay $0x1  }
0x22f: {  	[tilespmem:s4+$0xF000] =	vst v6;
	s4 =	sshra.s32 s5, $0x2;
	s5 =	sadd.s32 $0x200, s5  }
0x230: {  	v6 =	vld [tilespmem:s4+$0xF000];
	_ =	sdelay $0x4  }
0x231: {  	v5 =	vsub.f32 v6, v5;
	_ =	sdelay $0x1  }
0x232: {  	[tilespmem:s4+$0xF000] =	vst v5  }
0x233: {  	v5 =	vld [tilespmem:$0x5280];
	_ =	sdelay $0x4  }
0x234: {  	s5 =	simm.s32 $0x200;
	s4 =	simm.s32 $0x0;
	v5 =	vnsel vm0, $0x0, v5  }
.LBB2_80:
0x235: {  	p0 =	sne.s32 s5, $0x7E00;
	v6 =	vld [tilespmem:s4+$0x11000];
	_ =	sdelay $0x2  }
.Ltmp39:
0x236: {  	(pc) =	sbr.rel @p0 .LBB2_80-.Ltmp39, $3  }
0x237: {  	_ = 	snop  }
0x238: {  	v6 =	vsub.f32 v6, v5;
	_ =	sdelay $0x1  }
0x239: {  	[tilespmem:s4+$0x11000] =	vst v6;
	s4 =	sshra.s32 s5, $0x2;
	s5 =	sadd.s32 $0x200, s5  }
0x23a: {  	v6 =	vld [tilespmem:s4+$0x11000];
	_ =	sdelay $0x4  }
0x23b: {  	v5 =	vsub.f32 v6, v5;
	_ =	sdelay $0x1  }
0x23c: {  	[tilespmem:s4+$0x11000] =	vst v5  }
0x23d: {  	v5 =	vld [tilespmem:$0x5300];
	_ =	sdelay $0x4  }
0x23e: {  	s5 =	simm.s32 $0x200;
	s4 =	simm.s32 $0x0;
	v5 =	vnsel vm0, $0x0, v5  }
.LBB2_82:
0x23f: {  	p0 =	sne.s32 s5, $0x7E00;
	v6 =	vld [tilespmem:s4+$0x13000];
	_ =	sdelay $0x2  }
.Ltmp40:
0x240: {  	(pc) =	sbr.rel @p0 .LBB2_82-.Ltmp40, $3  }
0x241: {  	_ = 	snop  }
0x242: {  	v6 =	vsub.f32 v6, v5;
	_ =	sdelay $0x1  }
0x243: {  	[tilespmem:s4+$0x13000] =	vst v6;
	s4 =	sshra.s32 s5, $0x2;
	s5 =	sadd.s32 $0x200, s5  }
0x244: {  	v6 =	vld [tilespmem:s4+$0x13000];
	_ =	sdelay $0x4  }
0x245: {  	v5 =	vsub.f32 v6, v5;
	_ =	sdelay $0x1  }
0x246: {  	[tilespmem:s4+$0x13000] =	vst v5  }
0x247: {  	v5 =	vld [tilespmem:$0x5380];
	_ =	sdelay $0x4  }
0x248: {  	s5 =	simm.s32 $0x200;
	s4 =	simm.s32 $0x0;
	v5 =	vnsel vm0, $0x0, v5  }
.LBB2_84:
0x249: {  	p0 =	sne.s32 s5, $0x7E00;
	v6 =	vld [tilespmem:s4+$0x15000];
	_ =	sdelay $0x2  }
.Ltmp41:
0x24a: {  	(pc) =	sbr.rel @p0 .LBB2_84-.Ltmp41, $3  }
0x24b: {  	_ = 	snop  }
0x24c: {  	v6 =	vsub.f32 v6, v5;
	_ =	sdelay $0x1  }
0x24d: {  	[tilespmem:s4+$0x15000] =	vst v6;
	s4 =	sshra.s32 s5, $0x2;
	s5 =	sadd.s32 $0x200, s5  }
0x24e: {  	v6 =	vld [tilespmem:s4+$0x15000];
	_ =	sdelay $0x4  }
0x24f: {  	v5 =	vsub.f32 v6, v5;
	_ =	sdelay $0x1  }
0x250: {  	s12 =	simm.s32 $0x0;
	[tilespmem:s4+$0x15000] =	vst v5  }
0x251: {  	[hbm4b:s16+s12] =	stream.linear.scatter [tilespmem:s0], [sflag:$0x3], $0x8000, $0x38;
	[tilespmem:$0x17000] =	vst v63  }
0x252: {  	_ =	swait.ge [sflag:s24], $0x8000  }
0x253: {  	[sflag:s24] =	ssyncset.done $0x0  }
0x254: {  	[sflag:s24] =	ssyncadd.s32 $0xFFFF8000  }
0x255: {  	_ =	swait.ge [sflag:s30], $0x8000  }
0x256: {  	[sflag:s30] =	ssyncset.done $0x0  }
0x257: {  	s31 =	simm.s32 $0x6B00;
	[sflag:s30] =	ssyncadd.s32 $0xFFFF8000  }
0x258: {  	[tilespmem:s0], [sflag:$0x2] =	stream.indirect.gather [hbm4b:s2+s28], $0x80, s31, s28, $0xb8;
	[tilespmem:$0x17000] =	vst v63  }
0x259: {  	v5 =	vld [tilespmem:$0x5400];
	_ =	sdelay $0x4  }
0x25a: {  	s5 =	simm.s32 $0x200;
	s4 =	simm.s32 $0x0;
	v5 =	vnsel vm0, $0x0, v5  }
.LBB2_86:
0x25b: {  	p0 =	sne.s32 s5, $0x7E00;
	v6 =	vld [tilespmem:s4+$0x7000];
	_ =	sdelay $0x2  }
.Ltmp42:
0x25c: {  	(pc) =	sbr.rel @p0 .LBB2_86-.Ltmp42, $3  }
0x25d: {  	_ = 	snop  }
0x25e: {  	v6 =	vsub.f32 v6, v5;
	_ =	sdelay $0x1  }
0x25f: {  	[tilespmem:s4+$0x7000] =	vst v6;
	s4 =	sshra.s32 s5, $0x2;
	s5 =	sadd.s32 $0x200, s5  }
0x260: {  	v6 =	vld [tilespmem:s4+$0x7000];
	_ =	sdelay $0x4  }
0x261: {  	v5 =	vsub.f32 v6, v5;
	_ =	sdelay $0x1  }
0x262: {  	[tilespmem:s4+$0x7000] =	vst v5  }
0x263: {  	v5 =	vld [tilespmem:$0x5480];
	_ =	sdelay $0x4  }
0x264: {  	s5 =	simm.s32 $0x200;
	s4 =	simm.s32 $0x0;
	v5 =	vnsel vm0, $0x0, v5  }
.LBB2_88:
0x265: {  	p0 =	sne.s32 s5, $0x7E00;
	v6 =	vld [tilespmem:s4+$0x9000];
	_ =	sdelay $0x2  }
.Ltmp43:
0x266: {  	(pc) =	sbr.rel @p0 .LBB2_88-.Ltmp43, $3  }
0x267: {  	_ = 	snop  }
0x268: {  	v6 =	vsub.f32 v6, v5;
	_ =	sdelay $0x1  }
0x269: {  	[tilespmem:s4+$0x9000] =	vst v6;
	s4 =	sshra.s32 s5, $0x2;
	s5 =	sadd.s32 $0x200, s5  }
0x26a: {  	v6 =	vld [tilespmem:s4+$0x9000];
	_ =	sdelay $0x4  }
0x26b: {  	v5 =	vsub.f32 v6, v5;
	_ =	sdelay $0x1  }
0x26c: {  	[tilespmem:s4+$0x9000] =	vst v5  }
0x26d: {  	v5 =	vld [tilespmem:$0x5500];
	_ =	sdelay $0x4  }
0x26e: {  	s5 =	simm.s32 $0x200;
	s4 =	simm.s32 $0x0;
	v5 =	vnsel vm0, $0x0, v5  }
.LBB2_90:
0x26f: {  	p0 =	sne.s32 s5, $0x7E00;
	v6 =	vld [tilespmem:s4+$0xB000];
	_ =	sdelay $0x2  }
.Ltmp44:
0x270: {  	(pc) =	sbr.rel @p0 .LBB2_90-.Ltmp44, $3  }
0x271: {  	_ = 	snop  }
0x272: {  	v6 =	vsub.f32 v6, v5;
	_ =	sdelay $0x1  }
0x273: {  	[tilespmem:s4+$0xB000] =	vst v6;
	s4 =	sshra.s32 s5, $0x2;
	s5 =	sadd.s32 $0x200, s5  }
0x274: {  	v6 =	vld [tilespmem:s4+$0xB000];
	_ =	sdelay $0x4  }
0x275: {  	v5 =	vsub.f32 v6, v5;
	_ =	sdelay $0x1  }
0x276: {  	[tilespmem:s4+$0xB000] =	vst v5  }
0x277: {  	v5 =	vld [tilespmem:$0x5580];
	_ =	sdelay $0x4  }
0x278: {  	s5 =	simm.s32 $0x200;
	s4 =	simm.s32 $0x0;
	v5 =	vnsel vm0, $0x0, v5  }
.LBB2_92:
0x279: {  	p0 =	sne.s32 s5, $0x7E00;
	v6 =	vld [tilespmem:s4+$0xD000];
	_ =	sdelay $0x2  }
.Ltmp45:
0x27a: {  	(pc) =	sbr.rel @p0 .LBB2_92-.Ltmp45, $3  }
0x27b: {  	_ = 	snop  }
0x27c: {  	v6 =	vsub.f32 v6, v5;
	_ =	sdelay $0x1  }
0x27d: {  	[tilespmem:s4+$0xD000] =	vst v6;
	s4 =	sshra.s32 s5, $0x2;
	s5 =	sadd.s32 $0x200, s5  }
0x27e: {  	v6 =	vld [tilespmem:s4+$0xD000];
	_ =	sdelay $0x4  }
0x27f: {  	v5 =	vsub.f32 v6, v5;
	_ =	sdelay $0x1  }
0x280: {  	s12 =	simm.s32 $0x0;
	[tilespmem:s4+$0xD000] =	vst v5  }
0x281: {  	[hbm4b:s17+s12] =	stream.linear.scatter [tilespmem:s29], [sflag:$0x3], $0x8000, $0x38;
	[tilespmem:$0x17000] =	vst v63  }
0x282: {  	_ =	swait.ge [sflag:s24], $0x8000  }
0x283: {  	[sflag:s24] =	ssyncset.done $0x0  }
0x284: {  	[sflag:s24] =	ssyncadd.s32 $0xFFFF8000  }
0x285: {  	_ =	swait.ge [sflag:s1], $0x8000  }
0x286: {  	[sflag:s1] =	ssyncset.done $0x0  }
0x287: {  	s31 =	simm.s32 $0x6C00;
	[sflag:s1] =	ssyncadd.s32 $0xFFFF8000  }
0x288: {  	[tilespmem:s29], [sflag:$0x1] =	stream.indirect.gather [hbm4b:s2+s28], $0x80, s31, s28, $0xb8;
	[tilespmem:$0x17000] =	vst v63  }
0x289: {  	v5 =	vld [tilespmem:$0x5600];
	_ =	sdelay $0x4  }
0x28a: {  	s5 =	simm.s32 $0x200;
	s4 =	simm.s32 $0x0;
	v5 =	vnsel vm0, $0x0, v5  }
.LBB2_94:
0x28b: {  	p0 =	sne.s32 s5, $0x7E00;
	v6 =	vld [tilespmem:s4+$0xF000];
	_ =	sdelay $0x2  }
.Ltmp46:
0x28c: {  	(pc) =	sbr.rel @p0 .LBB2_94-.Ltmp46, $3  }
0x28d: {  	_ = 	snop  }
0x28e: {  	v6 =	vsub.f32 v6, v5;
	_ =	sdelay $0x1  }
0x28f: {  	[tilespmem:s4+$0xF000] =	vst v6;
	s4 =	sshra.s32 s5, $0x2;
	s5 =	sadd.s32 $0x200, s5  }
0x290: {  	v6 =	vld [tilespmem:s4+$0xF000];
	_ =	sdelay $0x4  }
0x291: {  	v5 =	vsub.f32 v6, v5;
	_ =	sdelay $0x1  }
0x292: {  	[tilespmem:s4+$0xF000] =	vst v5  }
0x293: {  	v5 =	vld [tilespmem:$0x5680];
	_ =	sdelay $0x4  }
0x294: {  	s5 =	simm.s32 $0x200;
	s4 =	simm.s32 $0x0;
	v5 =	vnsel vm0, $0x0, v5  }
.LBB2_96:
0x295: {  	p0 =	sne.s32 s5, $0x7E00;
	v6 =	vld [tilespmem:s4+$0x11000];
	_ =	sdelay $0x2  }
.Ltmp47:
0x296: {  	(pc) =	sbr.rel @p0 .LBB2_96-.Ltmp47, $3  }
0x297: {  	_ = 	snop  }
0x298: {  	v6 =	vsub.f32 v6, v5;
	_ =	sdelay $0x1  }
0x299: {  	[tilespmem:s4+$0x11000] =	vst v6;
	s4 =	sshra.s32 s5, $0x2;
	s5 =	sadd.s32 $0x200, s5  }
0x29a: {  	v6 =	vld [tilespmem:s4+$0x11000];
	_ =	sdelay $0x4  }
0x29b: {  	v5 =	vsub.f32 v6, v5;
	_ =	sdelay $0x1  }
0x29c: {  	[tilespmem:s4+$0x11000] =	vst v5  }
0x29d: {  	v5 =	vld [tilespmem:$0x5700];
	_ =	sdelay $0x4  }
0x29e: {  	s5 =	simm.s32 $0x200;
	s4 =	simm.s32 $0x0;
	v5 =	vnsel vm0, $0x0, v5  }
.LBB2_98:
0x29f: {  	p0 =	sne.s32 s5, $0x7E00;
	v6 =	vld [tilespmem:s4+$0x13000];
	_ =	sdelay $0x2  }
.Ltmp48:
0x2a0: {  	(pc) =	sbr.rel @p0 .LBB2_98-.Ltmp48, $3  }
0x2a1: {  	_ = 	snop  }
0x2a2: {  	v6 =	vsub.f32 v6, v5;
	_ =	sdelay $0x1  }
0x2a3: {  	[tilespmem:s4+$0x13000] =	vst v6;
	s4 =	sshra.s32 s5, $0x2;
	s5 =	sadd.s32 $0x200, s5  }
0x2a4: {  	v6 =	vld [tilespmem:s4+$0x13000];
	_ =	sdelay $0x4  }
0x2a5: {  	v5 =	vsub.f32 v6, v5;
	_ =	sdelay $0x1  }
0x2a6: {  	[tilespmem:s4+$0x13000] =	vst v5  }
0x2a7: {  	v5 =	vld [tilespmem:$0x5780];
	_ =	sdelay $0x4  }
0x2a8: {  	s5 =	simm.s32 $0x200;
	s4 =	simm.s32 $0x0;
	v5 =	vnsel vm0, $0x0, v5  }
.LBB2_100:
0x2a9: {  	p0 =	sne.s32 s5, $0x7E00;
	v6 =	vld [tilespmem:s4+$0x15000];
	_ =	sdelay $0x2  }
.Ltmp49:
0x2aa: {  	(pc) =	sbr.rel @p0 .LBB2_100-.Ltmp49, $3  }
0x2ab: {  	_ = 	snop  }
0x2ac: {  	v6 =	vsub.f32 v6, v5;
	_ =	sdelay $0x1  }
0x2ad: {  	[tilespmem:s4+$0x15000] =	vst v6;
	s4 =	sshra.s32 s5, $0x2;
	s5 =	sadd.s32 $0x200, s5  }
0x2ae: {  	v6 =	vld [tilespmem:s4+$0x15000];
	_ =	sdelay $0x4  }
0x2af: {  	v5 =	vsub.f32 v6, v5;
	_ =	sdelay $0x1  }
0x2b0: {  	s12 =	simm.s32 $0x0;
	[tilespmem:s4+$0x15000] =	vst v5  }
0x2b1: {  	[hbm4b:s18+s12] =	stream.linear.scatter [tilespmem:s0], [sflag:$0x3], $0x8000, $0x38;
	[tilespmem:$0x17000] =	vst v63  }
0x2b2: {  	_ =	swait.ge [sflag:s24], $0x8000  }
0x2b3: {  	[sflag:s24] =	ssyncset.done $0x0  }
0x2b4: {  	[sflag:s24] =	ssyncadd.s32 $0xFFFF8000  }
0x2b5: {  	_ =	swait.ge [sflag:s30], $0x8000  }
0x2b6: {  	[sflag:s30] =	ssyncset.done $0x0  }
0x2b7: {  	s31 =	simm.s32 $0x6D00;
	[sflag:s30] =	ssyncadd.s32 $0xFFFF8000  }
0x2b8: {  	[tilespmem:s0], [sflag:$0x2] =	stream.indirect.gather [hbm4b:s2+s28], $0x80, s31, s28, $0xb8;
	[tilespmem:$0x17000] =	vst v63  }
0x2b9: {  	v5 =	vld [tilespmem:$0x5800];
	_ =	sdelay $0x4  }
0x2ba: {  	s5 =	simm.s32 $0x200;
	s4 =	simm.s32 $0x0;
	v5 =	vnsel vm0, $0x0, v5  }
.LBB2_102:
0x2bb: {  	p0 =	sne.s32 s5, $0x7E00;
	v6 =	vld [tilespmem:s4+$0x7000];
	_ =	sdelay $0x2  }
.Ltmp50:
0x2bc: {  	(pc) =	sbr.rel @p0 .LBB2_102-.Ltmp50, $3  }
0x2bd: {  	_ = 	snop  }
0x2be: {  	v6 =	vsub.f32 v6, v5;
	_ =	sdelay $0x1  }
0x2bf: {  	[tilespmem:s4+$0x7000] =	vst v6;
	s4 =	sshra.s32 s5, $0x2;
	s5 =	sadd.s32 $0x200, s5  }
0x2c0: {  	v6 =	vld [tilespmem:s4+$0x7000];
	_ =	sdelay $0x4  }
0x2c1: {  	v5 =	vsub.f32 v6, v5;
	_ =	sdelay $0x1  }
0x2c2: {  	[tilespmem:s4+$0x7000] =	vst v5  }
0x2c3: {  	v5 =	vld [tilespmem:$0x5880];
	_ =	sdelay $0x4  }
0x2c4: {  	s5 =	simm.s32 $0x200;
	s4 =	simm.s32 $0x0;
	v5 =	vnsel vm0, $0x0, v5  }
.LBB2_104:
0x2c5: {  	p0 =	sne.s32 s5, $0x7E00;
	v6 =	vld [tilespmem:s4+$0x9000];
	_ =	sdelay $0x2  }
.Ltmp51:
0x2c6: {  	(pc) =	sbr.rel @p0 .LBB2_104-.Ltmp51, $3  }
0x2c7: {  	_ = 	snop  }
0x2c8: {  	v6 =	vsub.f32 v6, v5;
	_ =	sdelay $0x1  }
0x2c9: {  	[tilespmem:s4+$0x9000] =	vst v6;
	s4 =	sshra.s32 s5, $0x2;
	s5 =	sadd.s32 $0x200, s5  }
0x2ca: {  	v6 =	vld [tilespmem:s4+$0x9000];
	_ =	sdelay $0x4  }
0x2cb: {  	v5 =	vsub.f32 v6, v5;
	_ =	sdelay $0x1  }
0x2cc: {  	[tilespmem:s4+$0x9000] =	vst v5  }
0x2cd: {  	v5 =	vld [tilespmem:$0x5900];
	_ =	sdelay $0x4  }
0x2ce: {  	s5 =	simm.s32 $0x200;
	s4 =	simm.s32 $0x0;
	v5 =	vnsel vm0, $0x0, v5  }
.LBB2_106:
0x2cf: {  	p0 =	sne.s32 s5, $0x7E00;
	v6 =	vld [tilespmem:s4+$0xB000];
	_ =	sdelay $0x2  }
.Ltmp52:
0x2d0: {  	(pc) =	sbr.rel @p0 .LBB2_106-.Ltmp52, $3  }
0x2d1: {  	_ = 	snop  }
0x2d2: {  	v6 =	vsub.f32 v6, v5;
	_ =	sdelay $0x1  }
0x2d3: {  	[tilespmem:s4+$0xB000] =	vst v6;
	s4 =	sshra.s32 s5, $0x2;
	s5 =	sadd.s32 $0x200, s5  }
0x2d4: {  	v6 =	vld [tilespmem:s4+$0xB000];
	_ =	sdelay $0x4  }
0x2d5: {  	v5 =	vsub.f32 v6, v5;
	_ =	sdelay $0x1  }
0x2d6: {  	[tilespmem:s4+$0xB000] =	vst v5  }
0x2d7: {  	v5 =	vld [tilespmem:$0x5980];
	_ =	sdelay $0x4  }
0x2d8: {  	s5 =	simm.s32 $0x200;
	s4 =	simm.s32 $0x0;
	v5 =	vnsel vm0, $0x0, v5  }
.LBB2_108:
0x2d9: {  	p0 =	sne.s32 s5, $0x7E00;
	v6 =	vld [tilespmem:s4+$0xD000];
	_ =	sdelay $0x2  }
.Ltmp53:
0x2da: {  	(pc) =	sbr.rel @p0 .LBB2_108-.Ltmp53, $3  }
0x2db: {  	_ = 	snop  }
0x2dc: {  	v6 =	vsub.f32 v6, v5;
	_ =	sdelay $0x1  }
0x2dd: {  	[tilespmem:s4+$0xD000] =	vst v6;
	s4 =	sshra.s32 s5, $0x2;
	s5 =	sadd.s32 $0x200, s5  }
0x2de: {  	v6 =	vld [tilespmem:s4+$0xD000];
	_ =	sdelay $0x4  }
0x2df: {  	v5 =	vsub.f32 v6, v5;
	_ =	sdelay $0x1  }
0x2e0: {  	s12 =	simm.s32 $0x0;
	[tilespmem:s4+$0xD000] =	vst v5  }
0x2e1: {  	[hbm4b:s19+s12] =	stream.linear.scatter [tilespmem:s29], [sflag:$0x3], $0x8000, $0x38;
	[tilespmem:$0x17000] =	vst v63  }
0x2e2: {  	_ =	swait.ge [sflag:s24], $0x8000  }
0x2e3: {  	[sflag:s24] =	ssyncset.done $0x0  }
0x2e4: {  	[sflag:s24] =	ssyncadd.s32 $0xFFFF8000  }
0x2e5: {  	_ =	swait.ge [sflag:s1], $0x8000  }
0x2e6: {  	[sflag:s1] =	ssyncset.done $0x0  }
0x2e7: {  	s31 =	simm.s32 $0x6E00;
	[sflag:s1] =	ssyncadd.s32 $0xFFFF8000  }
0x2e8: {  	[tilespmem:s29], [sflag:$0x1] =	stream.indirect.gather [hbm4b:s2+s28], $0x80, s31, s28, $0xb8;
	[tilespmem:$0x17000] =	vst v63  }
0x2e9: {  	v5 =	vld [tilespmem:$0x5A00];
	_ =	sdelay $0x4  }
0x2ea: {  	s5 =	simm.s32 $0x200;
	s4 =	simm.s32 $0x0;
	v5 =	vnsel vm0, $0x0, v5  }
.LBB2_110:
0x2eb: {  	p0 =	sne.s32 s5, $0x7E00;
	v6 =	vld [tilespmem:s4+$0xF000];
	_ =	sdelay $0x2  }
.Ltmp54:
0x2ec: {  	(pc) =	sbr.rel @p0 .LBB2_110-.Ltmp54, $3  }
0x2ed: {  	_ = 	snop  }
0x2ee: {  	v6 =	vsub.f32 v6, v5;
	_ =	sdelay $0x1  }
0x2ef: {  	[tilespmem:s4+$0xF000] =	vst v6;
	s4 =	sshra.s32 s5, $0x2;
	s5 =	sadd.s32 $0x200, s5  }
0x2f0: {  	v6 =	vld [tilespmem:s4+$0xF000];
	_ =	sdelay $0x4  }
0x2f1: {  	v5 =	vsub.f32 v6, v5;
	_ =	sdelay $0x1  }
0x2f2: {  	[tilespmem:s4+$0xF000] =	vst v5  }
0x2f3: {  	v5 =	vld [tilespmem:$0x5A80];
	_ =	sdelay $0x4  }
0x2f4: {  	s5 =	simm.s32 $0x200;
	s4 =	simm.s32 $0x0;
	v5 =	vnsel vm0, $0x0, v5  }
.LBB2_112:
0x2f5: {  	p0 =	sne.s32 s5, $0x7E00;
	v6 =	vld [tilespmem:s4+$0x11000];
	_ =	sdelay $0x2  }
.Ltmp55:
0x2f6: {  	(pc) =	sbr.rel @p0 .LBB2_112-.Ltmp55, $3  }
0x2f7: {  	_ = 	snop  }
0x2f8: {  	v6 =	vsub.f32 v6, v5;
	_ =	sdelay $0x1  }
0x2f9: {  	[tilespmem:s4+$0x11000] =	vst v6;
	s4 =	sshra.s32 s5, $0x2;
	s5 =	sadd.s32 $0x200, s5  }
0x2fa: {  	v6 =	vld [tilespmem:s4+$0x11000];
	_ =	sdelay $0x4  }
0x2fb: {  	v5 =	vsub.f32 v6, v5;
	_ =	sdelay $0x1  }
0x2fc: {  	[tilespmem:s4+$0x11000] =	vst v5  }
0x2fd: {  	v5 =	vld [tilespmem:$0x5B00];
	_ =	sdelay $0x4  }
0x2fe: {  	s5 =	simm.s32 $0x200;
	s4 =	simm.s32 $0x0;
	v5 =	vnsel vm0, $0x0, v5  }
.LBB2_114:
0x2ff: {  	p0 =	sne.s32 s5, $0x7E00;
	v6 =	vld [tilespmem:s4+$0x13000];
	_ =	sdelay $0x2  }
.Ltmp56:
0x300: {  	(pc) =	sbr.rel @p0 .LBB2_114-.Ltmp56, $3  }
0x301: {  	_ = 	snop  }
0x302: {  	v6 =	vsub.f32 v6, v5;
	_ =	sdelay $0x1  }
0x303: {  	[tilespmem:s4+$0x13000] =	vst v6;
	s4 =	sshra.s32 s5, $0x2;
	s5 =	sadd.s32 $0x200, s5  }
0x304: {  	v6 =	vld [tilespmem:s4+$0x13000];
	_ =	sdelay $0x4  }
0x305: {  	v5 =	vsub.f32 v6, v5;
	_ =	sdelay $0x1  }
0x306: {  	[tilespmem:s4+$0x13000] =	vst v5  }
0x307: {  	v5 =	vld [tilespmem:$0x5B80];
	_ =	sdelay $0x4  }
0x308: {  	s5 =	simm.s32 $0x200;
	s4 =	simm.s32 $0x0;
	v5 =	vnsel vm0, $0x0, v5  }
.LBB2_116:
0x309: {  	p0 =	sne.s32 s5, $0x7E00;
	v6 =	vld [tilespmem:s4+$0x15000];
	_ =	sdelay $0x2  }
.Ltmp57:
0x30a: {  	(pc) =	sbr.rel @p0 .LBB2_116-.Ltmp57, $3  }
0x30b: {  	_ = 	snop  }
0x30c: {  	v6 =	vsub.f32 v6, v5;
	_ =	sdelay $0x1  }
0x30d: {  	[tilespmem:s4+$0x15000] =	vst v6;
	s4 =	sshra.s32 s5, $0x2;
	s5 =	sadd.s32 $0x200, s5  }
0x30e: {  	v6 =	vld [tilespmem:s4+$0x15000];
	_ =	sdelay $0x4  }
0x30f: {  	v5 =	vsub.f32 v6, v5;
	_ =	sdelay $0x1  }
0x310: {  	s12 =	simm.s32 $0x0;
	[tilespmem:s4+$0x15000] =	vst v5  }
0x311: {  	[hbm4b:s20+s12] =	stream.linear.scatter [tilespmem:s0], [sflag:$0x3], $0x8000, $0x38;
	[tilespmem:$0x17000] =	vst v63  }
0x312: {  	_ =	swait.ge [sflag:s24], $0x8000  }
0x313: {  	[sflag:s24] =	ssyncset.done $0x0  }
0x314: {  	[sflag:s24] =	ssyncadd.s32 $0xFFFF8000  }
0x315: {  	_ =	swait.ge [sflag:s30], $0x8000  }
0x316: {  	[sflag:s30] =	ssyncset.done $0x0  }
0x317: {  	s31 =	simm.s32 $0x6F00;
	[sflag:s30] =	ssyncadd.s32 $0xFFFF8000  }
0x318: {  	[tilespmem:s0], [sflag:$0x2] =	stream.indirect.gather [hbm4b:s2+s28], $0x80, s31, s28, $0xb8;
	[tilespmem:$0x17000] =	vst v63  }
0x319: {  	v5 =	vld [tilespmem:$0x5C00];
	_ =	sdelay $0x4  }
0x31a: {  	s5 =	simm.s32 $0x200;
	s4 =	simm.s32 $0x0;
	v5 =	vnsel vm0, $0x0, v5  }
.LBB2_118:
0x31b: {  	p0 =	sne.s32 s5, $0x7E00;
	v6 =	vld [tilespmem:s4+$0x7000];
	_ =	sdelay $0x2  }
.Ltmp58:
0x31c: {  	(pc) =	sbr.rel @p0 .LBB2_118-.Ltmp58, $3  }
0x31d: {  	_ = 	snop  }
0x31e: {  	v6 =	vsub.f32 v6, v5;
	_ =	sdelay $0x1  }
0x31f: {  	[tilespmem:s4+$0x7000] =	vst v6;
	s4 =	sshra.s32 s5, $0x2;
	s5 =	sadd.s32 $0x200, s5  }
0x320: {  	v6 =	vld [tilespmem:s4+$0x7000];
	_ =	sdelay $0x4  }
0x321: {  	v5 =	vsub.f32 v6, v5;
	_ =	sdelay $0x1  }
0x322: {  	[tilespmem:s4+$0x7000] =	vst v5  }
0x323: {  	v5 =	vld [tilespmem:$0x5C80];
	_ =	sdelay $0x4  }
0x324: {  	s5 =	simm.s32 $0x200;
	s4 =	simm.s32 $0x0;
	v5 =	vnsel vm0, $0x0, v5  }
.LBB2_120:
0x325: {  	p0 =	sne.s32 s5, $0x7E00;
	v6 =	vld [tilespmem:s4+$0x9000];
	_ =	sdelay $0x2  }
.Ltmp59:
0x326: {  	(pc) =	sbr.rel @p0 .LBB2_120-.Ltmp59, $3  }
0x327: {  	_ = 	snop  }
0x328: {  	v6 =	vsub.f32 v6, v5;
	_ =	sdelay $0x1  }
0x329: {  	[tilespmem:s4+$0x9000] =	vst v6;
	s4 =	sshra.s32 s5, $0x2;
	s5 =	sadd.s32 $0x200, s5  }
0x32a: {  	v6 =	vld [tilespmem:s4+$0x9000];
	_ =	sdelay $0x4  }
0x32b: {  	v5 =	vsub.f32 v6, v5;
	_ =	sdelay $0x1  }
0x32c: {  	[tilespmem:s4+$0x9000] =	vst v5  }
0x32d: {  	v5 =	vld [tilespmem:$0x5D00];
	_ =	sdelay $0x4  }
0x32e: {  	s5 =	simm.s32 $0x200;
	s4 =	simm.s32 $0x0;
	v5 =	vnsel vm0, $0x0, v5  }
.LBB2_122:
0x32f: {  	p0 =	sne.s32 s5, $0x7E00;
	v6 =	vld [tilespmem:s4+$0xB000];
	_ =	sdelay $0x2  }
.Ltmp60:
0x330: {  	(pc) =	sbr.rel @p0 .LBB2_122-.Ltmp60, $3  }
0x331: {  	_ = 	snop  }
0x332: {  	v6 =	vsub.f32 v6, v5;
	_ =	sdelay $0x1  }
0x333: {  	[tilespmem:s4+$0xB000] =	vst v6;
	s4 =	sshra.s32 s5, $0x2;
	s5 =	sadd.s32 $0x200, s5  }
0x334: {  	v6 =	vld [tilespmem:s4+$0xB000];
	_ =	sdelay $0x4  }
0x335: {  	v5 =	vsub.f32 v6, v5;
	_ =	sdelay $0x1  }
0x336: {  	[tilespmem:s4+$0xB000] =	vst v5  }
0x337: {  	v5 =	vld [tilespmem:$0x5D80];
	_ =	sdelay $0x4  }
0x338: {  	s5 =	simm.s32 $0x200;
	s4 =	simm.s32 $0x0;
	v5 =	vnsel vm0, $0x0, v5  }
.LBB2_124:
0x339: {  	p0 =	sne.s32 s5, $0x7E00;
	v6 =	vld [tilespmem:s4+$0xD000];
	_ =	sdelay $0x2  }
.Ltmp61:
0x33a: {  	(pc) =	sbr.rel @p0 .LBB2_124-.Ltmp61, $3  }
0x33b: {  	_ = 	snop  }
0x33c: {  	v6 =	vsub.f32 v6, v5;
	_ =	sdelay $0x1  }
0x33d: {  	[tilespmem:s4+$0xD000] =	vst v6;
	s4 =	sshra.s32 s5, $0x2;
	s5 =	sadd.s32 $0x200, s5  }
0x33e: {  	v6 =	vld [tilespmem:s4+$0xD000];
	_ =	sdelay $0x4  }
0x33f: {  	v5 =	vsub.f32 v6, v5;
	_ =	sdelay $0x1  }
0x340: {  	s31 =	simm.s32 $0x0;
	[tilespmem:s4+$0xD000] =	vst v5  }
0x341: {  	[hbm4b:s21+s31] =	stream.linear.scatter [tilespmem:s29], [sflag:$0x3], $0x8000, $0x38;
	[tilespmem:$0x17000] =	vst v63  }
0x342: {  	_ =	swait.ge [sflag:s24], $0x8000  }
0x343: {  	[sflag:s24] =	ssyncset.done $0x0  }
0x344: {  	[sflag:s24] =	ssyncadd.s32 $0xFFFF8000  }
0x345: {  	_ =	swait.ge [sflag:s1], $0x8000  }
0x346: {  	[sflag:s1] =	ssyncset.done $0x0  }
0x347: {  	[sflag:s1] =	ssyncadd.s32 $0xFFFF8000  }
0x348: {  	v5 =	vld [tilespmem:$0x5E00];
	_ =	sdelay $0x4  }
0x349: {  	s5 =	simm.s32 $0x200;
	s4 =	simm.s32 $0x0;
	v5 =	vnsel vm0, $0x0, v5  }
.LBB2_126:
0x34a: {  	p0 =	sne.s32 s5, $0x7E00;
	v6 =	vld [tilespmem:s4+$0xF000];
	_ =	sdelay $0x2  }
.Ltmp62:
0x34b: {  	(pc) =	sbr.rel @p0 .LBB2_126-.Ltmp62, $3  }
0x34c: {  	_ = 	snop  }
0x34d: {  	v6 =	vsub.f32 v6, v5;
	_ =	sdelay $0x1  }
0x34e: {  	[tilespmem:s4+$0xF000] =	vst v6;
	s4 =	sshra.s32 s5, $0x2;
	s5 =	sadd.s32 $0x200, s5  }
0x34f: {  	v6 =	vld [tilespmem:s4+$0xF000];
	_ =	sdelay $0x4  }
0x350: {  	v5 =	vsub.f32 v6, v5;
	_ =	sdelay $0x1  }
0x351: {  	[tilespmem:s4+$0xF000] =	vst v5  }
0x352: {  	v5 =	vld [tilespmem:$0x5E80];
	_ =	sdelay $0x4  }
0x353: {  	s5 =	simm.s32 $0x200;
	s4 =	simm.s32 $0x0;
	v5 =	vnsel vm0, $0x0, v5  }
.LBB2_128:
0x354: {  	p0 =	sne.s32 s5, $0x7E00;
	v6 =	vld [tilespmem:s4+$0x11000];
	_ =	sdelay $0x2  }
.Ltmp63:
0x355: {  	(pc) =	sbr.rel @p0 .LBB2_128-.Ltmp63, $3  }
0x356: {  	_ = 	snop  }
0x357: {  	v6 =	vsub.f32 v6, v5;
	_ =	sdelay $0x1  }
0x358: {  	[tilespmem:s4+$0x11000] =	vst v6;
	s4 =	sshra.s32 s5, $0x2;
	s5 =	sadd.s32 $0x200, s5  }
0x359: {  	v6 =	vld [tilespmem:s4+$0x11000];
	_ =	sdelay $0x4  }
0x35a: {  	v5 =	vsub.f32 v6, v5;
	_ =	sdelay $0x1  }
0x35b: {  	[tilespmem:s4+$0x11000] =	vst v5  }
0x35c: {  	v5 =	vld [tilespmem:$0x5F00];
	_ =	sdelay $0x4  }
0x35d: {  	s5 =	simm.s32 $0x200;
	s4 =	simm.s32 $0x0;
	v5 =	vnsel vm0, $0x0, v5  }
.LBB2_130:
0x35e: {  	p0 =	sne.s32 s5, $0x7E00;
	v6 =	vld [tilespmem:s4+$0x13000];
	_ =	sdelay $0x2  }
.Ltmp64:
0x35f: {  	(pc) =	sbr.rel @p0 .LBB2_130-.Ltmp64, $3  }
0x360: {  	_ = 	snop  }
0x361: {  	v6 =	vsub.f32 v6, v5;
	_ =	sdelay $0x1  }
0x362: {  	[tilespmem:s4+$0x13000] =	vst v6;
	s4 =	sshra.s32 s5, $0x2;
	s5 =	sadd.s32 $0x200, s5  }
0x363: {  	v6 =	vld [tilespmem:s4+$0x13000];
	_ =	sdelay $0x4  }
0x364: {  	v5 =	vsub.f32 v6, v5;
	_ =	sdelay $0x1  }
0x365: {  	[tilespmem:s4+$0x13000] =	vst v5  }
0x366: {  	v5 =	vld [tilespmem:$0x5F80];
	_ =	sdelay $0x4  }
0x367: {  	s5 =	simm.s32 $0x200;
	s4 =	simm.s32 $0x0;
	v5 =	vnsel vm0, $0x0, v5  }
.LBB2_132:
0x368: {  	p0 =	sne.s32 s5, $0x7E00;
	v6 =	vld [tilespmem:s4+$0x15000];
	_ =	sdelay $0x2  }
.Ltmp65:
0x369: {  	(pc) =	sbr.rel @p0 .LBB2_132-.Ltmp65, $3  }
0x36a: {  	_ = 	snop  }
0x36b: {  	v6 =	vsub.f32 v6, v5;
	_ =	sdelay $0x1  }
0x36c: {  	[tilespmem:s4+$0x15000] =	vst v6;
	s4 =	sshra.s32 s5, $0x2;
	s5 =	sadd.s32 $0x200, s5  }
0x36d: {  	v6 =	vld [tilespmem:s4+$0x15000];
	_ =	sdelay $0x4  }
0x36e: {  	s25 =	sadd.s32 $0x1, s25;
	v5 =	vsub.f32 v6, v5  }
0x36f: {  	p0 =	sne.s32 s25, s23  }
.Ltmp66:
0x370: {  	[tilespmem:s4+$0x15000] =	vst v5;
	(pc) =	sbr.rel @p0 .LBB2_1-.Ltmp66, $4  }
0x371: {  	[hbm4b:s22+s3] =	stream.linear.scatter [tilespmem:s0], [sflag:$0x3], $0x8000, $0x38;
	[tilespmem:$0x17000] =	vst v63  }
0x372: {  	_ =	swait.ge [sflag:s24], $0x8000  }
0x373: {  	[sflag:s24] =	ssyncset.done $0x0  }
0x374: {  	[sflag:s24] =	ssyncadd.s32 $0xFFFF8000  }
0x375: {  	_ =	sfence.sel $0x180000  }
0x376: {  	[bflag:$0x0] =	sbarrier.arrive $0xFFFF  }
0x377: {  	_ =	strace $0x90000047  }
0x378: {  	s0 =	stileid.u32;
	[bflag:$0x2] =	sbarrier.arrive $0xFFFF  }
0x379: {  	p0 =	sne.s32 s0, $0x0;
	s0 =	rddreg [dreg:$0x4]  }
0x37a: {  	s0 =	sadd.s32 @!p0 $0x100000, s0  }
0x37b: {  	[sflag:s0] =	ssyncadd.tile.s32 @!p0 $0x1;
	_ =	shalt  }
.Lfunc_end2:
_tile_overlayer_lowered:
.L_overlay_start_2:
0x37c: {  	(tag) =	ssettag $0x2  }
0x37d: {  	s0 =	rddreg [dreg:$0x0];
	s2 =	stileid.u32  }
0x37e: {  	s1 =	rddreg [dreg:$0x1];
	p0 =	sne.s32 s2, $0x0  }
0x37f: {  	s3 =	rddreg [dreg:$0x2];
	[bflag:$0x3] =	sbarrier.arrive $0xFFFF;
	s2 =	simm.s32 @!p0 $0x1C03  }
0x380: {  	[timem:s3], [sflag:s2] =	dma.local @!p0 [hbm:s0], s1  }
0x381: {  	s0 =	simm.s32 @!p0 $0x3  }
0x382: {  	_ =	swait.ge @!p0 [sflag:s0], s1  }
0x383: {  	s1 =	ssub.s32 @!p0 $0x0, s1;
	[sflag:s0] =	ssyncset.done @!p0 $0x0  }
0x384: {  	[sflag:s0] =	ssyncadd.s32 @!p0 s1  }
0x385: {  	[bflag:$0x3] =	sbarrier.arrive $0xFFFF  }
0x386: {  	_ =	shalt  }

// kernel: sparse-core-data-format-call.cloned.1.call-start
scs
called_computation_lowered:
.L_overlay_start_0:
0x0: {  	s2 =	sld [smem:$0x3FD9]  }
0x1: {  	s3 =	sld [smem:$0x3FFE];
	_ =	sdelay $0x1  }
0x2: {  	s1 =	srdreg.scid  }
0x3: {  	s0 =	sand.u32 $0x1, s1  }
0x4: {  	s15 =	sshll.u32 s0, $0xA;
	s2 =	sadd.s32 s3, s2  }
0x5: {  	s2 =	sadd.s32 s2, s15  }
0x6: {  	[smem:$0x3FB4] =	sst s2  }
0x7: {  	_ = 	snop  }
0x8: {  	s2 =	sld [smem:$0x3FD0];
	_ =	sdelay $0x2  }
0x9: {  	s16 =	simm.s32 $0xA;
	s4 =	simm.s32 $0x10  }
0xa: {  	[smem:s4], [sflag:s16] =	dma.local [hbm:s2], $0x1  }
0xb: {  	_ =	swait.eq [sflag:s16], $0x1  }
0xc: {  	[sflag:s16] =	ssyncset.done $0x0  }
0xd: {  	[sflag:s16] =	ssyncadd.s32 $0xFFFFFFFF  }
0xe: {  	s17 =	sld [smem:$0x12];
	(tm) =	ssettm $0x1  }
0xf: {  	s18 =	sld [smem:$0x3FFB];
	_ =	sdelay $0x3  }
0x10: {  	_ =	strace s18  }
0x11: {  	s3 =	sld [smem:$0x3FFC];
	_ =	sdelay $0x3  }
0x12: {  	_ =	strace s3  }
0x13: {  	s3 =	sld [smem:$0x3FFD];
	_ =	sdelay $0x3  }
0x14: {  	_ =	strace s3  }
0x15: {  	_ =	strace $0x8FFFFFFF  }
0x16: {  	s19 =	sld [smem:$0x3FDB];
	_ =	sdelay $0x1  }
0x17: {  	s20 =	simm.s32 $_scs_section_size  }
0x18: {  	s5 =	simm.s32 $_size__tile_overlayer_lowered;
	s6 =	simm.s32 $_tile_overlayer_lowered  }
0x19: {  	s23 =	simm.s32 $0x1BFF;
	s22 =	sshll.u32 s6, $0x1;
	s3 =	sadd.s32 s20, s19  }
0x1a: {  	s7 =	simm.s32 $0x0;
	s21 =	sshll.u32 s5, $0x1;
	s5 =	sadd.s32 s22, s3  }
0x1b: {  	[timem:s7], [sflag:s23] =	dma.local [hbm:s5], s21  }
0x1c: {  	_ =	swait.ge [sflag:s23], s21  }
0x1d: {  	s4 =	ssub.s32 $0x0, s21;
	[sflag:s23] =	ssyncset.done $0x0  }
0x1e: {  	[sflag:s23] =	ssyncadd.s32 s4;
	_ =	sdelay $0x1  }
0x1f: {  	s24 =	simm.s32 $0x1B8B  }
0x20: {  	_ =	swait.ge [sflag:s24], $0x1  }
0x21: {  	[sflag:s24] =	ssyncset.done $0x0  }
0x22: {  	s26 =	simm.s32 $0x1B8E;
	s25 =	sld [smem:$0x3FFE];
	[sflag:s24] =	ssyncadd.s32 $0xFFFFFFFF  }
0x23: {  	s27 =	simm.s32 $execute0_lowered;
	[smem:$0x3FD2] =	sst s26  }
0x24: {  	s5 =	sshll.u32 s27, $0x1;
	_ =	strace $0x80000049;
	[dreg:$0x1] =	wrdreg $0xFFFFFFFF  }
0x25: {  	s28 =	simm.s32 $_size_execute0_lowered;
	s3 =	sadd.s32 s3, s5;
	[dreg:$0x0] =	wrdreg $0x0  }
0x26: {  	s5 =	sshll.u32 s28, $0x1;
	[dreg:$0x2] =	wrdreg s3  }
0x27: {  	[dreg:$0x3] =	wrdreg s5  }
0x28: {  	[dreg:$0x4] =	wrdreg $0xC0  }
0x29: {  	_ =	task [dreg:s7], $0x5FFFF  }
0x2a: {  	[dreg:$0x1] =	wrdreg $0xFFFFFFFF  }
0x2b: {  	[dreg:$0x0] =	wrdreg $0x60  }
0x2c: {  	[dreg:$0x2] =	wrdreg s25  }
0x2d: {  	[dreg:$0x3] =	wrdreg s17  }
0x2e: {  	[dreg:$0x4] =	wrdreg $0x9  }
0x2f: {  	_ =	task.clear_ibuf [dreg:s7], $0x5FFFF;
	_ =	strace $0x90000049  }
0x30: {  	s29 =	simm.s32 $0x9;
	_ =	strace $0x8000004B  }
0x31: {  	_ =	swait.ge [sflag:s29], $0x1  }
0x32: {  	[sflag:s29] =	ssyncadd.s32 $0xFFFFFFFF  }
0x33: {  	_ =	strace $0x9000004B  }
0x34: {  	_ =	sfence  }
0x35: {  	s30 =	sld [smem:$0x0];
	_ =	sdelay $0x2  }
0x36: {  	s31 =	sshll.u32 s1, $0xD;
	s1 =	sshrl.u32 s1, $0x2  }
0x37: {  	s3 =	sand.u32 $0x4000, s31;
	s1 =	sadd.s32 s1, s30  }
0x38: {  	s0 =	sor.u32 s3, s0;
	s1 =	sshll.u32 s1, $0x11  }
0x39: {  	s0 =	sor.u32 s1, s0  }
0x3a: {  	s0 =	sadd.s32 $0x8F2B, s0  }
0x3b: {  	[sflag:s0] =	ssyncadd.remote.s32 $0x1  }
0x3c: {  	_ =	sfence.sel $0xFFFF  }
0x3d: {  	[dreg:$0x0] =	wrdreg $0xFFFFFFFF;
	(pc) =	sbr.abs _section_cstart, $3  }
0x3e: {  	[dreg:$0x1] =	wrdreg $0xFFFFFFFF  }
0x3f: {  	_ =	task.clear_ibuf [dreg:s7], $0x2FFFF;
	_ =	strace $0x9FFFFFFF  }
0x40: {  	(tm) =	ssettm $0x7FFFFFFF  }
0x41: {  	_ =	shalt  }
tec
execute0_lowered:
.L_overlay_start_1:
0x0: {  	(tag) =	ssettag $0x1  }
0x1: {  	s0 =	stileid.u32;
	s6 =	rddreg [dreg:$0x0]  }
0x2: {  	s2 =	srdreg.scid;
	s3 =	rddreg [dreg:$0x1]  }
0x3: {  	s7 =	simm.s32 $0x1;
	s31 =	simm.s32 $0x2;
	s16 =	simm.s32 $0x0  }
0x4: {  	s10 =	simm.s32 $0x8000;
	s19 =	simm.s32 $0x0;
	s17 =	simm.s32 $0x0  }
0x5: {  	s18 =	simm.s32 $0x0;
	s11 =	simm.s32 $0x0;
	s1 =	sshll.u32 s0, $0x5  }
0x6: {  	s15 =	simm.s32 $0x0;
	s4 =	sand.u32 $0x1, s2;
	s1 =	sand.u32 $0x180, s1  }
0x7: {  	s2 =	rddreg [dreg:$0x2];
	_ =	strace $0x8000004A;
	s5 =	ssub.s32 $0x200, s1  }
0x8: {  	s6 =	sadd.s32 $0x204C00, s6;
	s8 =	ssub.s32 $0x40, s4;
	s30 =	sand.u32 $0x180, s5  }
0x9: {  	s12 =	smov.u32 s4;
	s9 =	sshrl.u32 s8, $0x1;
	p0 =	sne.s32 s30, $0x0  }
.Ltmp0:
0xa: {  	s5 =	sshrl.u32 s5, $0x9;
	s7 =	simm.s32 @!p0 $0x0;
	(pc) =	sbr.rel .LBB1_1-.Ltmp0, $4  }
0xb: {  	s8 =	ssub.s32 s8, s9;
	s7 =	sadd.s32 s7, s5;
	s5 =	simm.s32 $0x1  }
0xc: {  	s13 =	smov.u32 s1;
	s9 =	smul.u32 s7, s8;
	[sflag:s5] =	ssyncpa.u1 $0x0  }
0xd: {  	p0 =	por $0x0, $0x0;
	s7 =	sand.u32 $0x3, s0;
	[sflag:s31] =	ssyncpa.u1 $0x0  }
0xe: {  	s14 =	smov.u32 s7;
	s8 =	sshll.u32 s9, $0x1;
	s9 =	sshllo.u32 s9, $0x1  }
.LBB1_4:
0xf: {  	v5 =	vld [tilespmem:s22+$0xFFFFFFD0];
	[tilespmem:s23+$0x2040 ss:$0x81] =	vst.msk $0xffff, v1  }
0x10: {  	v58 =	vld [tilespmem:s22+$0xFFFFFFE0];
	[tilespmem:s23+$0x2850 ss:$0x81] =	vst.msk $0xffff, v2  }
0x11: {  	s24 =	sshra.s32 s24, $0x2;
	v59 =	vld [tilespmem:s22+$0xFFFFFFF0];
	[tilespmem:s23+$0x3060 ss:$0x81] =	vst.msk $0xffff, v3  }
0x12: {  	v60 =	vld [tilespmem:s22+$0x0];
	[tilespmem:s23+$0x0 ss:$0x81] =	vst.msk $0xffff, v0;
	s21 =	sadd.s32 s24, s21  }
0x13: {  	v61 =	vld [tilespmem:s22+$0x10];
	s31 =	sand.u32 $0x78, s17;
	s26 =	sshll.u32 s19, $0x9;
	s25 =	sshll.u32 s17, $0x3;
	[tilespmem:s21+$0x3870 ss:$0x81] =	vst.msk $0xffff, v4  }
0x14: {  	v62 =	vld [tilespmem:s22+$0x20];
	s27 =	sshll.u32 s19, $0x7;
	s18 =	sshll.u32 s18, $0x14;
	s16 =	sshll.u32 s16, $0xC;
	[tilespmem:s21+$0x810 ss:$0x81] =	vst.msk $0xffff, v5  }
0x15: {  	v63 =	vld [tilespmem:s22+$0xFFFFFFC0];
	s30 =	sand.u32 $0x7, s17;
	s24 =	sand.u32 $0x7000, s26;
	s25 =	sand.u32 $0x7C00, s25;
	[tilespmem:s21+$0x1020 ss:$0x81] =	vst.msk $0xffff, v58  }
0x16: {  	s29 =	sand.u32 $0x200, s27;
	s19 =	sand.u32 $0x180, s27;
	s28 =	sadd.s32 s25, s24;
	[tilespmem:s21+$0x1830 ss:$0x81] =	vst.msk $0xffff, v59  }
0x17: {  	s18 =	sadd.s32 s3, s18;
	s19 =	sor.u32 s31, s19;
	s22 =	sor.u32 s29, s28;
	[tilespmem:s21+$0x2040 ss:$0x81] =	vst.msk $0xffff, v60  }
0x18: {  	s16 =	sadd.s32 s16, s18;
	s19 =	sshrl.u32 s19, $0x3;
	s22 =	sshrl.u32 s22, $0x3;
	[tilespmem:s21+$0x2850 ss:$0x81] =	vst.msk $0xffff, v61  }
0x19: {  	s17 =	sshll.u32 s30, $0x12;
	s16 =	sadd.s32 s19, s16;
	[tilespmem:s21+$0x3060 ss:$0x81] =	vst.msk $0xffff, v62;
	s31 =	sand.u32 $0xFC0, s22  }
0x1a: {  	s17 =	sor.u32 $0x80, s17;
	[tilespmem:s21+$0x0 ss:$0x81] =	vst.msk $0xffff, v63;
	s16 =	sadd.s32 s31, s16  }
0x1b: {  	[hbm4b:s16+s17] =	stream.strided.scatter [tilespmem:s20], [sflag:$0x2], $0x4000, s10, s17, $0x20;
	[tilespmem:$0x10100] =	vst v63  }
.LBB1_5:
0x1c: {  	s20 =	sadd.s32 $0x80, s11  }
0x1d: {  	s16 =	sadd.s32 $0x2, s12;
	s21 =	smov.u32 s12;
	p2 =	sgt.s32 s20, $0xFF  }
0x1e: {  	s21 =	smov.u32 @p2 s16  }
0x1f: {  	s22 =	smov.u32 s13;
	s16 =	sadd.s32 $0x200, s13;
	p3 =	sgt.s32 s21, $0x3F  }
0x20: {  	s22 =	smov.u32 @p3 s16  }
0x21: {  	s23 =	smov.u32 s14;
	s16 =	sadd.s32 $0x4, s14;
	p4 =	sgt.s32 s22, $0x1FF  }
0x22: {  	p1 =	slt.u32 s15, $0x2;
	s23 =	smov.u32 @p4 s16  }
0x23: {  	s19 =	smov.u32 s12;
	s20 =	simm.s32 @p2 $0x0;
	p2 =	sgt.s32 s23, $0x3  }
0x24: {  	s24 =	simm.s32 @!p1 $0x2;
	s23 =	smov.u32 @p2 s7;
	p2 =	sne.s32 s15, s9  }
.Ltmp1:
0x25: {  	s17 =	smov.u32 s13;
	_ =	swait.ge @!p1 [sflag:s24], $0x4000;
	(pc) =	sbr.rel @!p2 .LBB1_6-.Ltmp1, $4  }
0x26: {  	s18 =	smov.u32 s14;
	[sflag:s24] =	ssyncset.done @!p1 $0x0;
	s21 =	smov.u32 @p3 s4  }
0x27: {  	p0 =	por !p0, !p0;
	[sflag:s24] =	ssyncadd.s32 @!p1 $0xFFFFC000;
	s12 =	smov.u32 s21  }
0x28: {  	s22 =	smov.u32 @p4 s1;
	s16 =	smov.u32 s11;
	s11 =	smov.u32 s20  }
0x29: {  	s13 =	smov.u32 s22;
	s15 =	sadd.s32 $0x1, s15;
	s14 =	smov.u32 s23  }
.LBB1_1:
0x2a: {  	p1 =	sge.u32 s15, s8;
	s31 =	sadd.s32 $0xFFFFFFFF, s15  }
0x2b: {  	s20 =	sxor.u32 @!p1 $0xFFFFFFFF, s15;
	s21 =	sand.u32 @!p1 $0x78, s11;
	s22 =	sshll.u32 @!p1 s12, $0x8  }
0x2c: {  	s23 =	sshll.u32 @!p1 s11, $0x3;
	s24 =	sshll.u32 @!p1 s12, $0x7;
	s20 =	sshll.u32 @!p1 s20, $0xE  }
0x2d: {  	s22 =	sand.u32 @!p1 $0x3800, s22;
	s23 =	sand.u32 @!p1 $0x3C00, s23;
	s20 =	sand.u32 @!p1 $0x4000, s20  }
0x2e: {  	s22 =	sadd.s32 @!p1 s22, s23;
	s23 =	sand.u32 @!p1 $0x300, s24;
	s24 =	sand.u32 @!p1 $0x80, s24  }
0x2f: {  	s22 =	sor.u32 @!p1 s23, s22;
	s21 =	sor.u32 @!p1 s21, s24;
	s23 =	sshll.u32 @!p1 s14, $0x14  }
0x30: {  	s24 =	sshll.u32 @!p1 s13, $0xB;
	s22 =	sshrl.u32 @!p1 s22, $0x3;
	s23 =	sadd.s32 @!p1 s6, s23  }
0x31: {  	s21 =	sshrl.u32 @!p1 s21, $0x3;
	s23 =	sadd.s32 @!p1 s24, s23;
	s24 =	sand.u32 @!p1 $0x7, s11  }
0x32: {  	s22 =	sand.u32 @!p1 $0x7E0, s22;
	s21 =	sadd.s32 @!p1 s21, s23;
	s23 =	sshll.u32 @!p1 s24, $0x12  }
0x33: {  	s21 =	sadd.s32 @!p1 s22, s21;
	s22 =	sor.u32 @!p1 $0x80, s23;
	s23 =	simm.s32 @!p1 $0x4000  }
0x34: {  	[tilespmem:s20], [sflag:$0x1] =	stream.strided.gather @!p1 [hbm4b:s21+s22], $0x4000, s23, s22, $0x38;
	[tilespmem:$0x10100] =	vst v63  }
0x35: {  	p1 =	sge.u32 s31, s8  }
.Ltmp2:
0x36: {  	_ = 	snop;
	(pc) =	sbr.rel @p1 .LBB1_5-.Ltmp2, $1  }
0x37: {  	_ =	sdelay $0x3  }
0x38: {  	s20 =	simm.s32 $0x1  }
0x39: {  	_ =	swait.ge [sflag:s5], $0x4000;
	s20 =	simm.s32 @!p0 $0x0  }
0x3a: {  	[sflag:s5] =	ssyncset.done $0x0;
	s21 =	sshll.u32 s20, $0xE  }
0x3b: {  	[sflag:s5] =	ssyncadd.s32 $0xFFFFC000;
	s22 =	sor.u32 $0x40, s21  }
0x3c: {  	s20 =	smul.u32 $0x10200, s20;
	v0 =	vld [tilespmem:s22+$0x30]  }
0x3d: {  	v3 =	vld [tilespmem:s22+$0xFFFFFFD0]  }
0x3e: {  	s20 =	sshrl.u32 s20, $0x2;
	v4 =	vld [tilespmem:s22+$0xFFFFFFE0]  }
0x3f: {  	v5 =	vld [tilespmem:s22+$0xFFFFFFF0];
	s21 =	sor.u32 $0x8000, s20  }
0x40: {  	s31 =	sand.u32 $0x1, s15;
	v1 =	vld [tilespmem:s22+$0x0];
	s23 =	sadd.s32 $0x0, s21  }
0x41: {  	v2 =	vld [tilespmem:s22+$0x10];
	s20 =	smul.u32 $0x10200, s31;
	[tilespmem:s23+$0x3870 ss:$0x81] =	vst.msk $0xffff, v0  }
0x42: {  	[tilespmem:s23+$0x810 ss:$0x81] =	vst.msk $0xffff, v3;
	v3 =	vld [tilespmem:s22+$0x20]  }
0x43: {  	s20 =	sshrl.u32 s20, $0x2;
	v0 =	vld [tilespmem:s22+$0xFFFFFFC0];
	[tilespmem:s23+$0x1020 ss:$0x81] =	vst.msk $0xffff, v4;
	s22 =	sadd.s32 $0x80, s22  }
0x44: {  	s24 =	simm.s32 $0x4;
	s25 =	simm.s32 $0x8;
	s20 =	sor.u32 $0x8000, s20;
	[tilespmem:s23+$0x1830 ss:$0x81] =	vst.msk $0xffff, v5;
	v4 =	vld [tilespmem:s22+$0x30]  }
.LBB1_3:
0x45: {  	p1 =	sne.s32 s25, $0x1FC;
	v5 =	vld [tilespmem:s22+$0xFFFFFFD0];
	[tilespmem:s23+$0x2040 ss:$0x81] =	vst.msk $0xffff, v1  }
0x46: {  	v6 =	vld [tilespmem:s22+$0xFFFFFFE0];
	[tilespmem:s23+$0x2850 ss:$0x81] =	vst.msk $0xffff, v2  }
0x47: {  	s26 =	sshra.s32 s24, $0x2;
	s24 =	smov.u32 s25;
	v7 =	vld [tilespmem:s22+$0xFFFFFFF0];
	[tilespmem:s23+$0x3060 ss:$0x81] =	vst.msk $0xffff, v3  }
.Ltmp3:
0x48: {  	v1 =	vld [tilespmem:s22+$0x0];
	[tilespmem:s23+$0x0 ss:$0x81] =	vst.msk $0xffff, v0;
	s23 =	sadd.s32 s26, s21;
	(pc) =	sbr.rel @p1 .LBB1_3-.Ltmp3, $4  }
0x49: {  	v2 =	vld [tilespmem:s22+$0x10];
	[tilespmem:s23+$0x3870 ss:$0x81] =	vst.msk $0xffff, v4  }
0x4a: {  	[tilespmem:s23+$0x810 ss:$0x81] =	vst.msk $0xffff, v5;
	v3 =	vld [tilespmem:s22+$0x20]  }
0x4b: {  	v0 =	vld [tilespmem:s22+$0xFFFFFFC0];
	[tilespmem:s23+$0x1020 ss:$0x81] =	vst.msk $0xffff, v6;
	s22 =	sadd.s32 $0x80, s22  }
0x4c: {  	s25 =	sadd.s32 $0x4, s25;
	v4 =	vld [tilespmem:s22+$0x30];
	[tilespmem:s23+$0x1830 ss:$0x81] =	vst.msk $0xffff, v7  }
.Ltmp4:
0x4d: {  	_ = 	snop;
	(pc) =	sbr.rel .LBB1_4-.Ltmp4, $1  }
0x4e: {  	_ =	sdelay $0x3  }
.LBB1_6:
0x4f: {  	_ =	sfence.sel $0x180000  }
0x50: {  	s1 =	simm.s32 $0x1;
	[bflag:$0x0] =	sbarrier.arrive $0xFFFF  }
0x51: {  	s31 =	simm.s32 $0x2;
	[sflag:s1] =	ssyncpa.u1 $0x1  }
0x52: {  	[sflag:s31] =	ssyncpa.u1 $0x1  }
0x53: {  	p0 =	sne.s32 s0, $0x0;
	_ =	strace $0x9000004A  }
0x54: {  	s0 =	sadd.s32 @!p0 $0x100000, s2;
	[bflag:$0x2] =	sbarrier.arrive $0xFFFF  }
0x55: {  	[sflag:s0] =	ssyncadd.tile.s32 @!p0 $0x1;
	_ =	shalt  }
.Lfunc_end1:
_tile_overlayer_lowered:
.L_overlay_start_2:
0x56: {  	(tag) =	ssettag $0x2  }
0x57: {  	s0 =	rddreg [dreg:$0x0];
	s2 =	stileid.u32  }
0x58: {  	s1 =	rddreg [dreg:$0x1];
	p0 =	sne.s32 s2, $0x0  }
0x59: {  	s3 =	rddreg [dreg:$0x2];
	[bflag:$0x3] =	sbarrier.arrive $0xFFFF;
	s2 =	simm.s32 @!p0 $0x1C01  }
0x5a: {  	[timem:s3], [sflag:s2] =	dma.local @!p0 [hbm:s0], s1  }
0x5b: {  	s0 =	simm.s32 @!p0 $0x1  }
0x5c: {  	_ =	swait.ge @!p0 [sflag:s0], s1  }
0x5d: {  	s1 =	ssub.s32 @!p0 $0x0, s1;
	[sflag:s0] =	ssyncset.done @!p0 $0x0  }
0x5e: {  	[sflag:s0] =	ssyncadd.s32 @!p0 s1  }
0x5f: {  	[bflag:$0x3] =	sbarrier.arrive $0xFFFF  }
0x60: {  	_ =	shalt  }

</sc_bundles>
